<compile_context>
chip_gen: v7x
topology: tpu7x:2x2x1
jax: 0.10.2.dev20260603
libtpu: 0.0.44.dev20260713+nightly
codegen_flags: <defaults>
</compile_context>

<pallas_src>
import functools

import jax
import jax.numpy as jnp
from jax import lax
from jax.experimental import pallas as pl
from jax.experimental.pallas import tpu as pltpu
from jax.experimental.pallas import tpu_sc as plsc

_NUM_CORES = 2
_NUM_SUBCORES = 16
_NUM_WORKERS = _NUM_CORES * _NUM_SUBCORES
_L = 16


@functools.lru_cache(maxsize=None)
def _make_sc(V, D, B):
    assert B % (_NUM_WORKERS * _L) == 0
    b_per_w = B // _NUM_WORKERS
    mesh = plsc.VectorSubcoreMesh(core_axis_name="c", subcore_axis_name="s")

    @functools.partial(
        pl.kernel,
        mesh=mesh,
        out_type=jax.ShapeDtypeStruct((B, D), jnp.float32),
        scratch_types=[
            pltpu.VMEM_SHARED((8 * V * V, D), jnp.float32),
            pltpu.VMEM((b_per_w,), jnp.int32),
            pltpu.SemaphoreType.DMA,
        ],
    )
    def k(pairs_hbm, idx_hbm, out_hbm, pairs_sh, idx_v, sem):
        sid = lax.axis_index("s")
        wid = sid * _NUM_CORES + lax.axis_index("c")
        base = wid * b_per_w

        @pl.when(sid == 0)
        def _stage():
            pltpu.sync_copy(pairs_hbm, pairs_sh)

        pltpu.sync_copy(idx_hbm.at[pl.ds(base, b_per_w)], idx_v)
        plsc.subcore_barrier()
        handles = []
        for g in range(b_per_w // _L):
            vec = idx_v[pl.ds(g * _L, _L)]
            for j in range(0, _L, 2):
                s = (vec[j] * V + vec[j + 1]) * 8
                handles.append(pltpu.async_copy(
                    pairs_sh.at[pl.ds(s, 2)],
                    out_hbm.at[pl.ds(base + g * _L + j, 2)],
                    sem))
        for h in handles:
            h.wait()

    return k


def kernel(disease_embeds, disease_indices):
    V, D = disease_embeds.shape
    (B,) = disease_indices.shape
    idx = disease_indices.astype(jnp.int32)
    pairs = jnp.stack(
        [jnp.repeat(disease_embeds, V, axis=0),
         jnp.tile(disease_embeds, (V, 1))], axis=1)
    pairs_pad = jnp.pad(pairs, ((0, 0), (0, 6), (0, 0))).reshape(
        8 * V * V, D)
    return _make_sc(V, D, B)(pairs_pad, idx)

# --- scband reference (transcript-rebuilt; emitter-appended) ---
"""Pipeline reference for scband-text-embedder-41197326303862 (READ-ONLY COPY).

The authoritative reference and input builder live on the scoring server;
editing this copy changes nothing except your own understanding.
"""

import jax, jax.numpy as jnp
import numpy as np

NUM_DISEASES = 5
EMBED_DIM = 768
BATCH = 4096

def setup_inputs(seed: int = 0) -> dict:
    key = jax.random.key(seed)
    k1, k2 = jax.random.split(key)
    # Pre-computed disease text embeddings (registered buffer in the torch module).
    disease_embeds = jax.random.normal(k1, (NUM_DISEASES, EMBED_DIM), dtype=jnp.float32)
    disease_indices = jax.random.randint(k2, (BATCH,), 0, NUM_DISEASES, dtype=jnp.int64 if jax.config.jax_enable_x64 else jnp.int32)
    return {"disease_embeds": disease_embeds, "disease_indices": disease_indices}

def reference(disease_embeds, disease_indices):
    # forward: self.disease_embeds[disease_indices]
    return jnp.take(disease_embeds, disease_indices, axis=0)

if __name__ == "__main__":
    import jax
    _d = setup_inputs()
    print(jax.jit(kernel)(*tuple(_d.values())))

</pallas_src>

<mosaic_0001>
#map = affine_map<(d0, d1) -> (0, 0)>
#map1 = affine_map<(d0, d1) -> (0)>
module attributes {stable_mosaic.version = 14 : i64} {
  func.func @k(%arg0: i32, %arg1: i32, %arg2: memref<200x768xf32, #tpu.memory_space<hbm>>, %arg3: memref<4096xi32, #tpu.memory_space<hbm>>, %arg4: memref<4096x768xf32, #tpu.memory_space<hbm>>, %arg5: memref<200x768xf32, #tpu.memory_space<vmem_shared>>, %arg6: memref<128xi32, #tpu.memory_space<vmem>>, %arg7: memref<!tpu.dma_semaphore, #tpu.memory_space<semaphore_mem>>) attributes {dimension_semantics = [#tpu.dimension_semantics<core_parallel>, #tpu.dimension_semantics<subcore_parallel>], iteration_bounds = array<i64: 2, 16>, scalar_prefetch = 0 : i64, scratch_operands = 3 : i64, tpu.core_type = #tpu.core_type<sc_vector_subcore>, window_params = [{transform_indices = #map}, {transform_indices = #map1}, {transform_indices = #map}]} {
    %mul3A = arith.constant 2 : i32
    %mul3A_0 = arith.muli %arg1, %mul3A : i32
    %add3A = arith.addi %mul3A_0, %arg0 : i32
    %mul3A_1 = arith.constant 128 : i32
    %mul3A_2 = arith.muli %add3A, %mul3A_1 : i32
    %eq3A = arith.constant 0 : i32
    %eq3A_3 = arith.cmpi eq, %arg1, %eq3A : i32
    %convert_element_type3A = arith.extui %eq3A_3 : i1 to i32
    %cond3A = arith.constant 0 : i32
    %cond3A_4 = arith.cmpi ne, %convert_element_type3A, %cond3A : i32
    scf.if %cond3A_4 {
      "tpu.region"() ({
        %run_scoped3A = tpu.sem_alloc : memref<!tpu.dma_semaphore, #tpu.memory_space<semaphore_mem>>
        tpu.enqueue_dma source(%arg2 : memref<200x768xf32, #tpu.memory_space<hbm>>) target(%arg5 : memref<200x768xf32, #tpu.memory_space<vmem_shared>>) target_semaphore(%run_scoped3A : memref<!tpu.dma_semaphore, #tpu.memory_space<semaphore_mem>>)
        tpu.wait_dma2 semaphore(%run_scoped3A : memref<!tpu.dma_semaphore, #tpu.memory_space<semaphore_mem>>) src(%arg2 : memref<200x768xf32, #tpu.memory_space<hbm>>) dst(%arg5 : memref<200x768xf32, #tpu.memory_space<vmem_shared>>)
        tpu.yield
      }) : () -> ()
    } else {
    }
    "tpu.region"() ({
      %run_scoped3A = tpu.sem_alloc : memref<!tpu.dma_semaphore, #tpu.memory_space<semaphore_mem>>
      %dma_start3A_1368 = tpu.memref_slice %arg3[%mul3A_2] : memref<4096xi32, #tpu.memory_space<hbm>> -> memref<128xi32, #tpu.memory_space<hbm>>
      %dma_start3A_1369 = tpu.memref_slice %arg3[%mul3A_2] : memref<4096xi32, #tpu.memory_space<hbm>> -> memref<128xi32, #tpu.memory_space<hbm>>
      tpu.enqueue_dma source(%dma_start3A_1369 : memref<128xi32, #tpu.memory_space<hbm>>) target(%arg6 : memref<128xi32, #tpu.memory_space<vmem>>) target_semaphore(%run_scoped3A : memref<!tpu.dma_semaphore, #tpu.memory_space<semaphore_mem>>)
      %dma_wait3A_1370 = tpu.memref_slice %arg3[%mul3A_2] : memref<4096xi32, #tpu.memory_space<hbm>> -> memref<128xi32, #tpu.memory_space<hbm>>
      %dma_wait3A_1371 = tpu.memref_slice %arg3[%mul3A_2] : memref<4096xi32, #tpu.memory_space<hbm>> -> memref<128xi32, #tpu.memory_space<hbm>>
      tpu.wait_dma2 semaphore(%run_scoped3A : memref<!tpu.dma_semaphore, #tpu.memory_space<semaphore_mem>>) src(%dma_wait3A_1371 : memref<128xi32, #tpu.memory_space<hbm>>) dst(%arg6 : memref<128xi32, #tpu.memory_space<vmem>>)
      tpu.yield
    }) : () -> ()
    %barrier3A = arith.constant 0 : index
    tpu.barrier barrier_id(%barrier3A)
    %get3A = arith.constant 0 : index
    %get3A_5 = tpu.vector_load %arg6[%get3A] {strides = array<i32>} : memref<128xi32, #tpu.memory_space<vmem>>, vector<16xi32>,
    %get3A_6 = vector.shape_cast %get3A_5 : vector<16xi32> to vector<16xi32>
    %slice3A = vector.extract_strided_slice %get3A_6 {offsets = [0], sizes = [1], strides = [1]} : vector<16xi32> to vector<1xi32>
    %squeeze3A = vector.extract %slice3A[0] : i32 from vector<1xi32>
    %mul3A_7 = arith.constant 5 : i32
    %mul3A_8 = arith.muli %squeeze3A, %mul3A_7 : i32
    %slice3A_9 = vector.extract_strided_slice %get3A_6 {offsets = [1], sizes = [1], strides = [1]} : vector<16xi32> to vector<1xi32>
    %squeeze3A_10 = vector.extract %slice3A_9[0] : i32 from vector<1xi32>
    %add3A_11 = arith.addi %mul3A_8, %squeeze3A_10 : i32
    %mul3A_12 = arith.constant 8 : i32
    %mul3A_13 = arith.muli %add3A_11, %mul3A_12 : i32
    %add3A_14 = arith.constant 0 : i32
    %add3A_15 = arith.addi %mul3A_2, %add3A_14 : i32
    %add3A_16 = arith.constant 0 : i32
    %add3A_17 = arith.addi %add3A_15, %add3A_16 : i32
    %dma_start3A = arith.constant 0 : i32
    %dma_start3A_18 = tpu.memref_slice %arg4[%add3A_17, %dma_start3A] : memref<4096x768xf32, #tpu.memory_space<hbm>> -> memref<2x768xf32, #tpu.memory_space<hbm>>
    %dma_start3A_19 = arith.constant 0 : i32
    %dma_start3A_20 = tpu.memref_slice %arg5[%mul3A_13, %dma_start3A_19] : memref<200x768xf32, #tpu.memory_space<vmem_shared>> -> memref<2x768xf32, #tpu.memory_space<vmem_shared>>
    tpu.enqueue_dma source(%dma_start3A_20 : memref<2x768xf32, #tpu.memory_space<vmem_shared>>) target(%dma_start3A_18 : memref<2x768xf32, #tpu.memory_space<hbm>>) target_semaphore(%arg7 : memref<!tpu.dma_semaphore, #tpu.memory_space<semaphore_mem>>)
    %slice3A_21 = vector.extract_strided_slice %get3A_6 {offsets = [2], sizes = [1], strides = [1]} : vector<16xi32> to vector<1xi32>
    %squeeze3A_22 = vector.extract %slice3A_21[0] : i32 from vector<1xi32>
    %mul3A_23 = arith.constant 5 : i32
    %mul3A_24 = arith.muli %squeeze3A_22, %mul3A_23 : i32
    %slice3A_25 = vector.extract_strided_slice %get3A_6 {offsets = [3], sizes = [1], strides = [1]} : vector<16xi32> to vector<1xi32>
    %squeeze3A_26 = vector.extract %slice3A_25[0] : i32 from vector<1xi32>
    %add3A_27 = arith.addi %mul3A_24, %squeeze3A_26 : i32
    %mul3A_28 = arith.constant 8 : i32
    %mul3A_29 = arith.muli %add3A_27, %mul3A_28 : i32
    %add3A_30 = arith.constant 0 : i32
    %add3A_31 = arith.addi %mul3A_2, %add3A_30 : i32
    %add3A_32 = arith.constant 2 : i32
    %add3A_33 = arith.addi %add3A_31, %add3A_32 : i32
    %dma_start3A_34 = arith.constant 0 : i32
    %dma_start3A_35 = tpu.memref_slice %arg4[%add3A_33, %dma_start3A_34] : memref<4096x768xf32, #tpu.memory_space<hbm>> -> memref<2x768xf32, #tpu.memory_space<hbm>>
    %dma_start3A_36 = arith.constant 0 : i32
    %dma_start3A_37 = tpu.memref_slice %arg5[%mul3A_29, %dma_start3A_36] : memref<200x768xf32, #tpu.memory_space<vmem_shared>> -> memref<2x768xf32, #tpu.memory_space<vmem_shared>>
    tpu.enqueue_dma source(%dma_start3A_37 : memref<2x768xf32, #tpu.memory_space<vmem_shared>>) target(%dma_start3A_35 : memref<2x768xf32, #tpu.memory_space<hbm>>) target_semaphore(%arg7 : memref<!tpu.dma_semaphore, #tpu.memory_space<semaphore_mem>>)
    %slice3A_38 = vector.extract_strided_slice %get3A_6 {offsets = [4], sizes = [1], strides = [1]} : vector<16xi32> to vector<1xi32>
    %squeeze3A_39 = vector.extract %slice3A_38[0] : i32 from vector<1xi32>
    %mul3A_40 = arith.constant 5 : i32
    %mul3A_41 = arith.muli %squeeze3A_39, %mul3A_40 : i32
    %slice3A_42 = vector.extract_strided_slice %get3A_6 {offsets = [5], sizes = [1], strides = [1]} : vector<16xi32> to vector<1xi32>
    %squeeze3A_43 = vector.extract %slice3A_42[0] : i32 from vector<1xi32>
    %add3A_44 = arith.addi %mul3A_41, %squeeze3A_43 : i32
    %mul3A_45 = arith.constant 8 : i32
    %mul3A_46 = arith.muli %add3A_44, %mul3A_45 : i32
    %add3A_47 = arith.constant 0 : i32
    %add3A_48 = arith.addi %mul3A_2, %add3A_47 : i32
    %add3A_49 = arith.constant 4 : i32
    %add3A_50 = arith.addi %add3A_48, %add3A_49 : i32
    %dma_start3A_51 = arith.constant 0 : i32
    %dma_start3A_52 = tpu.memref_slice %arg4[%add3A_50, %dma_start3A_51] : memref<4096x768xf32, #tpu.memory_space<hbm>> -> memref<2x768xf32, #tpu.memory_space<hbm>>
    %dma_start3A_53 = arith.constant 0 : i32
    %dma_start3A_54 = tpu.memref_slice %arg5[%mul3A_46, %dma_start3A_53] : memref<200x768xf32, #tpu.memory_space<vmem_shared>> -> memref<2x768xf32, #tpu.memory_space<vmem_shared>>
    tpu.enqueue_dma source(%dma_start3A_54 : memref<2x768xf32, #tpu.memory_space<vmem_shared>>) target(%dma_start3A_52 : memref<2x768xf32, #tpu.memory_space<hbm>>) target_semaphore(%arg7 : memref<!tpu.dma_semaphore, #tpu.memory_space<semaphore_mem>>)
    %slice3A_55 = vector.extract_strided_slice %get3A_6 {offsets = [6], sizes = [1], strides = [1]} : vector<16xi32> to vector<1xi32>
    %squeeze3A_56 = vector.extract %slice3A_55[0] : i32 from vector<1xi32>
    %mul3A_57 = arith.constant 5 : i32
    %mul3A_58 = arith.muli %squeeze3A_56, %mul3A_57 : i32
    %slice3A_59 = vector.extract_strided_slice %get3A_6 {offsets = [7], sizes = [1], strides = [1]} : vector<16xi32> to vector<1xi32>
    %squeeze3A_60 = vector.extract %slice3A_59[0] : i32 from vector<1xi32>
    %add3A_61 = arith.addi %mul3A_58, %squeeze3A_60 : i32
    %mul3A_62 = arith.constant 8 : i32
    %mul3A_63 = arith.muli %add3A_61, %mul3A_62 : i32
    %add3A_64 = arith.constant 0 : i32
    %add3A_65 = arith.addi %mul3A_2, %add3A_64 : i32
    %add3A_66 = arith.constant 6 : i32
    %add3A_67 = arith.addi %add3A_65, %add3A_66 : i32
    %dma_start3A_68 = arith.constant 0 : i32
    %dma_start3A_69 = tpu.memref_slice %arg4[%add3A_67, %dma_start3A_68] : memref<4096x768xf32, #tpu.memory_space<hbm>> -> memref<2x768xf32, #tpu.memory_space<hbm>>
    %dma_start3A_70 = arith.constant 0 : i32
    %dma_start3A_71 = tpu.memref_slice %arg5[%mul3A_63, %dma_start3A_70] : memref<200x768xf32, #tpu.memory_space<vmem_shared>> -> memref<2x768xf32, #tpu.memory_space<vmem_shared>>
    tpu.enqueue_dma source(%dma_start3A_71 : memref<2x768xf32, #tpu.memory_space<vmem_shared>>) target(%dma_start3A_69 : memref<2x768xf32, #tpu.memory_space<hbm>>) target_semaphore(%arg7 : memref<!tpu.dma_semaphore, #tpu.memory_space<semaphore_mem>>)
    %slice3A_72 = vector.extract_strided_slice %get3A_6 {offsets = [8], sizes = [1], strides = [1]} : vector<16xi32> to vector<1xi32>
    %squeeze3A_73 = vector.extract %slice3A_72[0] : i32 from vector<1xi32>
    %mul3A_74 = arith.constant 5 : i32
    %mul3A_75 = arith.muli %squeeze3A_73, %mul3A_74 : i32
    %slice3A_76 = vector.extract_strided_slice %get3A_6 {offsets = [9], sizes = [1], strides = [1]} : vector<16xi32> to vector<1xi32>
    %squeeze3A_77 = vector.extract %slice3A_76[0] : i32 from vector<1xi32>
    %add3A_78 = arith.addi %mul3A_75, %squeeze3A_77 : i32
    %mul3A_79 = arith.constant 8 : i32
    %mul3A_80 = arith.muli %add3A_78, %mul3A_79 : i32
    %add3A_81 = arith.constant 0 : i32
    %add3A_82 = arith.addi %mul3A_2, %add3A_81 : i32
    %add3A_83 = arith.constant 8 : i32
    %add3A_84 = arith.addi %add3A_82, %add3A_83 : i32
    %dma_start3A_85 = arith.constant 0 : i32
    %dma_start3A_86 = tpu.memref_slice %arg4[%add3A_84, %dma_start3A_85] : memref<4096x768xf32, #tpu.memory_space<hbm>> -> memref<2x768xf32, #tpu.memory_space<hbm>>
    %dma_start3A_87 = arith.constant 0 : i32
    %dma_start3A_88 = tpu.memref_slice %arg5[%mul3A_80, %dma_start3A_87] : memref<200x768xf32, #tpu.memory_space<vmem_shared>> -> memref<2x768xf32, #tpu.memory_space<vmem_shared>>
    tpu.enqueue_dma source(%dma_start3A_88 : memref<2x768xf32, #tpu.memory_space<vmem_shared>>) target(%dma_start3A_86 : memref<2x768xf32, #tpu.memory_space<hbm>>) target_semaphore(%arg7 : memref<!tpu.dma_semaphore, #tpu.memory_space<semaphore_mem>>)
    %slice3A_89 = vector.extract_strided_slice %get3A_6 {offsets = [10], sizes = [1], strides = [1]} : vector<16xi32> to vector<1xi32>
    %squeeze3A_90 = vector.extract %slice3A_89[0] : i32 from vector<1xi32>
    %mul3A_91 = arith.constant 5 : i32
    %mul3A_92 = arith.muli %squeeze3A_90, %mul3A_91 : i32
    %slice3A_93 = vector.extract_strided_slice %get3A_6 {offsets = [11], sizes = [1], strides = [1]} : vector<16xi32> to vector<1xi32>
    %squeeze3A_94 = vector.extract %slice3A_93[0] : i32 from vector<1xi32>
    %add3A_95 = arith.addi %mul3A_92, %squeeze3A_94 : i32
    %mul3A_96 = arith.constant 8 : i32
    %mul3A_97 = arith.muli %add3A_95, %mul3A_96 : i32
    %add3A_98 = arith.constant 0 : i32
    %add3A_99 = arith.addi %mul3A_2, %add3A_98 : i32
    %add3A_100 = arith.constant 10 : i32
    %add3A_101 = arith.addi %add3A_99, %add3A_100 : i32
    %dma_start3A_102 = arith.constant 0 : i32
    %dma_start3A_103 = tpu.memref_slice %arg4[%add3A_101, %dma_start3A_102] : memref<4096x768xf32, #tpu.memory_space<hbm>> -> memref<2x768xf32, #tpu.memory_space<hbm>>
    %dma_start3A_104 = arith.constant 0 : i32
    %dma_start3A_105 = tpu.memref_slice %arg5[%mul3A_97, %dma_start3A_104] : memref<200x768xf32, #tpu.memory_space<vmem_shared>> -> memref<2x768xf32, #tpu.memory_space<vmem_shared>>
    tpu.enqueue_dma source(%dma_start3A_105 : memref<2x768xf32, #tpu.memory_space<vmem_shared>>) target(%dma_start3A_103 : memref<2x768xf32, #tpu.memory_space<hbm>>) target_semaphore(%arg7 : memref<!tpu.dma_semaphore, #tpu.memory_space<semaphore_mem>>)
    %slice3A_106 = vector.extract_strided_slice %get3A_6 {offsets = [12], sizes = [1], strides = [1]} : vector<16xi32> to vector<1xi32>
    %squeeze3A_107 = vector.extract %slice3A_106[0] : i32 from vector<1xi32>
    %mul3A_108 = arith.constant 5 : i32
    %mul3A_109 = arith.muli %squeeze3A_107, %mul3A_108 : i32
    %slice3A_110 = vector.extract_strided_slice %get3A_6 {offsets = [13], sizes = [1], strides = [1]} : vector<16xi32> to vector<1xi32>
    %squeeze3A_111 = vector.extract %slice3A_110[0] : i32 from vector<1xi32>
    %add3A_112 = arith.addi %mul3A_109, %squeeze3A_111 : i32
    %mul3A_113 = arith.constant 8 : i32
    %mul3A_114 = arith.muli %add3A_112, %mul3A_113 : i32
    %add3A_115 = arith.constant 0 : i32
    %add3A_116 = arith.addi %mul3A_2, %add3A_115 : i32
    %add3A_117 = arith.constant 12 : i32
    %add3A_118 = arith.addi %add3A_116, %add3A_117 : i32
    %dma_start3A_119 = arith.constant 0 : i32
    %dma_start3A_120 = tpu.memref_slice %arg4[%add3A_118, %dma_start3A_119] : memref<4096x768xf32, #tpu.memory_space<hbm>> -> memref<2x768xf32, #tpu.memory_space<hbm>>
    %dma_start3A_121 = arith.constant 0 : i32
    %dma_start3A_122 = tpu.memref_slice %arg5[%mul3A_114, %dma_start3A_121] : memref<200x768xf32, #tpu.memory_space<vmem_shared>> -> memref<2x768xf32, #tpu.memory_space<vmem_shared>>
    tpu.enqueue_dma source(%dma_start3A_122 : memref<2x768xf32, #tpu.memory_space<vmem_shared>>) target(%dma_start3A_120 : memref<2x768xf32, #tpu.memory_space<hbm>>) target_semaphore(%arg7 : memref<!tpu.dma_semaphore, #tpu.memory_space<semaphore_mem>>)
    %slice3A_123 = vector.extract_strided_slice %get3A_6 {offsets = [14], sizes = [1], strides = [1]} : vector<16xi32> to vector<1xi32>
    %squeeze3A_124 = vector.extract %slice3A_123[0] : i32 from vector<1xi32>
    %mul3A_125 = arith.constant 5 : i32
    %mul3A_126 = arith.muli %squeeze3A_124, %mul3A_125 : i32
    %slice3A_127 = vector.extract_strided_slice %get3A_6 {offsets = [15], sizes = [1], strides = [1]} : vector<16xi32> to vector<1xi32>
    %squeeze3A_128 = vector.extract %slice3A_127[0] : i32 from vector<1xi32>
    %add3A_129 = arith.addi %mul3A_126, %squeeze3A_128 : i32
    %mul3A_130 = arith.constant 8 : i32
    %mul3A_131 = arith.muli %add3A_129, %mul3A_130 : i32
    %add3A_132 = arith.constant 0 : i32
    %add3A_133 = arith.addi %mul3A_2, %add3A_132 : i32
    %add3A_134 = arith.constant 14 : i32
    %add3A_135 = arith.addi %add3A_133, %add3A_134 : i32
    %dma_start3A_136 = arith.constant 0 : i32
    %dma_start3A_137 = tpu.memref_slice %arg4[%add3A_135, %dma_start3A_136] : memref<4096x768xf32, #tpu.memory_space<hbm>> -> memref<2x768xf32, #tpu.memory_space<hbm>>
    %dma_start3A_138 = arith.constant 0 : i32
    %dma_start3A_139 = tpu.memref_slice %arg5[%mul3A_131, %dma_start3A_138] : memref<200x768xf32, #tpu.memory_space<vmem_shared>> -> memref<2x768xf32, #tpu.memory_space<vmem_shared>>
    tpu.enqueue_dma source(%dma_start3A_139 : memref<2x768xf32, #tpu.memory_space<vmem_shared>>) target(%dma_start3A_137 : memref<2x768xf32, #tpu.memory_space<hbm>>) target_semaphore(%arg7 : memref<!tpu.dma_semaphore, #tpu.memory_space<semaphore_mem>>)
    %get3A_140 = arith.constant 16 : index
    %get3A_141 = tpu.vector_load %arg6[%get3A_140] {strides = array<i32>} : memref<128xi32, #tpu.memory_space<vmem>>, vector<16xi32>,
    %get3A_142 = vector.shape_cast %get3A_141 : vector<16xi32> to vector<16xi32>
    %slice3A_143 = vector.extract_strided_slice %get3A_142 {offsets = [0], sizes = [1], strides = [1]} : vector<16xi32> to vector<1xi32>
    %squeeze3A_144 = vector.extract %slice3A_143[0] : i32 from vector<1xi32>
    %mul3A_145 = arith.constant 5 : i32
    %mul3A_146 = arith.muli %squeeze3A_144, %mul3A_145 : i32
    %slice3A_147 = vector.extract_strided_slice %get3A_142 {offsets = [1], sizes = [1], strides = [1]} : vector<16xi32> to vector<1xi32>
    %squeeze3A_148 = vector.extract %slice3A_147[0] : i32 from vector<1xi32>
    %add3A_149 = arith.addi %mul3A_146, %squeeze3A_148 : i32
    %mul3A_150 = arith.constant 8 : i32
    %mul3A_151 = arith.muli %add3A_149, %mul3A_150 : i32
    %add3A_152 = arith.constant 16 : i32
    %add3A_153 = arith.addi %mul3A_2, %add3A_152 : i32
    %add3A_154 = arith.constant 0 : i32
    %add3A_155 = arith.addi %add3A_153, %add3A_154 : i32
    %dma_start3A_156 = arith.constant 0 : i32
    %dma_start3A_157 = tpu.memref_slice %arg4[%add3A_155, %dma_start3A_156] : memref<4096x768xf32, #tpu.memory_space<hbm>> -> memref<2x768xf32, #tpu.memory_space<hbm>>
    %dma_start3A_158 = arith.constant 0 : i32
    %dma_start3A_159 = tpu.memref_slice %arg5[%mul3A_151, %dma_start3A_158] : memref<200x768xf32, #tpu.memory_space<vmem_shared>> -> memref<2x768xf32, #tpu.memory_space<vmem_shared>>
    tpu.enqueue_dma source(%dma_start3A_159 : memref<2x768xf32, #tpu.memory_space<vmem_shared>>) target(%dma_start3A_157 : memref<2x768xf32, #tpu.memory_space<hbm>>) target_semaphore(%arg7 : memref<!tpu.dma_semaphore, #tpu.memory_space<semaphore_mem>>)
    %slice3A_160 = vector.extract_strided_slice %get3A_142 {offsets = [2], sizes = [1], strides = [1]} : vector<16xi32> to vector<1xi32>
    %squeeze3A_161 = vector.extract %slice3A_160[0] : i32 from vector<1xi32>
    %mul3A_162 = arith.constant 5 : i32
    %mul3A_163 = arith.muli %squeeze3A_161, %mul3A_162 : i32
    %slice3A_164 = vector.extract_strided_slice %get3A_142 {offsets = [3], sizes = [1], strides = [1]} : vector<16xi32> to vector<1xi32>
    %squeeze3A_165 = vector.extract %slice3A_164[0] : i32 from vector<1xi32>
    %add3A_166 = arith.addi %mul3A_163, %squeeze3A_165 : i32
    %mul3A_167 = arith.constant 8 : i32
    %mul3A_168 = arith.muli %add3A_166, %mul3A_167 : i32
    %add3A_169 = arith.constant 16 : i32
    %add3A_170 = arith.addi %mul3A_2, %add3A_169 : i32
    %add3A_171 = arith.constant 2 : i32
    %add3A_172 = arith.addi %add3A_170, %add3A_171 : i32
    %dma_start3A_173 = arith.constant 0 : i32
    %dma_start3A_174 = tpu.memref_slice %arg4[%add3A_172, %dma_start3A_173] : memref<4096x768xf32, #tpu.memory_space<hbm>> -> memref<2x768xf32, #tpu.memory_space<hbm>>
    %dma_start3A_175 = arith.constant 0 : i32
    %dma_start3A_176 = tpu.memref_slice %arg5[%mul3A_168, %dma_start3A_175] : memref<200x768xf32, #tpu.memory_space<vmem_shared>> -> memref<2x768xf32, #tpu.memory_space<vmem_shared>>
    tpu.enqueue_dma source(%dma_start3A_176 : memref<2x768xf32, #tpu.memory_space<vmem_shared>>) target(%dma_start3A_174 : memref<2x768xf32, #tpu.memory_space<hbm>>) target_semaphore(%arg7 : memref<!tpu.dma_semaphore, #tpu.memory_space<semaphore_mem>>)
    %slice3A_177 = vector.extract_strided_slice %get3A_142 {offsets = [4], sizes = [1], strides = [1]} : vector<16xi32> to vector<1xi32>
    %squeeze3A_178 = vector.extract %slice3A_177[0] : i32 from vector<1xi32>
    %mul3A_179 = arith.constant 5 : i32
    %mul3A_180 = arith.muli %squeeze3A_178, %mul3A_179 : i32
    %slice3A_181 = vector.extract_strided_slice %get3A_142 {offsets = [5], sizes = [1], strides = [1]} : vector<16xi32> to vector<1xi32>
    %squeeze3A_182 = vector.extract %slice3A_181[0] : i32 from vector<1xi32>
    %add3A_183 = arith.addi %mul3A_180, %squeeze3A_182 : i32
    %mul3A_184 = arith.constant 8 : i32
    %mul3A_185 = arith.muli %add3A_183, %mul3A_184 : i32
    %add3A_186 = arith.constant 16 : i32
    %add3A_187 = arith.addi %mul3A_2, %add3A_186 : i32
    %add3A_188 = arith.constant 4 : i32
    %add3A_189 = arith.addi %add3A_187, %add3A_188 : i32
    %dma_start3A_190 = arith.constant 0 : i32
    %dma_start3A_191 = tpu.memref_slice %arg4[%add3A_189, %dma_start3A_190] : memref<4096x768xf32, #tpu.memory_space<hbm>> -> memref<2x768xf32, #tpu.memory_space<hbm>>
    %dma_start3A_192 = arith.constant 0 : i32
    %dma_start3A_193 = tpu.memref_slice %arg5[%mul3A_185, %dma_start3A_192] : memref<200x768xf32, #tpu.memory_space<vmem_shared>> -> memref<2x768xf32, #tpu.memory_space<vmem_shared>>
    tpu.enqueue_dma source(%dma_start3A_193 : memref<2x768xf32, #tpu.memory_space<vmem_shared>>) target(%dma_start3A_191 : memref<2x768xf32, #tpu.memory_space<hbm>>) target_semaphore(%arg7 : memref<!tpu.dma_semaphore, #tpu.memory_space<semaphore_mem>>)
    %slice3A_194 = vector.extract_strided_slice %get3A_142 {offsets = [6], sizes = [1], strides = [1]} : vector<16xi32> to vector<1xi32>
    %squeeze3A_195 = vector.extract %slice3A_194[0] : i32 from vector<1xi32>
    %mul3A_196 = arith.constant 5 : i32
    %mul3A_197 = arith.muli %squeeze3A_195, %mul3A_196 : i32
    %slice3A_198 = vector.extract_strided_slice %get3A_142 {offsets = [7], sizes = [1], strides = [1]} : vector<16xi32> to vector<1xi32>
    %squeeze3A_199 = vector.extract %slice3A_198[0] : i32 from vector<1xi32>
    %add3A_200 = arith.addi %mul3A_197, %squeeze3A_199 : i32
    %mul3A_201 = arith.constant 8 : i32
    %mul3A_202 = arith.muli %add3A_200, %mul3A_201 : i32
    %add3A_203 = arith.constant 16 : i32
    %add3A_204 = arith.addi %mul3A_2, %add3A_203 : i32
    %add3A_205 = arith.constant 6 : i32
    %add3A_206 = arith.addi %add3A_204, %add3A_205 : i32
    %dma_start3A_207 = arith.constant 0 : i32
    %dma_start3A_208 = tpu.memref_slice %arg4[%add3A_206, %dma_start3A_207] : memref<4096x768xf32, #tpu.memory_space<hbm>> -> memref<2x768xf32, #tpu.memory_space<hbm>>
    %dma_start3A_209 = arith.constant 0 : i32
    %dma_start3A_210 = tpu.memref_slice %arg5[%mul3A_202, %dma_start3A_209] : memref<200x768xf32, #tpu.memory_space<vmem_shared>> -> memref<2x768xf32, #tpu.memory_space<vmem_shared>>
    tpu.enqueue_dma source(%dma_start3A_210 : memref<2x768xf32, #tpu.memory_space<vmem_shared>>) target(%dma_start3A_208 : memref<2x768xf32, #tpu.memory_space<hbm>>) target_semaphore(%arg7 : memref<!tpu.dma_semaphore, #tpu.memory_space<semaphore_mem>>)
    %slice3A_211 = vector.extract_strided_slice %get3A_142 {offsets = [8], sizes = [1], strides = [1]} : vector<16xi32> to vector<1xi32>
    %squeeze3A_212 = vector.extract %slice3A_211[0] : i32 from vector<1xi32>
    %mul3A_213 = arith.constant 5 : i32
    %mul3A_214 = arith.muli %squeeze3A_212, %mul3A_213 : i32
    %slice3A_215 = vector.extract_strided_slice %get3A_142 {offsets = [9], sizes = [1], strides = [1]} : vector<16xi32> to vector<1xi32>
    %squeeze3A_216 = vector.extract %slice3A_215[0] : i32 from vector<1xi32>
    %add3A_217 = arith.addi %mul3A_214, %squeeze3A_216 : i32
    %mul3A_218 = arith.constant 8 : i32
    %mul3A_219 = arith.muli %add3A_217, %mul3A_218 : i32
    %add3A_220 = arith.constant 16 : i32
    %add3A_221 = arith.addi %mul3A_2, %add3A_220 : i32
    %add3A_222 = arith.constant 8 : i32
    %add3A_223 = arith.addi %add3A_221, %add3A_222 : i32
    %dma_start3A_224 = arith.constant 0 : i32
    %dma_start3A_225 = tpu.memref_slice %arg4[%add3A_223, %dma_start3A_224] : memref<4096x768xf32, #tpu.memory_space<hbm>> -> memref<2x768xf32, #tpu.memory_space<hbm>>
    %dma_start3A_226 = arith.constant 0 : i32
    %dma_start3A_227 = tpu.memref_slice %arg5[%mul3A_219, %dma_start3A_226] : memref<200x768xf32, #tpu.memory_space<vmem_shared>> -> memref<2x768xf32, #tpu.memory_space<vmem_shared>>
    tpu.enqueue_dma source(%dma_start3A_227 : memref<2x768xf32, #tpu.memory_space<vmem_shared>>) target(%dma_start3A_225 : memref<2x768xf32, #tpu.memory_space<hbm>>) target_semaphore(%arg7 : memref<!tpu.dma_semaphore, #tpu.memory_space<semaphore_mem>>)
    %slice3A_228 = vector.extract_strided_slice %get3A_142 {offsets = [10], sizes = [1], strides = [1]} : vector<16xi32> to vector<1xi32>
    %squeeze3A_229 = vector.extract %slice3A_228[0] : i32 from vector<1xi32>
    %mul3A_230 = arith.constant 5 : i32
    %mul3A_231 = arith.muli %squeeze3A_229, %mul3A_230 : i32
    %slice3A_232 = vector.extract_strided_slice %get3A_142 {offsets = [11], sizes = [1], strides = [1]} : vector<16xi32> to vector<1xi32>
    %squeeze3A_233 = vector.extract %slice3A_232[0] : i32 from vector<1xi32>
    %add3A_234 = arith.addi %mul3A_231, %squeeze3A_233 : i32
    %mul3A_235 = arith.constant 8 : i32
    %mul3A_236 = arith.muli %add3A_234, %mul3A_235 : i32
    %add3A_237 = arith.constant 16 : i32
    %add3A_238 = arith.addi %mul3A_2, %add3A_237 : i32
    %add3A_239 = arith.constant 10 : i32
    %add3A_240 = arith.addi %add3A_238, %add3A_239 : i32
    %dma_start3A_241 = arith.constant 0 : i32
    %dma_start3A_242 = tpu.memref_slice %arg4[%add3A_240, %dma_start3A_241] : memref<4096x768xf32, #tpu.memory_space<hbm>> -> memref<2x768xf32, #tpu.memory_space<hbm>>
    %dma_start3A_243 = arith.constant 0 : i32
    %dma_start3A_244 = tpu.memref_slice %arg5[%mul3A_236, %dma_start3A_243] : memref<200x768xf32, #tpu.memory_space<vmem_shared>> -> memref<2x768xf32, #tpu.memory_space<vmem_shared>>
    tpu.enqueue_dma source(%dma_start3A_244 : memref<2x768xf32, #tpu.memory_space<vmem_shared>>) target(%dma_start3A_242 : memref<2x768xf32, #tpu.memory_space<hbm>>) target_semaphore(%arg7 : memref<!tpu.dma_semaphore, #tpu.memory_space<semaphore_mem>>)
    %slice3A_245 = vector.extract_strided_slice %get3A_142 {offsets = [12], sizes = [1], strides = [1]} : vector<16xi32> to vector<1xi32>
    %squeeze3A_246 = vector.extract %slice3A_245[0] : i32 from vector<1xi32>
    %mul3A_247 = arith.constant 5 : i32
    %mul3A_248 = arith.muli %squeeze3A_246, %mul3A_247 : i32
    %slice3A_249 = vector.extract_strided_slice %get3A_142 {offsets = [13], sizes = [1], strides = [1]} : vector<16xi32> to vector<1xi32>
    %squeeze3A_250 = vector.extract %slice3A_249[0] : i32 from vector<1xi32>
    %add3A_251 = arith.addi %mul3A_248, %squeeze3A_250 : i32
    %mul3A_252 = arith.constant 8 : i32
    %mul3A_253 = arith.muli %add3A_251, %mul3A_252 : i32
    %add3A_254 = arith.constant 16 : i32
    %add3A_255 = arith.addi %mul3A_2, %add3A_254 : i32
    %add3A_256 = arith.constant 12 : i32
    %add3A_257 = arith.addi %add3A_255, %add3A_256 : i32
    %dma_start3A_258 = arith.constant 0 : i32
    %dma_start3A_259 = tpu.memref_slice %arg4[%add3A_257, %dma_start3A_258] : memref<4096x768xf32, #tpu.memory_space<hbm>> -> memref<2x768xf32, #tpu.memory_space<hbm>>
    %dma_start3A_260 = arith.constant 0 : i32
    %dma_start3A_261 = tpu.memref_slice %arg5[%mul3A_253, %dma_start3A_260] : memref<200x768xf32, #tpu.memory_space<vmem_shared>> -> memref<2x768xf32, #tpu.memory_space<vmem_shared>>
    tpu.enqueue_dma source(%dma_start3A_261 : memref<2x768xf32, #tpu.memory_space<vmem_shared>>) target(%dma_start3A_259 : memref<2x768xf32, #tpu.memory_space<hbm>>) target_semaphore(%arg7 : memref<!tpu.dma_semaphore, #tpu.memory_space<semaphore_mem>>)
    %slice3A_262 = vector.extract_strided_slice %get3A_142 {offsets = [14], sizes = [1], strides = [1]} : vector<16xi32> to vector<1xi32>
    %squeeze3A_263 = vector.extract %slice3A_262[0] : i32 from vector<1xi32>
    %mul3A_264 = arith.constant 5 : i32
    %mul3A_265 = arith.muli %squeeze3A_263, %mul3A_264 : i32
    %slice3A_266 = vector.extract_strided_slice %get3A_142 {offsets = [15], sizes = [1], strides = [1]} : vector<16xi32> to vector<1xi32>
    %squeeze3A_267 = vector.extract %slice3A_266[0] : i32 from vector<1xi32>
    %add3A_268 = arith.addi %mul3A_265, %squeeze3A_267 : i32
    %mul3A_269 = arith.constant 8 : i32
    %mul3A_270 = arith.muli %add3A_268, %mul3A_269 : i32
    %add3A_271 = arith.constant 16 : i32
    %add3A_272 = arith.addi %mul3A_2, %add3A_271 : i32
    %add3A_273 = arith.constant 14 : i32
    %add3A_274 = arith.addi %add3A_272, %add3A_273 : i32
    %dma_start3A_275 = arith.constant 0 : i32
    %dma_start3A_276 = tpu.memref_slice %arg4[%add3A_274, %dma_start3A_275] : memref<4096x768xf32, #tpu.memory_space<hbm>> -> memref<2x768xf32, #tpu.memory_space<hbm>>
    %dma_start3A_277 = arith.constant 0 : i32
    %dma_start3A_278 = tpu.memref_slice %arg5[%mul3A_270, %dma_start3A_277] : memref<200x768xf32, #tpu.memory_space<vmem_shared>> -> memref<2x768xf32, #tpu.memory_space<vmem_shared>>
    tpu.enqueue_dma source(%dma_start3A_278 : memref<2x768xf32, #tpu.memory_space<vmem_shared>>) target(%dma_start3A_276 : memref<2x768xf32, #tpu.memory_space<hbm>>) target_semaphore(%arg7 : memref<!tpu.dma_semaphore, #tpu.memory_space<semaphore_mem>>)
    %get3A_279 = arith.constant 32 : index
    %get3A_280 = tpu.vector_load %arg6[%get3A_279] {strides = array<i32>} : memref<128xi32, #tpu.memory_space<vmem>>, vector<16xi32>,
    %get3A_281 = vector.shape_cast %get3A_280 : vector<16xi32> to vector<16xi32>
    %slice3A_282 = vector.extract_strided_slice %get3A_281 {offsets = [0], sizes = [1], strides = [1]} : vector<16xi32> to vector<1xi32>
    %squeeze3A_283 = vector.extract %slice3A_282[0] : i32 from vector<1xi32>
    %mul3A_284 = arith.constant 5 : i32
    %mul3A_285 = arith.muli %squeeze3A_283, %mul3A_284 : i32
    %slice3A_286 = vector.extract_strided_slice %get3A_281 {offsets = [1], sizes = [1], strides = [1]} : vector<16xi32> to vector<1xi32>
    %squeeze3A_287 = vector.extract %slice3A_286[0] : i32 from vector<1xi32>
    %add3A_288 = arith.addi %mul3A_285, %squeeze3A_287 : i32
    %mul3A_289 = arith.constant 8 : i32
    %mul3A_290 = arith.muli %add3A_288, %mul3A_289 : i32
    %add3A_291 = arith.constant 32 : i32
    %add3A_292 = arith.addi %mul3A_2, %add3A_291 : i32
    %add3A_293 = arith.constant 0 : i32
    %add3A_294 = arith.addi %add3A_292, %add3A_293 : i32
    %dma_start3A_295 = arith.constant 0 : i32
    %dma_start3A_296 = tpu.memref_slice %arg4[%add3A_294, %dma_start3A_295] : memref<4096x768xf32, #tpu.memory_space<hbm>> -> memref<2x768xf32, #tpu.memory_space<hbm>>
    %dma_start3A_297 = arith.constant 0 : i32
    %dma_start3A_298 = tpu.memref_slice %arg5[%mul3A_290, %dma_start3A_297] : memref<200x768xf32, #tpu.memory_space<vmem_shared>> -> memref<2x768xf32, #tpu.memory_space<vmem_shared>>
    tpu.enqueue_dma source(%dma_start3A_298 : memref<2x768xf32, #tpu.memory_space<vmem_shared>>) target(%dma_start3A_296 : memref<2x768xf32, #tpu.memory_space<hbm>>) target_semaphore(%arg7 : memref<!tpu.dma_semaphore, #tpu.memory_space<semaphore_mem>>)
    %slice3A_299 = vector.extract_strided_slice %get3A_281 {offsets = [2], sizes = [1], strides = [1]} : vector<16xi32> to vector<1xi32>
    %squeeze3A_300 = vector.extract %slice3A_299[0] : i32 from vector<1xi32>
    %mul3A_301 = arith.constant 5 : i32
    %mul3A_302 = arith.muli %squeeze3A_300, %mul3A_301 : i32
    %slice3A_303 = vector.extract_strided_slice %get3A_281 {offsets = [3], sizes = [1], strides = [1]} : vector<16xi32> to vector<1xi32>
    %squeeze3A_304 = vector.extract %slice3A_303[0] : i32 from vector<1xi32>
    %add3A_305 = arith.addi %mul3A_302, %squeeze3A_304 : i32
    %mul3A_306 = arith.constant 8 : i32
    %mul3A_307 = arith.muli %add3A_305, %mul3A_306 : i32
    %add3A_308 = arith.constant 32 : i32
    %add3A_309 = arith.addi %mul3A_2, %add3A_308 : i32
    %add3A_310 = arith.constant 2 : i32
    %add3A_311 = arith.addi %add3A_309, %add3A_310 : i32
    %dma_start3A_312 = arith.constant 0 : i32
    %dma_start3A_313 = tpu.memref_slice %arg4[%add3A_311, %dma_start3A_312] : memref<4096x768xf32, #tpu.memory_space<hbm>> -> memref<2x768xf32, #tpu.memory_space<hbm>>
    %dma_start3A_314 = arith.constant 0 : i32
    %dma_start3A_315 = tpu.memref_slice %arg5[%mul3A_307, %dma_start3A_314] : memref<200x768xf32, #tpu.memory_space<vmem_shared>> -> memref<2x768xf32, #tpu.memory_space<vmem_shared>>
    tpu.enqueue_dma source(%dma_start3A_315 : memref<2x768xf32, #tpu.memory_space<vmem_shared>>) target(%dma_start3A_313 : memref<2x768xf32, #tpu.memory_space<hbm>>) target_semaphore(%arg7 : memref<!tpu.dma_semaphore, #tpu.memory_space<semaphore_mem>>)
    %slice3A_316 = vector.extract_strided_slice %get3A_281 {offsets = [4], sizes = [1], strides = [1]} : vector<16xi32> to vector<1xi32>
    %squeeze3A_317 = vector.extract %slice3A_316[0] : i32 from vector<1xi32>
    %mul3A_318 = arith.constant 5 : i32
    %mul3A_319 = arith.muli %squeeze3A_317, %mul3A_318 : i32
    %slice3A_320 = vector.extract_strided_slice %get3A_281 {offsets = [5], sizes = [1], strides = [1]} : vector<16xi32> to vector<1xi32>
    %squeeze3A_321 = vector.extract %slice3A_320[0] : i32 from vector<1xi32>
    %add3A_322 = arith.addi %mul3A_319, %squeeze3A_321 : i32
    %mul3A_323 = arith.constant 8 : i32
    %mul3A_324 = arith.muli %add3A_322, %mul3A_323 : i32
    %add3A_325 = arith.constant 32 : i32
    %add3A_326 = arith.addi %mul3A_2, %add3A_325 : i32
    %add3A_327 = arith.constant 4 : i32
    %add3A_328 = arith.addi %add3A_326, %add3A_327 : i32
    %dma_start3A_329 = arith.constant 0 : i32
    %dma_start3A_330 = tpu.memref_slice %arg4[%add3A_328, %dma_start3A_329] : memref<4096x768xf32, #tpu.memory_space<hbm>> -> memref<2x768xf32, #tpu.memory_space<hbm>>
    %dma_start3A_331 = arith.constant 0 : i32
    %dma_start3A_332 = tpu.memref_slice %arg5[%mul3A_324, %dma_start3A_331] : memref<200x768xf32, #tpu.memory_space<vmem_shared>> -> memref<2x768xf32, #tpu.memory_space<vmem_shared>>
    tpu.enqueue_dma source(%dma_start3A_332 : memref<2x768xf32, #tpu.memory_space<vmem_shared>>) target(%dma_start3A_330 : memref<2x768xf32, #tpu.memory_space<hbm>>) target_semaphore(%arg7 : memref<!tpu.dma_semaphore, #tpu.memory_space<semaphore_mem>>)
    %slice3A_333 = vector.extract_strided_slice %get3A_281 {offsets = [6], sizes = [1], strides = [1]} : vector<16xi32> to vector<1xi32>
    %squeeze3A_334 = vector.extract %slice3A_333[0] : i32 from vector<1xi32>
    %mul3A_335 = arith.constant 5 : i32
    %mul3A_336 = arith.muli %squeeze3A_334, %mul3A_335 : i32
    %slice3A_337 = vector.extract_strided_slice %get3A_281 {offsets = [7], sizes = [1], strides = [1]} : vector<16xi32> to vector<1xi32>
    %squeeze3A_338 = vector.extract %slice3A_337[0] : i32 from vector<1xi32>
    %add3A_339 = arith.addi %mul3A_336, %squeeze3A_338 : i32
    %mul3A_340 = arith.constant 8 : i32
    %mul3A_341 = arith.muli %add3A_339, %mul3A_340 : i32
    %add3A_342 = arith.constant 32 : i32
    %add3A_343 = arith.addi %mul3A_2, %add3A_342 : i32
    %add3A_344 = arith.constant 6 : i32
    %add3A_345 = arith.addi %add3A_343, %add3A_344 : i32
    %dma_start3A_346 = arith.constant 0 : i32
    %dma_start3A_347 = tpu.memref_slice %arg4[%add3A_345, %dma_start3A_346] : memref<4096x768xf32, #tpu.memory_space<hbm>> -> memref<2x768xf32, #tpu.memory_space<hbm>>
    %dma_start3A_348 = arith.constant 0 : i32
    %dma_start3A_349 = tpu.memref_slice %arg5[%mul3A_341, %dma_start3A_348] : memref<200x768xf32, #tpu.memory_space<vmem_shared>> -> memref<2x768xf32, #tpu.memory_space<vmem_shared>>
    tpu.enqueue_dma source(%dma_start3A_349 : memref<2x768xf32, #tpu.memory_space<vmem_shared>>) target(%dma_start3A_347 : memref<2x768xf32, #tpu.memory_space<hbm>>) target_semaphore(%arg7 : memref<!tpu.dma_semaphore, #tpu.memory_space<semaphore_mem>>)
    %slice3A_350 = vector.extract_strided_slice %get3A_281 {offsets = [8], sizes = [1], strides = [1]} : vector<16xi32> to vector<1xi32>
    %squeeze3A_351 = vector.extract %slice3A_350[0] : i32 from vector<1xi32>
    %mul3A_352 = arith.constant 5 : i32
    %mul3A_353 = arith.muli %squeeze3A_351, %mul3A_352 : i32
    %slice3A_354 = vector.extract_strided_slice %get3A_281 {offsets = [9], sizes = [1], strides = [1]} : vector<16xi32> to vector<1xi32>
    %squeeze3A_355 = vector.extract %slice3A_354[0] : i32 from vector<1xi32>
    %add3A_356 = arith.addi %mul3A_353, %squeeze3A_355 : i32
    %mul3A_357 = arith.constant 8 : i32
    %mul3A_358 = arith.muli %add3A_356, %mul3A_357 : i32
    %add3A_359 = arith.constant 32 : i32
    %add3A_360 = arith.addi %mul3A_2, %add3A_359 : i32
    %add3A_361 = arith.constant 8 : i32
    %add3A_362 = arith.addi %add3A_360, %add3A_361 : i32
    %dma_start3A_363 = arith.constant 0 : i32
    %dma_start3A_364 = tpu.memref_slice %arg4[%add3A_362, %dma_start3A_363] : memref<4096x768xf32, #tpu.memory_space<hbm>> -> memref<2x768xf32, #tpu.memory_space<hbm>>
    %dma_start3A_365 = arith.constant 0 : i32
    %dma_start3A_366 = tpu.memref_slice %arg5[%mul3A_358, %dma_start3A_365] : memref<200x768xf32, #tpu.memory_space<vmem_shared>> -> memref<2x768xf32, #tpu.memory_space<vmem_shared>>
    tpu.enqueue_dma source(%dma_start3A_366 : memref<2x768xf32, #tpu.memory_space<vmem_shared>>) target(%dma_start3A_364 : memref<2x768xf32, #tpu.memory_space<hbm>>) target_semaphore(%arg7 : memref<!tpu.dma_semaphore, #tpu.memory_space<semaphore_mem>>)
    %slice3A_367 = vector.extract_strided_slice %get3A_281 {offsets = [10], sizes = [1], strides = [1]} : vector<16xi32> to vector<1xi32>
    %squeeze3A_368 = vector.extract %slice3A_367[0] : i32 from vector<1xi32>
    %mul3A_369 = arith.constant 5 : i32
    %mul3A_370 = arith.muli %squeeze3A_368, %mul3A_369 : i32
    %slice3A_371 = vector.extract_strided_slice %get3A_281 {offsets = [11], sizes = [1], strides = [1]} : vector<16xi32> to vector<1xi32>
    %squeeze3A_372 = vector.extract %slice3A_371[0] : i32 from vector<1xi32>
    %add3A_373 = arith.addi %mul3A_370, %squeeze3A_372 : i32
    %mul3A_374 = arith.constant 8 : i32
    %mul3A_375 = arith.muli %add3A_373, %mul3A_374 : i32
    %add3A_376 = arith.constant 32 : i32
    %add3A_377 = arith.addi %mul3A_2, %add3A_376 : i32
    %add3A_378 = arith.constant 10 : i32
    %add3A_379 = arith.addi %add3A_377, %add3A_378 : i32
    %dma_start3A_380 = arith.constant 0 : i32
    %dma_start3A_381 = tpu.memref_slice %arg4[%add3A_379, %dma_start3A_380] : memref<4096x768xf32, #tpu.memory_space<hbm>> -> memref<2x768xf32, #tpu.memory_space<hbm>>
    %dma_start3A_382 = arith.constant 0 : i32
    %dma_start3A_383 = tpu.memref_slice %arg5[%mul3A_375, %dma_start3A_382] : memref<200x768xf32, #tpu.memory_space<vmem_shared>> -> memref<2x768xf32, #tpu.memory_space<vmem_shared>>
    tpu.enqueue_dma source(%dma_start3A_383 : memref<2x768xf32, #tpu.memory_space<vmem_shared>>) target(%dma_start3A_381 : memref<2x768xf32, #tpu.memory_space<hbm>>) target_semaphore(%arg7 : memref<!tpu.dma_semaphore, #tpu.memory_space<semaphore_mem>>)
    %slice3A_384 = vector.extract_strided_slice %get3A_281 {offsets = [12], sizes = [1], strides = [1]} : vector<16xi32> to vector<1xi32>
    %squeeze3A_385 = vector.extract %slice3A_384[0] : i32 from vector<1xi32>
    %mul3A_386 = arith.constant 5 : i32
    %mul3A_387 = arith.muli %squeeze3A_385, %mul3A_386 : i32
    %slice3A_388 = vector.extract_strided_slice %get3A_281 {offsets = [13], sizes = [1], strides = [1]} : vector<16xi32> to vector<1xi32>
    %squeeze3A_389 = vector.extract %slice3A_388[0] : i32 from vector<1xi32>
    %add3A_390 = arith.addi %mul3A_387, %squeeze3A_389 : i32
    %mul3A_391 = arith.constant 8 : i32
    %mul3A_392 = arith.muli %add3A_390, %mul3A_391 : i32
    %add3A_393 = arith.constant 32 : i32
    %add3A_394 = arith.addi %mul3A_2, %add3A_393 : i32
    %add3A_395 = arith.constant 12 : i32
    %add3A_396 = arith.addi %add3A_394, %add3A_395 : i32
    %dma_start3A_397 = arith.constant 0 : i32
    %dma_start3A_398 = tpu.memref_slice %arg4[%add3A_396, %dma_start3A_397] : memref<4096x768xf32, #tpu.memory_space<hbm>> -> memref<2x768xf32, #tpu.memory_space<hbm>>
    %dma_start3A_399 = arith.constant 0 : i32
    %dma_start3A_400 = tpu.memref_slice %arg5[%mul3A_392, %dma_start3A_399] : memref<200x768xf32, #tpu.memory_space<vmem_shared>> -> memref<2x768xf32, #tpu.memory_space<vmem_shared>>
    tpu.enqueue_dma source(%dma_start3A_400 : memref<2x768xf32, #tpu.memory_space<vmem_shared>>) target(%dma_start3A_398 : memref<2x768xf32, #tpu.memory_space<hbm>>) target_semaphore(%arg7 : memref<!tpu.dma_semaphore, #tpu.memory_space<semaphore_mem>>)
    %slice3A_401 = vector.extract_strided_slice %get3A_281 {offsets = [14], sizes = [1], strides = [1]} : vector<16xi32> to vector<1xi32>
    %squeeze3A_402 = vector.extract %slice3A_401[0] : i32 from vector<1xi32>
    %mul3A_403 = arith.constant 5 : i32
    %mul3A_404 = arith.muli %squeeze3A_402, %mul3A_403 : i32
    %slice3A_405 = vector.extract_strided_slice %get3A_281 {offsets = [15], sizes = [1], strides = [1]} : vector<16xi32> to vector<1xi32>
    %squeeze3A_406 = vector.extract %slice3A_405[0] : i32 from vector<1xi32>
    %add3A_407 = arith.addi %mul3A_404, %squeeze3A_406 : i32
    %mul3A_408 = arith.constant 8 : i32
    %mul3A_409 = arith.muli %add3A_407, %mul3A_408 : i32
    %add3A_410 = arith.constant 32 : i32
    %add3A_411 = arith.addi %mul3A_2, %add3A_410 : i32
    %add3A_412 = arith.constant 14 : i32
    %add3A_413 = arith.addi %add3A_411, %add3A_412 : i32
    %dma_start3A_414 = arith.constant 0 : i32
    %dma_start3A_415 = tpu.memref_slice %arg4[%add3A_413, %dma_start3A_414] : memref<4096x768xf32, #tpu.memory_space<hbm>> -> memref<2x768xf32, #tpu.memory_space<hbm>>
    %dma_start3A_416 = arith.constant 0 : i32
    %dma_start3A_417 = tpu.memref_slice %arg5[%mul3A_409, %dma_start3A_416] : memref<200x768xf32, #tpu.memory_space<vmem_shared>> -> memref<2x768xf32, #tpu.memory_space<vmem_shared>>
    tpu.enqueue_dma source(%dma_start3A_417 : memref<2x768xf32, #tpu.memory_space<vmem_shared>>) target(%dma_start3A_415 : memref<2x768xf32, #tpu.memory_space<hbm>>) target_semaphore(%arg7 : memref<!tpu.dma_semaphore, #tpu.memory_space<semaphore_mem>>)
    %get3A_418 = arith.constant 48 : index
    %get3A_419 = tpu.vector_load %arg6[%get3A_418] {strides = array<i32>} : memref<128xi32, #tpu.memory_space<vmem>>, vector<16xi32>,
    %get3A_420 = vector.shape_cast %get3A_419 : vector<16xi32> to vector<16xi32>
    %slice3A_421 = vector.extract_strided_slice %get3A_420 {offsets = [0], sizes = [1], strides = [1]} : vector<16xi32> to vector<1xi32>
    %squeeze3A_422 = vector.extract %slice3A_421[0] : i32 from vector<1xi32>
    %mul3A_423 = arith.constant 5 : i32
    %mul3A_424 = arith.muli %squeeze3A_422, %mul3A_423 : i32
    %slice3A_425 = vector.extract_strided_slice %get3A_420 {offsets = [1], sizes = [1], strides = [1]} : vector<16xi32> to vector<1xi32>
    %squeeze3A_426 = vector.extract %slice3A_425[0] : i32 from vector<1xi32>
    %add3A_427 = arith.addi %mul3A_424, %squeeze3A_426 : i32
    %mul3A_428 = arith.constant 8 : i32
    %mul3A_429 = arith.muli %add3A_427, %mul3A_428 : i32
    %add3A_430 = arith.constant 48 : i32
    %add3A_431 = arith.addi %mul3A_2, %add3A_430 : i32
    %add3A_432 = arith.constant 0 : i32
    %add3A_433 = arith.addi %add3A_431, %add3A_432 : i32
    %dma_start3A_434 = arith.constant 0 : i32
    %dma_start3A_435 = tpu.memref_slice %arg4[%add3A_433, %dma_start3A_434] : memref<4096x768xf32, #tpu.memory_space<hbm>> -> memref<2x768xf32, #tpu.memory_space<hbm>>
    %dma_start3A_436 = arith.constant 0 : i32
    %dma_start3A_437 = tpu.memref_slice %arg5[%mul3A_429, %dma_start3A_436] : memref<200x768xf32, #tpu.memory_space<vmem_shared>> -> memref<2x768xf32, #tpu.memory_space<vmem_shared>>
    tpu.enqueue_dma source(%dma_start3A_437 : memref<2x768xf32, #tpu.memory_space<vmem_shared>>) target(%dma_start3A_435 : memref<2x768xf32, #tpu.memory_space<hbm>>) target_semaphore(%arg7 : memref<!tpu.dma_semaphore, #tpu.memory_space<semaphore_mem>>)
    %slice3A_438 = vector.extract_strided_slice %get3A_420 {offsets = [2], sizes = [1], strides = [1]} : vector<16xi32> to vector<1xi32>
    %squeeze3A_439 = vector.extract %slice3A_438[0] : i32 from vector<1xi32>
    %mul3A_440 = arith.constant 5 : i32
    %mul3A_441 = arith.muli %squeeze3A_439, %mul3A_440 : i32
    %slice3A_442 = vector.extract_strided_slice %get3A_420 {offsets = [3], sizes = [1], strides = [1]} : vector<16xi32> to vector<1xi32>
    %squeeze3A_443 = vector.extract %slice3A_442[0] : i32 from vector<1xi32>
    %add3A_444 = arith.addi %mul3A_441, %squeeze3A_443 : i32
    %mul3A_445 = arith.constant 8 : i32
    %mul3A_446 = arith.muli %add3A_444, %mul3A_445 : i32
    %add3A_447 = arith.constant 48 : i32
    %add3A_448 = arith.addi %mul3A_2, %add3A_447 : i32
    %add3A_449 = arith.constant 2 : i32
    %add3A_450 = arith.addi %add3A_448, %add3A_449 : i32
    %dma_start3A_451 = arith.constant 0 : i32
    %dma_start3A_452 = tpu.memref_slice %arg4[%add3A_450, %dma_start3A_451] : memref<4096x768xf32, #tpu.memory_space<hbm>> -> memref<2x768xf32, #tpu.memory_space<hbm>>
    %dma_start3A_453 = arith.constant 0 : i32
    %dma_start3A_454 = tpu.memref_slice %arg5[%mul3A_446, %dma_start3A_453] : memref<200x768xf32, #tpu.memory_space<vmem_shared>> -> memref<2x768xf32, #tpu.memory_space<vmem_shared>>
    tpu.enqueue_dma source(%dma_start3A_454 : memref<2x768xf32, #tpu.memory_space<vmem_shared>>) target(%dma_start3A_452 : memref<2x768xf32, #tpu.memory_space<hbm>>) target_semaphore(%arg7 : memref<!tpu.dma_semaphore, #tpu.memory_space<semaphore_mem>>)
    %slice3A_455 = vector.extract_strided_slice %get3A_420 {offsets = [4], sizes = [1], strides = [1]} : vector<16xi32> to vector<1xi32>
    %squeeze3A_456 = vector.extract %slice3A_455[0] : i32 from vector<1xi32>
    %mul3A_457 = arith.constant 5 : i32
    %mul3A_458 = arith.muli %squeeze3A_456, %mul3A_457 : i32
    %slice3A_459 = vector.extract_strided_slice %get3A_420 {offsets = [5], sizes = [1], strides = [1]} : vector<16xi32> to vector<1xi32>
    %squeeze3A_460 = vector.extract %slice3A_459[0] : i32 from vector<1xi32>
    %add3A_461 = arith.addi %mul3A_458, %squeeze3A_460 : i32
    %mul3A_462 = arith.constant 8 : i32
    %mul3A_463 = arith.muli %add3A_461, %mul3A_462 : i32
    %add3A_464 = arith.constant 48 : i32
    %add3A_465 = arith.addi %mul3A_2, %add3A_464 : i32
    %add3A_466 = arith.constant 4 : i32
    %add3A_467 = arith.addi %add3A_465, %add3A_466 : i32
    %dma_start3A_468 = arith.constant 0 : i32
    %dma_start3A_469 = tpu.memref_slice %arg4[%add3A_467, %dma_start3A_468] : memref<4096x768xf32, #tpu.memory_space<hbm>> -> memref<2x768xf32, #tpu.memory_space<hbm>>
    %dma_start3A_470 = arith.constant 0 : i32
    %dma_start3A_471 = tpu.memref_slice %arg5[%mul3A_463, %dma_start3A_470] : memref<200x768xf32, #tpu.memory_space<vmem_shared>> -> memref<2x768xf32, #tpu.memory_space<vmem_shared>>
    tpu.enqueue_dma source(%dma_start3A_471 : memref<2x768xf32, #tpu.memory_space<vmem_shared>>) target(%dma_start3A_469 : memref<2x768xf32, #tpu.memory_space<hbm>>) target_semaphore(%arg7 : memref<!tpu.dma_semaphore, #tpu.memory_space<semaphore_mem>>)
    %slice3A_472 = vector.extract_strided_slice %get3A_420 {offsets = [6], sizes = [1], strides = [1]} : vector<16xi32> to vector<1xi32>
    %squeeze3A_473 = vector.extract %slice3A_472[0] : i32 from vector<1xi32>
    %mul3A_474 = arith.constant 5 : i32
    %mul3A_475 = arith.muli %squeeze3A_473, %mul3A_474 : i32
    %slice3A_476 = vector.extract_strided_slice %get3A_420 {offsets = [7], sizes = [1], strides = [1]} : vector<16xi32> to vector<1xi32>
    %squeeze3A_477 = vector.extract %slice3A_476[0] : i32 from vector<1xi32>
    %add3A_478 = arith.addi %mul3A_475, %squeeze3A_477 : i32
    %mul3A_479 = arith.constant 8 : i32
    %mul3A_480 = arith.muli %add3A_478, %mul3A_479 : i32
    %add3A_481 = arith.constant 48 : i32
    %add3A_482 = arith.addi %mul3A_2, %add3A_481 : i32
    %add3A_483 = arith.constant 6 : i32
    %add3A_484 = arith.addi %add3A_482, %add3A_483 : i32
    %dma_start3A_485 = arith.constant 0 : i32
    %dma_start3A_486 = tpu.memref_slice %arg4[%add3A_484, %dma_start3A_485] : memref<4096x768xf32, #tpu.memory_space<hbm>> -> memref<2x768xf32, #tpu.memory_space<hbm>>
    %dma_start3A_487 = arith.constant 0 : i32
    %dma_start3A_488 = tpu.memref_slice %arg5[%mul3A_480, %dma_start3A_487] : memref<200x768xf32, #tpu.memory_space<vmem_shared>> -> memref<2x768xf32, #tpu.memory_space<vmem_shared>>
    tpu.enqueue_dma source(%dma_start3A_488 : memref<2x768xf32, #tpu.memory_space<vmem_shared>>) target(%dma_start3A_486 : memref<2x768xf32, #tpu.memory_space<hbm>>) target_semaphore(%arg7 : memref<!tpu.dma_semaphore, #tpu.memory_space<semaphore_mem>>)
    %slice3A_489 = vector.extract_strided_slice %get3A_420 {offsets = [8], sizes = [1], strides = [1]} : vector<16xi32> to vector<1xi32>
    %squeeze3A_490 = vector.extract %slice3A_489[0] : i32 from vector<1xi32>
    %mul3A_491 = arith.constant 5 : i32
    %mul3A_492 = arith.muli %squeeze3A_490, %mul3A_491 : i32
    %slice3A_493 = vector.extract_strided_slice %get3A_420 {offsets = [9], sizes = [1], strides = [1]} : vector<16xi32> to vector<1xi32>
    %squeeze3A_494 = vector.extract %slice3A_493[0] : i32 from vector<1xi32>
    %add3A_495 = arith.addi %mul3A_492, %squeeze3A_494 : i32
    %mul3A_496 = arith.constant 8 : i32
    %mul3A_497 = arith.muli %add3A_495, %mul3A_496 : i32
    %add3A_498 = arith.constant 48 : i32
    %add3A_499 = arith.addi %mul3A_2, %add3A_498 : i32
    %add3A_500 = arith.constant 8 : i32
    %add3A_501 = arith.addi %add3A_499, %add3A_500 : i32
    %dma_start3A_502 = arith.constant 0 : i32
    %dma_start3A_503 = tpu.memref_slice %arg4[%add3A_501, %dma_start3A_502] : memref<4096x768xf32, #tpu.memory_space<hbm>> -> memref<2x768xf32, #tpu.memory_space<hbm>>
    %dma_start3A_504 = arith.constant 0 : i32
    %dma_start3A_505 = tpu.memref_slice %arg5[%mul3A_497, %dma_start3A_504] : memref<200x768xf32, #tpu.memory_space<vmem_shared>> -> memref<2x768xf32, #tpu.memory_space<vmem_shared>>
    tpu.enqueue_dma source(%dma_start3A_505 : memref<2x768xf32, #tpu.memory_space<vmem_shared>>) target(%dma_start3A_503 : memref<2x768xf32, #tpu.memory_space<hbm>>) target_semaphore(%arg7 : memref<!tpu.dma_semaphore, #tpu.memory_space<semaphore_mem>>)
    %slice3A_506 = vector.extract_strided_slice %get3A_420 {offsets = [10], sizes = [1], strides = [1]} : vector<16xi32> to vector<1xi32>
    %squeeze3A_507 = vector.extract %slice3A_506[0] : i32 from vector<1xi32>
    %mul3A_508 = arith.constant 5 : i32
    %mul3A_509 = arith.muli %squeeze3A_507, %mul3A_508 : i32
    %slice3A_510 = vector.extract_strided_slice %get3A_420 {offsets = [11], sizes = [1], strides = [1]} : vector<16xi32> to vector<1xi32>
    %squeeze3A_511 = vector.extract %slice3A_510[0] : i32 from vector<1xi32>
    %add3A_512 = arith.addi %mul3A_509, %squeeze3A_511 : i32
    %mul3A_513 = arith.constant 8 : i32
    %mul3A_514 = arith.muli %add3A_512, %mul3A_513 : i32
    %add3A_515 = arith.constant 48 : i32
    %add3A_516 = arith.addi %mul3A_2, %add3A_515 : i32
    %add3A_517 = arith.constant 10 : i32
    %add3A_518 = arith.addi %add3A_516, %add3A_517 : i32
    %dma_start3A_519 = arith.constant 0 : i32
    %dma_start3A_520 = tpu.memref_slice %arg4[%add3A_518, %dma_start3A_519] : memref<4096x768xf32, #tpu.memory_space<hbm>> -> memref<2x768xf32, #tpu.memory_space<hbm>>
    %dma_start3A_521 = arith.constant 0 : i32
    %dma_start3A_522 = tpu.memref_slice %arg5[%mul3A_514, %dma_start3A_521] : memref<200x768xf32, #tpu.memory_space<vmem_shared>> -> memref<2x768xf32, #tpu.memory_space<vmem_shared>>
    tpu.enqueue_dma source(%dma_start3A_522 : memref<2x768xf32, #tpu.memory_space<vmem_shared>>) target(%dma_start3A_520 : memref<2x768xf32, #tpu.memory_space<hbm>>) target_semaphore(%arg7 : memref<!tpu.dma_semaphore, #tpu.memory_space<semaphore_mem>>)
    %slice3A_523 = vector.extract_strided_slice %get3A_420 {offsets = [12], sizes = [1], strides = [1]} : vector<16xi32> to vector<1xi32>
    %squeeze3A_524 = vector.extract %slice3A_523[0] : i32 from vector<1xi32>
    %mul3A_525 = arith.constant 5 : i32
    %mul3A_526 = arith.muli %squeeze3A_524, %mul3A_525 : i32
    %slice3A_527 = vector.extract_strided_slice %get3A_420 {offsets = [13], sizes = [1], strides = [1]} : vector<16xi32> to vector<1xi32>
    %squeeze3A_528 = vector.extract %slice3A_527[0] : i32 from vector<1xi32>
    %add3A_529 = arith.addi %mul3A_526, %squeeze3A_528 : i32
    %mul3A_530 = arith.constant 8 : i32
    %mul3A_531 = arith.muli %add3A_529, %mul3A_530 : i32
    %add3A_532 = arith.constant 48 : i32
    %add3A_533 = arith.addi %mul3A_2, %add3A_532 : i32
    %add3A_534 = arith.constant 12 : i32
    %add3A_535 = arith.addi %add3A_533, %add3A_534 : i32
    %dma_start3A_536 = arith.constant 0 : i32
    %dma_start3A_537 = tpu.memref_slice %arg4[%add3A_535, %dma_start3A_536] : memref<4096x768xf32, #tpu.memory_space<hbm>> -> memref<2x768xf32, #tpu.memory_space<hbm>>
    %dma_start3A_538 = arith.constant 0 : i32
    %dma_start3A_539 = tpu.memref_slice %arg5[%mul3A_531, %dma_start3A_538] : memref<200x768xf32, #tpu.memory_space<vmem_shared>> -> memref<2x768xf32, #tpu.memory_space<vmem_shared>>
    tpu.enqueue_dma source(%dma_start3A_539 : memref<2x768xf32, #tpu.memory_space<vmem_shared>>) target(%dma_start3A_537 : memref<2x768xf32, #tpu.memory_space<hbm>>) target_semaphore(%arg7 : memref<!tpu.dma_semaphore, #tpu.memory_space<semaphore_mem>>)
    %slice3A_540 = vector.extract_strided_slice %get3A_420 {offsets = [14], sizes = [1], strides = [1]} : vector<16xi32> to vector<1xi32>
    %squeeze3A_541 = vector.extract %slice3A_540[0] : i32 from vector<1xi32>
    %mul3A_542 = arith.constant 5 : i32
    %mul3A_543 = arith.muli %squeeze3A_541, %mul3A_542 : i32
    %slice3A_544 = vector.extract_strided_slice %get3A_420 {offsets = [15], sizes = [1], strides = [1]} : vector<16xi32> to vector<1xi32>
    %squeeze3A_545 = vector.extract %slice3A_544[0] : i32 from vector<1xi32>
    %add3A_546 = arith.addi %mul3A_543, %squeeze3A_545 : i32
    %mul3A_547 = arith.constant 8 : i32
    %mul3A_548 = arith.muli %add3A_546, %mul3A_547 : i32
    %add3A_549 = arith.constant 48 : i32
    %add3A_550 = arith.addi %mul3A_2, %add3A_549 : i32
    %add3A_551 = arith.constant 14 : i32
    %add3A_552 = arith.addi %add3A_550, %add3A_551 : i32
    %dma_start3A_553 = arith.constant 0 : i32
    %dma_start3A_554 = tpu.memref_slice %arg4[%add3A_552, %dma_start3A_553] : memref<4096x768xf32, #tpu.memory_space<hbm>> -> memref<2x768xf32, #tpu.memory_space<hbm>>
    %dma_start3A_555 = arith.constant 0 : i32
    %dma_start3A_556 = tpu.memref_slice %arg5[%mul3A_548, %dma_start3A_555] : memref<200x768xf32, #tpu.memory_space<vmem_shared>> -> memref<2x768xf32, #tpu.memory_space<vmem_shared>>
    tpu.enqueue_dma source(%dma_start3A_556 : memref<2x768xf32, #tpu.memory_space<vmem_shared>>) target(%dma_start3A_554 : memref<2x768xf32, #tpu.memory_space<hbm>>) target_semaphore(%arg7 : memref<!tpu.dma_semaphore, #tpu.memory_space<semaphore_mem>>)
    %get3A_557 = arith.constant 64 : index
    %get3A_558 = tpu.vector_load %arg6[%get3A_557] {strides = array<i32>} : memref<128xi32, #tpu.memory_space<vmem>>, vector<16xi32>,
    %get3A_559 = vector.shape_cast %get3A_558 : vector<16xi32> to vector<16xi32>
    %slice3A_560 = vector.extract_strided_slice %get3A_559 {offsets = [0], sizes = [1], strides = [1]} : vector<16xi32> to vector<1xi32>
    %squeeze3A_561 = vector.extract %slice3A_560[0] : i32 from vector<1xi32>
    %mul3A_562 = arith.constant 5 : i32
    %mul3A_563 = arith.muli %squeeze3A_561, %mul3A_562 : i32
    %slice3A_564 = vector.extract_strided_slice %get3A_559 {offsets = [1], sizes = [1], strides = [1]} : vector<16xi32> to vector<1xi32>
    %squeeze3A_565 = vector.extract %slice3A_564[0] : i32 from vector<1xi32>
    %add3A_566 = arith.addi %mul3A_563, %squeeze3A_565 : i32
    %mul3A_567 = arith.constant 8 : i32
    %mul3A_568 = arith.muli %add3A_566, %mul3A_567 : i32
    %add3A_569 = arith.constant 64 : i32
    %add3A_570 = arith.addi %mul3A_2, %add3A_569 : i32
    %add3A_571 = arith.constant 0 : i32
    %add3A_572 = arith.addi %add3A_570, %add3A_571 : i32
    %dma_start3A_573 = arith.constant 0 : i32
    %dma_start3A_574 = tpu.memref_slice %arg4[%add3A_572, %dma_start3A_573] : memref<4096x768xf32, #tpu.memory_space<hbm>> -> memref<2x768xf32, #tpu.memory_space<hbm>>
    %dma_start3A_575 = arith.constant 0 : i32
    %dma_start3A_576 = tpu.memref_slice %arg5[%mul3A_568, %dma_start3A_575] : memref<200x768xf32, #tpu.memory_space<vmem_shared>> -> memref<2x768xf32, #tpu.memory_space<vmem_shared>>
    tpu.enqueue_dma source(%dma_start3A_576 : memref<2x768xf32, #tpu.memory_space<vmem_shared>>) target(%dma_start3A_574 : memref<2x768xf32, #tpu.memory_space<hbm>>) target_semaphore(%arg7 : memref<!tpu.dma_semaphore, #tpu.memory_space<semaphore_mem>>)
    %slice3A_577 = vector.extract_strided_slice %get3A_559 {offsets = [2], sizes = [1], strides = [1]} : vector<16xi32> to vector<1xi32>
    %squeeze3A_578 = vector.extract %slice3A_577[0] : i32 from vector<1xi32>
    %mul3A_579 = arith.constant 5 : i32
    %mul3A_580 = arith.muli %squeeze3A_578, %mul3A_579 : i32
    %slice3A_581 = vector.extract_strided_slice %get3A_559 {offsets = [3], sizes = [1], strides = [1]} : vector<16xi32> to vector<1xi32>
    %squeeze3A_582 = vector.extract %slice3A_581[0] : i32 from vector<1xi32>
    %add3A_583 = arith.addi %mul3A_580, %squeeze3A_582 : i32
    %mul3A_584 = arith.constant 8 : i32
    %mul3A_585 = arith.muli %add3A_583, %mul3A_584 : i32
    %add3A_586 = arith.constant 64 : i32
    %add3A_587 = arith.addi %mul3A_2, %add3A_586 : i32
    %add3A_588 = arith.constant 2 : i32
    %add3A_589 = arith.addi %add3A_587, %add3A_588 : i32
    %dma_start3A_590 = arith.constant 0 : i32
    %dma_start3A_591 = tpu.memref_slice %arg4[%add3A_589, %dma_start3A_590] : memref<4096x768xf32, #tpu.memory_space<hbm>> -> memref<2x768xf32, #tpu.memory_space<hbm>>
    %dma_start3A_592 = arith.constant 0 : i32
    %dma_start3A_593 = tpu.memref_slice %arg5[%mul3A_585, %dma_start3A_592] : memref<200x768xf32, #tpu.memory_space<vmem_shared>> -> memref<2x768xf32, #tpu.memory_space<vmem_shared>>
    tpu.enqueue_dma source(%dma_start3A_593 : memref<2x768xf32, #tpu.memory_space<vmem_shared>>) target(%dma_start3A_591 : memref<2x768xf32, #tpu.memory_space<hbm>>) target_semaphore(%arg7 : memref<!tpu.dma_semaphore, #tpu.memory_space<semaphore_mem>>)
    %slice3A_594 = vector.extract_strided_slice %get3A_559 {offsets = [4], sizes = [1], strides = [1]} : vector<16xi32> to vector<1xi32>
    %squeeze3A_595 = vector.extract %slice3A_594[0] : i32 from vector<1xi32>
    %mul3A_596 = arith.constant 5 : i32
    %mul3A_597 = arith.muli %squeeze3A_595, %mul3A_596 : i32
    %slice3A_598 = vector.extract_strided_slice %get3A_559 {offsets = [5], sizes = [1], strides = [1]} : vector<16xi32> to vector<1xi32>
    %squeeze3A_599 = vector.extract %slice3A_598[0] : i32 from vector<1xi32>
    %add3A_600 = arith.addi %mul3A_597, %squeeze3A_599 : i32
    %mul3A_601 = arith.constant 8 : i32
    %mul3A_602 = arith.muli %add3A_600, %mul3A_601 : i32
    %add3A_603 = arith.constant 64 : i32
    %add3A_604 = arith.addi %mul3A_2, %add3A_603 : i32
    %add3A_605 = arith.constant 4 : i32
    %add3A_606 = arith.addi %add3A_604, %add3A_605 : i32
    %dma_start3A_607 = arith.constant 0 : i32
    %dma_start3A_608 = tpu.memref_slice %arg4[%add3A_606, %dma_start3A_607] : memref<4096x768xf32, #tpu.memory_space<hbm>> -> memref<2x768xf32, #tpu.memory_space<hbm>>
    %dma_start3A_609 = arith.constant 0 : i32
    %dma_start3A_610 = tpu.memref_slice %arg5[%mul3A_602, %dma_start3A_609] : memref<200x768xf32, #tpu.memory_space<vmem_shared>> -> memref<2x768xf32, #tpu.memory_space<vmem_shared>>
    tpu.enqueue_dma source(%dma_start3A_610 : memref<2x768xf32, #tpu.memory_space<vmem_shared>>) target(%dma_start3A_608 : memref<2x768xf32, #tpu.memory_space<hbm>>) target_semaphore(%arg7 : memref<!tpu.dma_semaphore, #tpu.memory_space<semaphore_mem>>)
    %slice3A_611 = vector.extract_strided_slice %get3A_559 {offsets = [6], sizes = [1], strides = [1]} : vector<16xi32> to vector<1xi32>
    %squeeze3A_612 = vector.extract %slice3A_611[0] : i32 from vector<1xi32>
    %mul3A_613 = arith.constant 5 : i32
    %mul3A_614 = arith.muli %squeeze3A_612, %mul3A_613 : i32
    %slice3A_615 = vector.extract_strided_slice %get3A_559 {offsets = [7], sizes = [1], strides = [1]} : vector<16xi32> to vector<1xi32>
    %squeeze3A_616 = vector.extract %slice3A_615[0] : i32 from vector<1xi32>
    %add3A_617 = arith.addi %mul3A_614, %squeeze3A_616 : i32
    %mul3A_618 = arith.constant 8 : i32
    %mul3A_619 = arith.muli %add3A_617, %mul3A_618 : i32
    %add3A_620 = arith.constant 64 : i32
    %add3A_621 = arith.addi %mul3A_2, %add3A_620 : i32
    %add3A_622 = arith.constant 6 : i32
    %add3A_623 = arith.addi %add3A_621, %add3A_622 : i32
    %dma_start3A_624 = arith.constant 0 : i32
    %dma_start3A_625 = tpu.memref_slice %arg4[%add3A_623, %dma_start3A_624] : memref<4096x768xf32, #tpu.memory_space<hbm>> -> memref<2x768xf32, #tpu.memory_space<hbm>>
    %dma_start3A_626 = arith.constant 0 : i32
    %dma_start3A_627 = tpu.memref_slice %arg5[%mul3A_619, %dma_start3A_626] : memref<200x768xf32, #tpu.memory_space<vmem_shared>> -> memref<2x768xf32, #tpu.memory_space<vmem_shared>>
    tpu.enqueue_dma source(%dma_start3A_627 : memref<2x768xf32, #tpu.memory_space<vmem_shared>>) target(%dma_start3A_625 : memref<2x768xf32, #tpu.memory_space<hbm>>) target_semaphore(%arg7 : memref<!tpu.dma_semaphore, #tpu.memory_space<semaphore_mem>>)
    %slice3A_628 = vector.extract_strided_slice %get3A_559 {offsets = [8], sizes = [1], strides = [1]} : vector<16xi32> to vector<1xi32>
    %squeeze3A_629 = vector.extract %slice3A_628[0] : i32 from vector<1xi32>
    %mul3A_630 = arith.constant 5 : i32
    %mul3A_631 = arith.muli %squeeze3A_629, %mul3A_630 : i32
    %slice3A_632 = vector.extract_strided_slice %get3A_559 {offsets = [9], sizes = [1], strides = [1]} : vector<16xi32> to vector<1xi32>
    %squeeze3A_633 = vector.extract %slice3A_632[0] : i32 from vector<1xi32>
    %add3A_634 = arith.addi %mul3A_631, %squeeze3A_633 : i32
    %mul3A_635 = arith.constant 8 : i32
    %mul3A_636 = arith.muli %add3A_634, %mul3A_635 : i32
    %add3A_637 = arith.constant 64 : i32
    %add3A_638 = arith.addi %mul3A_2, %add3A_637 : i32
    %add3A_639 = arith.constant 8 : i32
    %add3A_640 = arith.addi %add3A_638, %add3A_639 : i32
    %dma_start3A_641 = arith.constant 0 : i32
    %dma_start3A_642 = tpu.memref_slice %arg4[%add3A_640, %dma_start3A_641] : memref<4096x768xf32, #tpu.memory_space<hbm>> -> memref<2x768xf32, #tpu.memory_space<hbm>>
    %dma_start3A_643 = arith.constant 0 : i32
    %dma_start3A_644 = tpu.memref_slice %arg5[%mul3A_636, %dma_start3A_643] : memref<200x768xf32, #tpu.memory_space<vmem_shared>> -> memref<2x768xf32, #tpu.memory_space<vmem_shared>>
    tpu.enqueue_dma source(%dma_start3A_644 : memref<2x768xf32, #tpu.memory_space<vmem_shared>>) target(%dma_start3A_642 : memref<2x768xf32, #tpu.memory_space<hbm>>) target_semaphore(%arg7 : memref<!tpu.dma_semaphore, #tpu.memory_space<semaphore_mem>>)
    %slice3A_645 = vector.extract_strided_slice %get3A_559 {offsets = [10], sizes = [1], strides = [1]} : vector<16xi32> to vector<1xi32>
    %squeeze3A_646 = vector.extract %slice3A_645[0] : i32 from vector<1xi32>
    %mul3A_647 = arith.constant 5 : i32
    %mul3A_648 = arith.muli %squeeze3A_646, %mul3A_647 : i32
    %slice3A_649 = vector.extract_strided_slice %get3A_559 {offsets = [11], sizes = [1], strides = [1]} : vector<16xi32> to vector<1xi32>
    %squeeze3A_650 = vector.extract %slice3A_649[0] : i32 from vector<1xi32>
    %add3A_651 = arith.addi %mul3A_648, %squeeze3A_650 : i32
    %mul3A_652 = arith.constant 8 : i32
    %mul3A_653 = arith.muli %add3A_651, %mul3A_652 : i32
    %add3A_654 = arith.constant 64 : i32
    %add3A_655 = arith.addi %mul3A_2, %add3A_654 : i32
    %add3A_656 = arith.constant 10 : i32
    %add3A_657 = arith.addi %add3A_655, %add3A_656 : i32
    %dma_start3A_658 = arith.constant 0 : i32
    %dma_start3A_659 = tpu.memref_slice %arg4[%add3A_657, %dma_start3A_658] : memref<4096x768xf32, #tpu.memory_space<hbm>> -> memref<2x768xf32, #tpu.memory_space<hbm>>
    %dma_start3A_660 = arith.constant 0 : i32
    %dma_start3A_661 = tpu.memref_slice %arg5[%mul3A_653, %dma_start3A_660] : memref<200x768xf32, #tpu.memory_space<vmem_shared>> -> memref<2x768xf32, #tpu.memory_space<vmem_shared>>
    tpu.enqueue_dma source(%dma_start3A_661 : memref<2x768xf32, #tpu.memory_space<vmem_shared>>) target(%dma_start3A_659 : memref<2x768xf32, #tpu.memory_space<hbm>>) target_semaphore(%arg7 : memref<!tpu.dma_semaphore, #tpu.memory_space<semaphore_mem>>)
    %slice3A_662 = vector.extract_strided_slice %get3A_559 {offsets = [12], sizes = [1], strides = [1]} : vector<16xi32> to vector<1xi32>
    %squeeze3A_663 = vector.extract %slice3A_662[0] : i32 from vector<1xi32>
    %mul3A_664 = arith.constant 5 : i32
    %mul3A_665 = arith.muli %squeeze3A_663, %mul3A_664 : i32
    %slice3A_666 = vector.extract_strided_slice %get3A_559 {offsets = [13], sizes = [1], strides = [1]} : vector<16xi32> to vector<1xi32>
    %squeeze3A_667 = vector.extract %slice3A_666[0] : i32 from vector<1xi32>
    %add3A_668 = arith.addi %mul3A_665, %squeeze3A_667 : i32
    %mul3A_669 = arith.constant 8 : i32
    %mul3A_670 = arith.muli %add3A_668, %mul3A_669 : i32
    %add3A_671 = arith.constant 64 : i32
    %add3A_672 = arith.addi %mul3A_2, %add3A_671 : i32
    %add3A_673 = arith.constant 12 : i32
    %add3A_674 = arith.addi %add3A_672, %add3A_673 : i32
    %dma_start3A_675 = arith.constant 0 : i32
    %dma_start3A_676 = tpu.memref_slice %arg4[%add3A_674, %dma_start3A_675] : memref<4096x768xf32, #tpu.memory_space<hbm>> -> memref<2x768xf32, #tpu.memory_space<hbm>>
    %dma_start3A_677 = arith.constant 0 : i32
    %dma_start3A_678 = tpu.memref_slice %arg5[%mul3A_670, %dma_start3A_677] : memref<200x768xf32, #tpu.memory_space<vmem_shared>> -> memref<2x768xf32, #tpu.memory_space<vmem_shared>>
    tpu.enqueue_dma source(%dma_start3A_678 : memref<2x768xf32, #tpu.memory_space<vmem_shared>>) target(%dma_start3A_676 : memref<2x768xf32, #tpu.memory_space<hbm>>) target_semaphore(%arg7 : memref<!tpu.dma_semaphore, #tpu.memory_space<semaphore_mem>>)
    %slice3A_679 = vector.extract_strided_slice %get3A_559 {offsets = [14], sizes = [1], strides = [1]} : vector<16xi32> to vector<1xi32>
    %squeeze3A_680 = vector.extract %slice3A_679[0] : i32 from vector<1xi32>
    %mul3A_681 = arith.constant 5 : i32
    %mul3A_682 = arith.muli %squeeze3A_680, %mul3A_681 : i32
    %slice3A_683 = vector.extract_strided_slice %get3A_559 {offsets = [15], sizes = [1], strides = [1]} : vector<16xi32> to vector<1xi32>
    %squeeze3A_684 = vector.extract %slice3A_683[0] : i32 from vector<1xi32>
    %add3A_685 = arith.addi %mul3A_682, %squeeze3A_684 : i32
    %mul3A_686 = arith.constant 8 : i32
    %mul3A_687 = arith.muli %add3A_685, %mul3A_686 : i32
    %add3A_688 = arith.constant 64 : i32
    %add3A_689 = arith.addi %mul3A_2, %add3A_688 : i32
    %add3A_690 = arith.constant 14 : i32
    %add3A_691 = arith.addi %add3A_689, %add3A_690 : i32
    %dma_start3A_692 = arith.constant 0 : i32
    %dma_start3A_693 = tpu.memref_slice %arg4[%add3A_691, %dma_start3A_692] : memref<4096x768xf32, #tpu.memory_space<hbm>> -> memref<2x768xf32, #tpu.memory_space<hbm>>
    %dma_start3A_694 = arith.constant 0 : i32
    %dma_start3A_695 = tpu.memref_slice %arg5[%mul3A_687, %dma_start3A_694] : memref<200x768xf32, #tpu.memory_space<vmem_shared>> -> memref<2x768xf32, #tpu.memory_space<vmem_shared>>
    tpu.enqueue_dma source(%dma_start3A_695 : memref<2x768xf32, #tpu.memory_space<vmem_shared>>) target(%dma_start3A_693 : memref<2x768xf32, #tpu.memory_space<hbm>>) target_semaphore(%arg7 : memref<!tpu.dma_semaphore, #tpu.memory_space<semaphore_mem>>)
    %get3A_696 = arith.constant 80 : index
    %get3A_697 = tpu.vector_load %arg6[%get3A_696] {strides = array<i32>} : memref<128xi32, #tpu.memory_space<vmem>>, vector<16xi32>,
    %get3A_698 = vector.shape_cast %get3A_697 : vector<16xi32> to vector<16xi32>
    %slice3A_699 = vector.extract_strided_slice %get3A_698 {offsets = [0], sizes = [1], strides = [1]} : vector<16xi32> to vector<1xi32>
    %squeeze3A_700 = vector.extract %slice3A_699[0] : i32 from vector<1xi32>
    %mul3A_701 = arith.constant 5 : i32
    %mul3A_702 = arith.muli %squeeze3A_700, %mul3A_701 : i32
    %slice3A_703 = vector.extract_strided_slice %get3A_698 {offsets = [1], sizes = [1], strides = [1]} : vector<16xi32> to vector<1xi32>
    %squeeze3A_704 = vector.extract %slice3A_703[0] : i32 from vector<1xi32>
    %add3A_705 = arith.addi %mul3A_702, %squeeze3A_704 : i32
    %mul3A_706 = arith.constant 8 : i32
    %mul3A_707 = arith.muli %add3A_705, %mul3A_706 : i32
    %add3A_708 = arith.constant 80 : i32
    %add3A_709 = arith.addi %mul3A_2, %add3A_708 : i32
    %add3A_710 = arith.constant 0 : i32
    %add3A_711 = arith.addi %add3A_709, %add3A_710 : i32
    %dma_start3A_712 = arith.constant 0 : i32
    %dma_start3A_713 = tpu.memref_slice %arg4[%add3A_711, %dma_start3A_712] : memref<4096x768xf32, #tpu.memory_space<hbm>> -> memref<2x768xf32, #tpu.memory_space<hbm>>
    %dma_start3A_714 = arith.constant 0 : i32
    %dma_start3A_715 = tpu.memref_slice %arg5[%mul3A_707, %dma_start3A_714] : memref<200x768xf32, #tpu.memory_space<vmem_shared>> -> memref<2x768xf32, #tpu.memory_space<vmem_shared>>
    tpu.enqueue_dma source(%dma_start3A_715 : memref<2x768xf32, #tpu.memory_space<vmem_shared>>) target(%dma_start3A_713 : memref<2x768xf32, #tpu.memory_space<hbm>>) target_semaphore(%arg7 : memref<!tpu.dma_semaphore, #tpu.memory_space<semaphore_mem>>)
    %slice3A_716 = vector.extract_strided_slice %get3A_698 {offsets = [2], sizes = [1], strides = [1]} : vector<16xi32> to vector<1xi32>
    %squeeze3A_717 = vector.extract %slice3A_716[0] : i32 from vector<1xi32>
    %mul3A_718 = arith.constant 5 : i32
    %mul3A_719 = arith.muli %squeeze3A_717, %mul3A_718 : i32
    %slice3A_720 = vector.extract_strided_slice %get3A_698 {offsets = [3], sizes = [1], strides = [1]} : vector<16xi32> to vector<1xi32>
    %squeeze3A_721 = vector.extract %slice3A_720[0] : i32 from vector<1xi32>
    %add3A_722 = arith.addi %mul3A_719, %squeeze3A_721 : i32
    %mul3A_723 = arith.constant 8 : i32
    %mul3A_724 = arith.muli %add3A_722, %mul3A_723 : i32
    %add3A_725 = arith.constant 80 : i32
    %add3A_726 = arith.addi %mul3A_2, %add3A_725 : i32
    %add3A_727 = arith.constant 2 : i32
    %add3A_728 = arith.addi %add3A_726, %add3A_727 : i32
    %dma_start3A_729 = arith.constant 0 : i32
    %dma_start3A_730 = tpu.memref_slice %arg4[%add3A_728, %dma_start3A_729] : memref<4096x768xf32, #tpu.memory_space<hbm>> -> memref<2x768xf32, #tpu.memory_space<hbm>>
    %dma_start3A_731 = arith.constant 0 : i32
    %dma_start3A_732 = tpu.memref_slice %arg5[%mul3A_724, %dma_start3A_731] : memref<200x768xf32, #tpu.memory_space<vmem_shared>> -> memref<2x768xf32, #tpu.memory_space<vmem_shared>>
    tpu.enqueue_dma source(%dma_start3A_732 : memref<2x768xf32, #tpu.memory_space<vmem_shared>>) target(%dma_start3A_730 : memref<2x768xf32, #tpu.memory_space<hbm>>) target_semaphore(%arg7 : memref<!tpu.dma_semaphore, #tpu.memory_space<semaphore_mem>>)
    %slice3A_733 = vector.extract_strided_slice %get3A_698 {offsets = [4], sizes = [1], strides = [1]} : vector<16xi32> to vector<1xi32>
    %squeeze3A_734 = vector.extract %slice3A_733[0] : i32 from vector<1xi32>
    %mul3A_735 = arith.constant 5 : i32
    %mul3A_736 = arith.muli %squeeze3A_734, %mul3A_735 : i32
    %slice3A_737 = vector.extract_strided_slice %get3A_698 {offsets = [5], sizes = [1], strides = [1]} : vector<16xi32> to vector<1xi32>
    %squeeze3A_738 = vector.extract %slice3A_737[0] : i32 from vector<1xi32>
    %add3A_739 = arith.addi %mul3A_736, %squeeze3A_738 : i32
    %mul3A_740 = arith.constant 8 : i32
    %mul3A_741 = arith.muli %add3A_739, %mul3A_740 : i32
    %add3A_742 = arith.constant 80 : i32
    %add3A_743 = arith.addi %mul3A_2, %add3A_742 : i32
    %add3A_744 = arith.constant 4 : i32
    %add3A_745 = arith.addi %add3A_743, %add3A_744 : i32
    %dma_start3A_746 = arith.constant 0 : i32
    %dma_start3A_747 = tpu.memref_slice %arg4[%add3A_745, %dma_start3A_746] : memref<4096x768xf32, #tpu.memory_space<hbm>> -> memref<2x768xf32, #tpu.memory_space<hbm>>
    %dma_start3A_748 = arith.constant 0 : i32
    %dma_start3A_749 = tpu.memref_slice %arg5[%mul3A_741, %dma_start3A_748] : memref<200x768xf32, #tpu.memory_space<vmem_shared>> -> memref<2x768xf32, #tpu.memory_space<vmem_shared>>
    tpu.enqueue_dma source(%dma_start3A_749 : memref<2x768xf32, #tpu.memory_space<vmem_shared>>) target(%dma_start3A_747 : memref<2x768xf32, #tpu.memory_space<hbm>>) target_semaphore(%arg7 : memref<!tpu.dma_semaphore, #tpu.memory_space<semaphore_mem>>)
    %slice3A_750 = vector.extract_strided_slice %get3A_698 {offsets = [6], sizes = [1], strides = [1]} : vector<16xi32> to vector<1xi32>
    %squeeze3A_751 = vector.extract %slice3A_750[0] : i32 from vector<1xi32>
    %mul3A_752 = arith.constant 5 : i32
    %mul3A_753 = arith.muli %squeeze3A_751, %mul3A_752 : i32
    %slice3A_754 = vector.extract_strided_slice %get3A_698 {offsets = [7], sizes = [1], strides = [1]} : vector<16xi32> to vector<1xi32>
    %squeeze3A_755 = vector.extract %slice3A_754[0] : i32 from vector<1xi32>
    %add3A_756 = arith.addi %mul3A_753, %squeeze3A_755 : i32
    %mul3A_757 = arith.constant 8 : i32
    %mul3A_758 = arith.muli %add3A_756, %mul3A_757 : i32
    %add3A_759 = arith.constant 80 : i32
    %add3A_760 = arith.addi %mul3A_2, %add3A_759 : i32
    %add3A_761 = arith.constant 6 : i32
    %add3A_762 = arith.addi %add3A_760, %add3A_761 : i32
    %dma_start3A_763 = arith.constant 0 : i32
    %dma_start3A_764 = tpu.memref_slice %arg4[%add3A_762, %dma_start3A_763] : memref<4096x768xf32, #tpu.memory_space<hbm>> -> memref<2x768xf32, #tpu.memory_space<hbm>>
    %dma_start3A_765 = arith.constant 0 : i32
    %dma_start3A_766 = tpu.memref_slice %arg5[%mul3A_758, %dma_start3A_765] : memref<200x768xf32, #tpu.memory_space<vmem_shared>> -> memref<2x768xf32, #tpu.memory_space<vmem_shared>>
    tpu.enqueue_dma source(%dma_start3A_766 : memref<2x768xf32, #tpu.memory_space<vmem_shared>>) target(%dma_start3A_764 : memref<2x768xf32, #tpu.memory_space<hbm>>) target_semaphore(%arg7 : memref<!tpu.dma_semaphore, #tpu.memory_space<semaphore_mem>>)
    %slice3A_767 = vector.extract_strided_slice %get3A_698 {offsets = [8], sizes = [1], strides = [1]} : vector<16xi32> to vector<1xi32>
    %squeeze3A_768 = vector.extract %slice3A_767[0] : i32 from vector<1xi32>
    %mul3A_769 = arith.constant 5 : i32
    %mul3A_770 = arith.muli %squeeze3A_768, %mul3A_769 : i32
    %slice3A_771 = vector.extract_strided_slice %get3A_698 {offsets = [9], sizes = [1], strides = [1]} : vector<16xi32> to vector<1xi32>
    %squeeze3A_772 = vector.extract %slice3A_771[0] : i32 from vector<1xi32>
    %add3A_773 = arith.addi %mul3A_770, %squeeze3A_772 : i32
    %mul3A_774 = arith.constant 8 : i32
    %mul3A_775 = arith.muli %add3A_773, %mul3A_774 : i32
    %add3A_776 = arith.constant 80 : i32
    %add3A_777 = arith.addi %mul3A_2, %add3A_776 : i32
    %add3A_778 = arith.constant 8 : i32
    %add3A_779 = arith.addi %add3A_777, %add3A_778 : i32
    %dma_start3A_780 = arith.constant 0 : i32
    %dma_start3A_781 = tpu.memref_slice %arg4[%add3A_779, %dma_start3A_780] : memref<4096x768xf32, #tpu.memory_space<hbm>> -> memref<2x768xf32, #tpu.memory_space<hbm>>
    %dma_start3A_782 = arith.constant 0 : i32
    %dma_start3A_783 = tpu.memref_slice %arg5[%mul3A_775, %dma_start3A_782] : memref<200x768xf32, #tpu.memory_space<vmem_shared>> -> memref<2x768xf32, #tpu.memory_space<vmem_shared>>
    tpu.enqueue_dma source(%dma_start3A_783 : memref<2x768xf32, #tpu.memory_space<vmem_shared>>) target(%dma_start3A_781 : memref<2x768xf32, #tpu.memory_space<hbm>>) target_semaphore(%arg7 : memref<!tpu.dma_semaphore, #tpu.memory_space<semaphore_mem>>)
    %slice3A_784 = vector.extract_strided_slice %get3A_698 {offsets = [10], sizes = [1], strides = [1]} : vector<16xi32> to vector<1xi32>
    %squeeze3A_785 = vector.extract %slice3A_784[0] : i32 from vector<1xi32>
    %mul3A_786 = arith.constant 5 : i32
    %mul3A_787 = arith.muli %squeeze3A_785, %mul3A_786 : i32
    %slice3A_788 = vector.extract_strided_slice %get3A_698 {offsets = [11], sizes = [1], strides = [1]} : vector<16xi32> to vector<1xi32>
    %squeeze3A_789 = vector.extract %slice3A_788[0] : i32 from vector<1xi32>
    %add3A_790 = arith.addi %mul3A_787, %squeeze3A_789 : i32
    %mul3A_791 = arith.constant 8 : i32
    %mul3A_792 = arith.muli %add3A_790, %mul3A_791 : i32
    %add3A_793 = arith.constant 80 : i32
    %add3A_794 = arith.addi %mul3A_2, %add3A_793 : i32
    %add3A_795 = arith.constant 10 : i32
    %add3A_796 = arith.addi %add3A_794, %add3A_795 : i32
    %dma_start3A_797 = arith.constant 0 : i32
    %dma_start3A_798 = tpu.memref_slice %arg4[%add3A_796, %dma_start3A_797] : memref<4096x768xf32, #tpu.memory_space<hbm>> -> memref<2x768xf32, #tpu.memory_space<hbm>>
    %dma_start3A_799 = arith.constant 0 : i32
    %dma_start3A_800 = tpu.memref_slice %arg5[%mul3A_792, %dma_start3A_799] : memref<200x768xf32, #tpu.memory_space<vmem_shared>> -> memref<2x768xf32, #tpu.memory_space<vmem_shared>>
    tpu.enqueue_dma source(%dma_start3A_800 : memref<2x768xf32, #tpu.memory_space<vmem_shared>>) target(%dma_start3A_798 : memref<2x768xf32, #tpu.memory_space<hbm>>) target_semaphore(%arg7 : memref<!tpu.dma_semaphore, #tpu.memory_space<semaphore_mem>>)
    %slice3A_801 = vector.extract_strided_slice %get3A_698 {offsets = [12], sizes = [1], strides = [1]} : vector<16xi32> to vector<1xi32>
    %squeeze3A_802 = vector.extract %slice3A_801[0] : i32 from vector<1xi32>
    %mul3A_803 = arith.constant 5 : i32
    %mul3A_804 = arith.muli %squeeze3A_802, %mul3A_803 : i32
    %slice3A_805 = vector.extract_strided_slice %get3A_698 {offsets = [13], sizes = [1], strides = [1]} : vector<16xi32> to vector<1xi32>
    %squeeze3A_806 = vector.extract %slice3A_805[0] : i32 from vector<1xi32>
    %add3A_807 = arith.addi %mul3A_804, %squeeze3A_806 : i32
    %mul3A_808 = arith.constant 8 : i32
    %mul3A_809 = arith.muli %add3A_807, %mul3A_808 : i32
    %add3A_810 = arith.constant 80 : i32
    %add3A_811 = arith.addi %mul3A_2, %add3A_810 : i32
    %add3A_812 = arith.constant 12 : i32
    %add3A_813 = arith.addi %add3A_811, %add3A_812 : i32
    %dma_start3A_814 = arith.constant 0 : i32
    %dma_start3A_815 = tpu.memref_slice %arg4[%add3A_813, %dma_start3A_814] : memref<4096x768xf32, #tpu.memory_space<hbm>> -> memref<2x768xf32, #tpu.memory_space<hbm>>
    %dma_start3A_816 = arith.constant 0 : i32
    %dma_start3A_817 = tpu.memref_slice %arg5[%mul3A_809, %dma_start3A_816] : memref<200x768xf32, #tpu.memory_space<vmem_shared>> -> memref<2x768xf32, #tpu.memory_space<vmem_shared>>
    tpu.enqueue_dma source(%dma_start3A_817 : memref<2x768xf32, #tpu.memory_space<vmem_shared>>) target(%dma_start3A_815 : memref<2x768xf32, #tpu.memory_space<hbm>>) target_semaphore(%arg7 : memref<!tpu.dma_semaphore, #tpu.memory_space<semaphore_mem>>)
    %slice3A_818 = vector.extract_strided_slice %get3A_698 {offsets = [14], sizes = [1], strides = [1]} : vector<16xi32> to vector<1xi32>
    %squeeze3A_819 = vector.extract %slice3A_818[0] : i32 from vector<1xi32>
    %mul3A_820 = arith.constant 5 : i32
    %mul3A_821 = arith.muli %squeeze3A_819, %mul3A_820 : i32
    %slice3A_822 = vector.extract_strided_slice %get3A_698 {offsets = [15], sizes = [1], strides = [1]} : vector<16xi32> to vector<1xi32>
    %squeeze3A_823 = vector.extract %slice3A_822[0] : i32 from vector<1xi32>
    %add3A_824 = arith.addi %mul3A_821, %squeeze3A_823 : i32
    %mul3A_825 = arith.constant 8 : i32
    %mul3A_826 = arith.muli %add3A_824, %mul3A_825 : i32
    %add3A_827 = arith.constant 80 : i32
    %add3A_828 = arith.addi %mul3A_2, %add3A_827 : i32
    %add3A_829 = arith.constant 14 : i32
    %add3A_830 = arith.addi %add3A_828, %add3A_829 : i32
    %dma_start3A_831 = arith.constant 0 : i32
    %dma_start3A_832 = tpu.memref_slice %arg4[%add3A_830, %dma_start3A_831] : memref<4096x768xf32, #tpu.memory_space<hbm>> -> memref<2x768xf32, #tpu.memory_space<hbm>>
    %dma_start3A_833 = arith.constant 0 : i32
    %dma_start3A_834 = tpu.memref_slice %arg5[%mul3A_826, %dma_start3A_833] : memref<200x768xf32, #tpu.memory_space<vmem_shared>> -> memref<2x768xf32, #tpu.memory_space<vmem_shared>>
    tpu.enqueue_dma source(%dma_start3A_834 : memref<2x768xf32, #tpu.memory_space<vmem_shared>>) target(%dma_start3A_832 : memref<2x768xf32, #tpu.memory_space<hbm>>) target_semaphore(%arg7 : memref<!tpu.dma_semaphore, #tpu.memory_space<semaphore_mem>>)
    %get3A_835 = arith.constant 96 : index
    %get3A_836 = tpu.vector_load %arg6[%get3A_835] {strides = array<i32>} : memref<128xi32, #tpu.memory_space<vmem>>, vector<16xi32>,
    %get3A_837 = vector.shape_cast %get3A_836 : vector<16xi32> to vector<16xi32>
    %slice3A_838 = vector.extract_strided_slice %get3A_837 {offsets = [0], sizes = [1], strides = [1]} : vector<16xi32> to vector<1xi32>
    %squeeze3A_839 = vector.extract %slice3A_838[0] : i32 from vector<1xi32>
    %mul3A_840 = arith.constant 5 : i32
    %mul3A_841 = arith.muli %squeeze3A_839, %mul3A_840 : i32
    %slice3A_842 = vector.extract_strided_slice %get3A_837 {offsets = [1], sizes = [1], strides = [1]} : vector<16xi32> to vector<1xi32>
    %squeeze3A_843 = vector.extract %slice3A_842[0] : i32 from vector<1xi32>
    %add3A_844 = arith.addi %mul3A_841, %squeeze3A_843 : i32
    %mul3A_845 = arith.constant 8 : i32
    %mul3A_846 = arith.muli %add3A_844, %mul3A_845 : i32
    %add3A_847 = arith.constant 96 : i32
    %add3A_848 = arith.addi %mul3A_2, %add3A_847 : i32
    %add3A_849 = arith.constant 0 : i32
    %add3A_850 = arith.addi %add3A_848, %add3A_849 : i32
    %dma_start3A_851 = arith.constant 0 : i32
    %dma_start3A_852 = tpu.memref_slice %arg4[%add3A_850, %dma_start3A_851] : memref<4096x768xf32, #tpu.memory_space<hbm>> -> memref<2x768xf32, #tpu.memory_space<hbm>>
    %dma_start3A_853 = arith.constant 0 : i32
    %dma_start3A_854 = tpu.memref_slice %arg5[%mul3A_846, %dma_start3A_853] : memref<200x768xf32, #tpu.memory_space<vmem_shared>> -> memref<2x768xf32, #tpu.memory_space<vmem_shared>>
    tpu.enqueue_dma source(%dma_start3A_854 : memref<2x768xf32, #tpu.memory_space<vmem_shared>>) target(%dma_start3A_852 : memref<2x768xf32, #tpu.memory_space<hbm>>) target_semaphore(%arg7 : memref<!tpu.dma_semaphore, #tpu.memory_space<semaphore_mem>>)
    %slice3A_855 = vector.extract_strided_slice %get3A_837 {offsets = [2], sizes = [1], strides = [1]} : vector<16xi32> to vector<1xi32>
    %squeeze3A_856 = vector.extract %slice3A_855[0] : i32 from vector<1xi32>
    %mul3A_857 = arith.constant 5 : i32
    %mul3A_858 = arith.muli %squeeze3A_856, %mul3A_857 : i32
    %slice3A_859 = vector.extract_strided_slice %get3A_837 {offsets = [3], sizes = [1], strides = [1]} : vector<16xi32> to vector<1xi32>
    %squeeze3A_860 = vector.extract %slice3A_859[0] : i32 from vector<1xi32>
    %add3A_861 = arith.addi %mul3A_858, %squeeze3A_860 : i32
    %mul3A_862 = arith.constant 8 : i32
    %mul3A_863 = arith.muli %add3A_861, %mul3A_862 : i32
    %add3A_864 = arith.constant 96 : i32
    %add3A_865 = arith.addi %mul3A_2, %add3A_864 : i32
    %add3A_866 = arith.constant 2 : i32
    %add3A_867 = arith.addi %add3A_865, %add3A_866 : i32
    %dma_start3A_868 = arith.constant 0 : i32
    %dma_start3A_869 = tpu.memref_slice %arg4[%add3A_867, %dma_start3A_868] : memref<4096x768xf32, #tpu.memory_space<hbm>> -> memref<2x768xf32, #tpu.memory_space<hbm>>
    %dma_start3A_870 = arith.constant 0 : i32
    %dma_start3A_871 = tpu.memref_slice %arg5[%mul3A_863, %dma_start3A_870] : memref<200x768xf32, #tpu.memory_space<vmem_shared>> -> memref<2x768xf32, #tpu.memory_space<vmem_shared>>
    tpu.enqueue_dma source(%dma_start3A_871 : memref<2x768xf32, #tpu.memory_space<vmem_shared>>) target(%dma_start3A_869 : memref<2x768xf32, #tpu.memory_space<hbm>>) target_semaphore(%arg7 : memref<!tpu.dma_semaphore, #tpu.memory_space<semaphore_mem>>)
    %slice3A_872 = vector.extract_strided_slice %get3A_837 {offsets = [4], sizes = [1], strides = [1]} : vector<16xi32> to vector<1xi32>
    %squeeze3A_873 = vector.extract %slice3A_872[0] : i32 from vector<1xi32>
    %mul3A_874 = arith.constant 5 : i32
    %mul3A_875 = arith.muli %squeeze3A_873, %mul3A_874 : i32
    %slice3A_876 = vector.extract_strided_slice %get3A_837 {offsets = [5], sizes = [1], strides = [1]} : vector<16xi32> to vector<1xi32>
    %squeeze3A_877 = vector.extract %slice3A_876[0] : i32 from vector<1xi32>
    %add3A_878 = arith.addi %mul3A_875, %squeeze3A_877 : i32
    %mul3A_879 = arith.constant 8 : i32
    %mul3A_880 = arith.muli %add3A_878, %mul3A_879 : i32
    %add3A_881 = arith.constant 96 : i32
    %add3A_882 = arith.addi %mul3A_2, %add3A_881 : i32
    %add3A_883 = arith.constant 4 : i32
    %add3A_884 = arith.addi %add3A_882, %add3A_883 : i32
    %dma_start3A_885 = arith.constant 0 : i32
    %dma_start3A_886 = tpu.memref_slice %arg4[%add3A_884, %dma_start3A_885] : memref<4096x768xf32, #tpu.memory_space<hbm>> -> memref<2x768xf32, #tpu.memory_space<hbm>>
    %dma_start3A_887 = arith.constant 0 : i32
    %dma_start3A_888 = tpu.memref_slice %arg5[%mul3A_880, %dma_start3A_887] : memref<200x768xf32, #tpu.memory_space<vmem_shared>> -> memref<2x768xf32, #tpu.memory_space<vmem_shared>>
    tpu.enqueue_dma source(%dma_start3A_888 : memref<2x768xf32, #tpu.memory_space<vmem_shared>>) target(%dma_start3A_886 : memref<2x768xf32, #tpu.memory_space<hbm>>) target_semaphore(%arg7 : memref<!tpu.dma_semaphore, #tpu.memory_space<semaphore_mem>>)
    %slice3A_889 = vector.extract_strided_slice %get3A_837 {offsets = [6], sizes = [1], strides = [1]} : vector<16xi32> to vector<1xi32>
    %squeeze3A_890 = vector.extract %slice3A_889[0] : i32 from vector<1xi32>
    %mul3A_891 = arith.constant 5 : i32
    %mul3A_892 = arith.muli %squeeze3A_890, %mul3A_891 : i32
    %slice3A_893 = vector.extract_strided_slice %get3A_837 {offsets = [7], sizes = [1], strides = [1]} : vector<16xi32> to vector<1xi32>
    %squeeze3A_894 = vector.extract %slice3A_893[0] : i32 from vector<1xi32>
    %add3A_895 = arith.addi %mul3A_892, %squeeze3A_894 : i32
    %mul3A_896 = arith.constant 8 : i32
    %mul3A_897 = arith.muli %add3A_895, %mul3A_896 : i32
    %add3A_898 = arith.constant 96 : i32
    %add3A_899 = arith.addi %mul3A_2, %add3A_898 : i32
    %add3A_900 = arith.constant 6 : i32
    %add3A_901 = arith.addi %add3A_899, %add3A_900 : i32
    %dma_start3A_902 = arith.constant 0 : i32
    %dma_start3A_903 = tpu.memref_slice %arg4[%add3A_901, %dma_start3A_902] : memref<4096x768xf32, #tpu.memory_space<hbm>> -> memref<2x768xf32, #tpu.memory_space<hbm>>
    %dma_start3A_904 = arith.constant 0 : i32
    %dma_start3A_905 = tpu.memref_slice %arg5[%mul3A_897, %dma_start3A_904] : memref<200x768xf32, #tpu.memory_space<vmem_shared>> -> memref<2x768xf32, #tpu.memory_space<vmem_shared>>
    tpu.enqueue_dma source(%dma_start3A_905 : memref<2x768xf32, #tpu.memory_space<vmem_shared>>) target(%dma_start3A_903 : memref<2x768xf32, #tpu.memory_space<hbm>>) target_semaphore(%arg7 : memref<!tpu.dma_semaphore, #tpu.memory_space<semaphore_mem>>)
    %slice3A_906 = vector.extract_strided_slice %get3A_837 {offsets = [8], sizes = [1], strides = [1]} : vector<16xi32> to vector<1xi32>
    %squeeze3A_907 = vector.extract %slice3A_906[0] : i32 from vector<1xi32>
    %mul3A_908 = arith.constant 5 : i32
    %mul3A_909 = arith.muli %squeeze3A_907, %mul3A_908 : i32
    %slice3A_910 = vector.extract_strided_slice %get3A_837 {offsets = [9], sizes = [1], strides = [1]} : vector<16xi32> to vector<1xi32>
    %squeeze3A_911 = vector.extract %slice3A_910[0] : i32 from vector<1xi32>
    %add3A_912 = arith.addi %mul3A_909, %squeeze3A_911 : i32
    %mul3A_913 = arith.constant 8 : i32
    %mul3A_914 = arith.muli %add3A_912, %mul3A_913 : i32
    %add3A_915 = arith.constant 96 : i32
    %add3A_916 = arith.addi %mul3A_2, %add3A_915 : i32
    %add3A_917 = arith.constant 8 : i32
    %add3A_918 = arith.addi %add3A_916, %add3A_917 : i32
    %dma_start3A_919 = arith.constant 0 : i32
    %dma_start3A_920 = tpu.memref_slice %arg4[%add3A_918, %dma_start3A_919] : memref<4096x768xf32, #tpu.memory_space<hbm>> -> memref<2x768xf32, #tpu.memory_space<hbm>>
    %dma_start3A_921 = arith.constant 0 : i32
    %dma_start3A_922 = tpu.memref_slice %arg5[%mul3A_914, %dma_start3A_921] : memref<200x768xf32, #tpu.memory_space<vmem_shared>> -> memref<2x768xf32, #tpu.memory_space<vmem_shared>>
    tpu.enqueue_dma source(%dma_start3A_922 : memref<2x768xf32, #tpu.memory_space<vmem_shared>>) target(%dma_start3A_920 : memref<2x768xf32, #tpu.memory_space<hbm>>) target_semaphore(%arg7 : memref<!tpu.dma_semaphore, #tpu.memory_space<semaphore_mem>>)
    %slice3A_923 = vector.extract_strided_slice %get3A_837 {offsets = [10], sizes = [1], strides = [1]} : vector<16xi32> to vector<1xi32>
    %squeeze3A_924 = vector.extract %slice3A_923[0] : i32 from vector<1xi32>
    %mul3A_925 = arith.constant 5 : i32
    %mul3A_926 = arith.muli %squeeze3A_924, %mul3A_925 : i32
    %slice3A_927 = vector.extract_strided_slice %get3A_837 {offsets = [11], sizes = [1], strides = [1]} : vector<16xi32> to vector<1xi32>
    %squeeze3A_928 = vector.extract %slice3A_927[0] : i32 from vector<1xi32>
    %add3A_929 = arith.addi %mul3A_926, %squeeze3A_928 : i32
    %mul3A_930 = arith.constant 8 : i32
    %mul3A_931 = arith.muli %add3A_929, %mul3A_930 : i32
    %add3A_932 = arith.constant 96 : i32
    %add3A_933 = arith.addi %mul3A_2, %add3A_932 : i32
    %add3A_934 = arith.constant 10 : i32
    %add3A_935 = arith.addi %add3A_933, %add3A_934 : i32
    %dma_start3A_936 = arith.constant 0 : i32
    %dma_start3A_937 = tpu.memref_slice %arg4[%add3A_935, %dma_start3A_936] : memref<4096x768xf32, #tpu.memory_space<hbm>> -> memref<2x768xf32, #tpu.memory_space<hbm>>
    %dma_start3A_938 = arith.constant 0 : i32
    %dma_start3A_939 = tpu.memref_slice %arg5[%mul3A_931, %dma_start3A_938] : memref<200x768xf32, #tpu.memory_space<vmem_shared>> -> memref<2x768xf32, #tpu.memory_space<vmem_shared>>
    tpu.enqueue_dma source(%dma_start3A_939 : memref<2x768xf32, #tpu.memory_space<vmem_shared>>) target(%dma_start3A_937 : memref<2x768xf32, #tpu.memory_space<hbm>>) target_semaphore(%arg7 : memref<!tpu.dma_semaphore, #tpu.memory_space<semaphore_mem>>)
    %slice3A_940 = vector.extract_strided_slice %get3A_837 {offsets = [12], sizes = [1], strides = [1]} : vector<16xi32> to vector<1xi32>
    %squeeze3A_941 = vector.extract %slice3A_940[0] : i32 from vector<1xi32>
    %mul3A_942 = arith.constant 5 : i32
    %mul3A_943 = arith.muli %squeeze3A_941, %mul3A_942 : i32
    %slice3A_944 = vector.extract_strided_slice %get3A_837 {offsets = [13], sizes = [1], strides = [1]} : vector<16xi32> to vector<1xi32>
    %squeeze3A_945 = vector.extract %slice3A_944[0] : i32 from vector<1xi32>
    %add3A_946 = arith.addi %mul3A_943, %squeeze3A_945 : i32
    %mul3A_947 = arith.constant 8 : i32
    %mul3A_948 = arith.muli %add3A_946, %mul3A_947 : i32
    %add3A_949 = arith.constant 96 : i32
    %add3A_950 = arith.addi %mul3A_2, %add3A_949 : i32
    %add3A_951 = arith.constant 12 : i32
    %add3A_952 = arith.addi %add3A_950, %add3A_951 : i32
    %dma_start3A_953 = arith.constant 0 : i32
    %dma_start3A_954 = tpu.memref_slice %arg4[%add3A_952, %dma_start3A_953] : memref<4096x768xf32, #tpu.memory_space<hbm>> -> memref<2x768xf32, #tpu.memory_space<hbm>>
    %dma_start3A_955 = arith.constant 0 : i32
    %dma_start3A_956 = tpu.memref_slice %arg5[%mul3A_948, %dma_start3A_955] : memref<200x768xf32, #tpu.memory_space<vmem_shared>> -> memref<2x768xf32, #tpu.memory_space<vmem_shared>>
    tpu.enqueue_dma source(%dma_start3A_956 : memref<2x768xf32, #tpu.memory_space<vmem_shared>>) target(%dma_start3A_954 : memref<2x768xf32, #tpu.memory_space<hbm>>) target_semaphore(%arg7 : memref<!tpu.dma_semaphore, #tpu.memory_space<semaphore_mem>>)
    %slice3A_957 = vector.extract_strided_slice %get3A_837 {offsets = [14], sizes = [1], strides = [1]} : vector<16xi32> to vector<1xi32>
    %squeeze3A_958 = vector.extract %slice3A_957[0] : i32 from vector<1xi32>
    %mul3A_959 = arith.constant 5 : i32
    %mul3A_960 = arith.muli %squeeze3A_958, %mul3A_959 : i32
    %slice3A_961 = vector.extract_strided_slice %get3A_837 {offsets = [15], sizes = [1], strides = [1]} : vector<16xi32> to vector<1xi32>
    %squeeze3A_962 = vector.extract %slice3A_961[0] : i32 from vector<1xi32>
    %add3A_963 = arith.addi %mul3A_960, %squeeze3A_962 : i32
    %mul3A_964 = arith.constant 8 : i32
    %mul3A_965 = arith.muli %add3A_963, %mul3A_964 : i32
    %add3A_966 = arith.constant 96 : i32
    %add3A_967 = arith.addi %mul3A_2, %add3A_966 : i32
    %add3A_968 = arith.constant 14 : i32
    %add3A_969 = arith.addi %add3A_967, %add3A_968 : i32
    %dma_start3A_970 = arith.constant 0 : i32
    %dma_start3A_971 = tpu.memref_slice %arg4[%add3A_969, %dma_start3A_970] : memref<4096x768xf32, #tpu.memory_space<hbm>> -> memref<2x768xf32, #tpu.memory_space<hbm>>
    %dma_start3A_972 = arith.constant 0 : i32
    %dma_start3A_973 = tpu.memref_slice %arg5[%mul3A_965, %dma_start3A_972] : memref<200x768xf32, #tpu.memory_space<vmem_shared>> -> memref<2x768xf32, #tpu.memory_space<vmem_shared>>
    tpu.enqueue_dma source(%dma_start3A_973 : memref<2x768xf32, #tpu.memory_space<vmem_shared>>) target(%dma_start3A_971 : memref<2x768xf32, #tpu.memory_space<hbm>>) target_semaphore(%arg7 : memref<!tpu.dma_semaphore, #tpu.memory_space<semaphore_mem>>)
    %get3A_974 = arith.constant 112 : index
    %get3A_975 = tpu.vector_load %arg6[%get3A_974] {strides = array<i32>} : memref<128xi32, #tpu.memory_space<vmem>>, vector<16xi32>,
    %get3A_976 = vector.shape_cast %get3A_975 : vector<16xi32> to vector<16xi32>
    %slice3A_977 = vector.extract_strided_slice %get3A_976 {offsets = [0], sizes = [1], strides = [1]} : vector<16xi32> to vector<1xi32>
    %squeeze3A_978 = vector.extract %slice3A_977[0] : i32 from vector<1xi32>
    %mul3A_979 = arith.constant 5 : i32
    %mul3A_980 = arith.muli %squeeze3A_978, %mul3A_979 : i32
    %slice3A_981 = vector.extract_strided_slice %get3A_976 {offsets = [1], sizes = [1], strides = [1]} : vector<16xi32> to vector<1xi32>
    %squeeze3A_982 = vector.extract %slice3A_981[0] : i32 from vector<1xi32>
    %add3A_983 = arith.addi %mul3A_980, %squeeze3A_982 : i32
    %mul3A_984 = arith.constant 8 : i32
    %mul3A_985 = arith.muli %add3A_983, %mul3A_984 : i32
    %add3A_986 = arith.constant 112 : i32
    %add3A_987 = arith.addi %mul3A_2, %add3A_986 : i32
    %add3A_988 = arith.constant 0 : i32
    %add3A_989 = arith.addi %add3A_987, %add3A_988 : i32
    %dma_start3A_990 = arith.constant 0 : i32
    %dma_start3A_991 = tpu.memref_slice %arg4[%add3A_989, %dma_start3A_990] : memref<4096x768xf32, #tpu.memory_space<hbm>> -> memref<2x768xf32, #tpu.memory_space<hbm>>
    %dma_start3A_992 = arith.constant 0 : i32
    %dma_start3A_993 = tpu.memref_slice %arg5[%mul3A_985, %dma_start3A_992] : memref<200x768xf32, #tpu.memory_space<vmem_shared>> -> memref<2x768xf32, #tpu.memory_space<vmem_shared>>
    tpu.enqueue_dma source(%dma_start3A_993 : memref<2x768xf32, #tpu.memory_space<vmem_shared>>) target(%dma_start3A_991 : memref<2x768xf32, #tpu.memory_space<hbm>>) target_semaphore(%arg7 : memref<!tpu.dma_semaphore, #tpu.memory_space<semaphore_mem>>)
    %slice3A_994 = vector.extract_strided_slice %get3A_976 {offsets = [2], sizes = [1], strides = [1]} : vector<16xi32> to vector<1xi32>
    %squeeze3A_995 = vector.extract %slice3A_994[0] : i32 from vector<1xi32>
    %mul3A_996 = arith.constant 5 : i32
    %mul3A_997 = arith.muli %squeeze3A_995, %mul3A_996 : i32
    %slice3A_998 = vector.extract_strided_slice %get3A_976 {offsets = [3], sizes = [1], strides = [1]} : vector<16xi32> to vector<1xi32>
    %squeeze3A_999 = vector.extract %slice3A_998[0] : i32 from vector<1xi32>
    %add3A_1000 = arith.addi %mul3A_997, %squeeze3A_999 : i32
    %mul3A_1001 = arith.constant 8 : i32
    %mul3A_1002 = arith.muli %add3A_1000, %mul3A_1001 : i32
    %add3A_1003 = arith.constant 112 : i32
    %add3A_1004 = arith.addi %mul3A_2, %add3A_1003 : i32
    %add3A_1005 = arith.constant 2 : i32
    %add3A_1006 = arith.addi %add3A_1004, %add3A_1005 : i32
    %dma_start3A_1007 = arith.constant 0 : i32
    %dma_start3A_1008 = tpu.memref_slice %arg4[%add3A_1006, %dma_start3A_1007] : memref<4096x768xf32, #tpu.memory_space<hbm>> -> memref<2x768xf32, #tpu.memory_space<hbm>>
    %dma_start3A_1009 = arith.constant 0 : i32
    %dma_start3A_1010 = tpu.memref_slice %arg5[%mul3A_1002, %dma_start3A_1009] : memref<200x768xf32, #tpu.memory_space<vmem_shared>> -> memref<2x768xf32, #tpu.memory_space<vmem_shared>>
    tpu.enqueue_dma source(%dma_start3A_1010 : memref<2x768xf32, #tpu.memory_space<vmem_shared>>) target(%dma_start3A_1008 : memref<2x768xf32, #tpu.memory_space<hbm>>) target_semaphore(%arg7 : memref<!tpu.dma_semaphore, #tpu.memory_space<semaphore_mem>>)
    %slice3A_1011 = vector.extract_strided_slice %get3A_976 {offsets = [4], sizes = [1], strides = [1]} : vector<16xi32> to vector<1xi32>
    %squeeze3A_1012 = vector.extract %slice3A_1011[0] : i32 from vector<1xi32>
    %mul3A_1013 = arith.constant 5 : i32
    %mul3A_1014 = arith.muli %squeeze3A_1012, %mul3A_1013 : i32
    %slice3A_1015 = vector.extract_strided_slice %get3A_976 {offsets = [5], sizes = [1], strides = [1]} : vector<16xi32> to vector<1xi32>
    %squeeze3A_1016 = vector.extract %slice3A_1015[0] : i32 from vector<1xi32>
    %add3A_1017 = arith.addi %mul3A_1014, %squeeze3A_1016 : i32
    %mul3A_1018 = arith.constant 8 : i32
    %mul3A_1019 = arith.muli %add3A_1017, %mul3A_1018 : i32
    %add3A_1020 = arith.constant 112 : i32
    %add3A_1021 = arith.addi %mul3A_2, %add3A_1020 : i32
    %add3A_1022 = arith.constant 4 : i32
    %add3A_1023 = arith.addi %add3A_1021, %add3A_1022 : i32
    %dma_start3A_1024 = arith.constant 0 : i32
    %dma_start3A_1025 = tpu.memref_slice %arg4[%add3A_1023, %dma_start3A_1024] : memref<4096x768xf32, #tpu.memory_space<hbm>> -> memref<2x768xf32, #tpu.memory_space<hbm>>
    %dma_start3A_1026 = arith.constant 0 : i32
    %dma_start3A_1027 = tpu.memref_slice %arg5[%mul3A_1019, %dma_start3A_1026] : memref<200x768xf32, #tpu.memory_space<vmem_shared>> -> memref<2x768xf32, #tpu.memory_space<vmem_shared>>
    tpu.enqueue_dma source(%dma_start3A_1027 : memref<2x768xf32, #tpu.memory_space<vmem_shared>>) target(%dma_start3A_1025 : memref<2x768xf32, #tpu.memory_space<hbm>>) target_semaphore(%arg7 : memref<!tpu.dma_semaphore, #tpu.memory_space<semaphore_mem>>)
    %slice3A_1028 = vector.extract_strided_slice %get3A_976 {offsets = [6], sizes = [1], strides = [1]} : vector<16xi32> to vector<1xi32>
    %squeeze3A_1029 = vector.extract %slice3A_1028[0] : i32 from vector<1xi32>
    %mul3A_1030 = arith.constant 5 : i32
    %mul3A_1031 = arith.muli %squeeze3A_1029, %mul3A_1030 : i32
    %slice3A_1032 = vector.extract_strided_slice %get3A_976 {offsets = [7], sizes = [1], strides = [1]} : vector<16xi32> to vector<1xi32>
    %squeeze3A_1033 = vector.extract %slice3A_1032[0] : i32 from vector<1xi32>
    %add3A_1034 = arith.addi %mul3A_1031, %squeeze3A_1033 : i32
    %mul3A_1035 = arith.constant 8 : i32
    %mul3A_1036 = arith.muli %add3A_1034, %mul3A_1035 : i32
    %add3A_1037 = arith.constant 112 : i32
    %add3A_1038 = arith.addi %mul3A_2, %add3A_1037 : i32
    %add3A_1039 = arith.constant 6 : i32
    %add3A_1040 = arith.addi %add3A_1038, %add3A_1039 : i32
    %dma_start3A_1041 = arith.constant 0 : i32
    %dma_start3A_1042 = tpu.memref_slice %arg4[%add3A_1040, %dma_start3A_1041] : memref<4096x768xf32, #tpu.memory_space<hbm>> -> memref<2x768xf32, #tpu.memory_space<hbm>>
    %dma_start3A_1043 = arith.constant 0 : i32
    %dma_start3A_1044 = tpu.memref_slice %arg5[%mul3A_1036, %dma_start3A_1043] : memref<200x768xf32, #tpu.memory_space<vmem_shared>> -> memref<2x768xf32, #tpu.memory_space<vmem_shared>>
    tpu.enqueue_dma source(%dma_start3A_1044 : memref<2x768xf32, #tpu.memory_space<vmem_shared>>) target(%dma_start3A_1042 : memref<2x768xf32, #tpu.memory_space<hbm>>) target_semaphore(%arg7 : memref<!tpu.dma_semaphore, #tpu.memory_space<semaphore_mem>>)
    %slice3A_1045 = vector.extract_strided_slice %get3A_976 {offsets = [8], sizes = [1], strides = [1]} : vector<16xi32> to vector<1xi32>
    %squeeze3A_1046 = vector.extract %slice3A_1045[0] : i32 from vector<1xi32>
    %mul3A_1047 = arith.constant 5 : i32
    %mul3A_1048 = arith.muli %squeeze3A_1046, %mul3A_1047 : i32
    %slice3A_1049 = vector.extract_strided_slice %get3A_976 {offsets = [9], sizes = [1], strides = [1]} : vector<16xi32> to vector<1xi32>
    %squeeze3A_1050 = vector.extract %slice3A_1049[0] : i32 from vector<1xi32>
    %add3A_1051 = arith.addi %mul3A_1048, %squeeze3A_1050 : i32
    %mul3A_1052 = arith.constant 8 : i32
    %mul3A_1053 = arith.muli %add3A_1051, %mul3A_1052 : i32
    %add3A_1054 = arith.constant 112 : i32
    %add3A_1055 = arith.addi %mul3A_2, %add3A_1054 : i32
    %add3A_1056 = arith.constant 8 : i32
    %add3A_1057 = arith.addi %add3A_1055, %add3A_1056 : i32
    %dma_start3A_1058 = arith.constant 0 : i32
    %dma_start3A_1059 = tpu.memref_slice %arg4[%add3A_1057, %dma_start3A_1058] : memref<4096x768xf32, #tpu.memory_space<hbm>> -> memref<2x768xf32, #tpu.memory_space<hbm>>
    %dma_start3A_1060 = arith.constant 0 : i32
    %dma_start3A_1061 = tpu.memref_slice %arg5[%mul3A_1053, %dma_start3A_1060] : memref<200x768xf32, #tpu.memory_space<vmem_shared>> -> memref<2x768xf32, #tpu.memory_space<vmem_shared>>
    tpu.enqueue_dma source(%dma_start3A_1061 : memref<2x768xf32, #tpu.memory_space<vmem_shared>>) target(%dma_start3A_1059 : memref<2x768xf32, #tpu.memory_space<hbm>>) target_semaphore(%arg7 : memref<!tpu.dma_semaphore, #tpu.memory_space<semaphore_mem>>)
    %slice3A_1062 = vector.extract_strided_slice %get3A_976 {offsets = [10], sizes = [1], strides = [1]} : vector<16xi32> to vector<1xi32>
    %squeeze3A_1063 = vector.extract %slice3A_1062[0] : i32 from vector<1xi32>
    %mul3A_1064 = arith.constant 5 : i32
    %mul3A_1065 = arith.muli %squeeze3A_1063, %mul3A_1064 : i32
    %slice3A_1066 = vector.extract_strided_slice %get3A_976 {offsets = [11], sizes = [1], strides = [1]} : vector<16xi32> to vector<1xi32>
    %squeeze3A_1067 = vector.extract %slice3A_1066[0] : i32 from vector<1xi32>
    %add3A_1068 = arith.addi %mul3A_1065, %squeeze3A_1067 : i32
    %mul3A_1069 = arith.constant 8 : i32
    %mul3A_1070 = arith.muli %add3A_1068, %mul3A_1069 : i32
    %add3A_1071 = arith.constant 112 : i32
    %add3A_1072 = arith.addi %mul3A_2, %add3A_1071 : i32
    %add3A_1073 = arith.constant 10 : i32
    %add3A_1074 = arith.addi %add3A_1072, %add3A_1073 : i32
    %dma_start3A_1075 = arith.constant 0 : i32
    %dma_start3A_1076 = tpu.memref_slice %arg4[%add3A_1074, %dma_start3A_1075] : memref<4096x768xf32, #tpu.memory_space<hbm>> -> memref<2x768xf32, #tpu.memory_space<hbm>>
    %dma_start3A_1077 = arith.constant 0 : i32
    %dma_start3A_1078 = tpu.memref_slice %arg5[%mul3A_1070, %dma_start3A_1077] : memref<200x768xf32, #tpu.memory_space<vmem_shared>> -> memref<2x768xf32, #tpu.memory_space<vmem_shared>>
    tpu.enqueue_dma source(%dma_start3A_1078 : memref<2x768xf32, #tpu.memory_space<vmem_shared>>) target(%dma_start3A_1076 : memref<2x768xf32, #tpu.memory_space<hbm>>) target_semaphore(%arg7 : memref<!tpu.dma_semaphore, #tpu.memory_space<semaphore_mem>>)
    %slice3A_1079 = vector.extract_strided_slice %get3A_976 {offsets = [12], sizes = [1], strides = [1]} : vector<16xi32> to vector<1xi32>
    %squeeze3A_1080 = vector.extract %slice3A_1079[0] : i32 from vector<1xi32>
    %mul3A_1081 = arith.constant 5 : i32
    %mul3A_1082 = arith.muli %squeeze3A_1080, %mul3A_1081 : i32
    %slice3A_1083 = vector.extract_strided_slice %get3A_976 {offsets = [13], sizes = [1], strides = [1]} : vector<16xi32> to vector<1xi32>
    %squeeze3A_1084 = vector.extract %slice3A_1083[0] : i32 from vector<1xi32>
    %add3A_1085 = arith.addi %mul3A_1082, %squeeze3A_1084 : i32
    %mul3A_1086 = arith.constant 8 : i32
    %mul3A_1087 = arith.muli %add3A_1085, %mul3A_1086 : i32
    %add3A_1088 = arith.constant 112 : i32
    %add3A_1089 = arith.addi %mul3A_2, %add3A_1088 : i32
    %add3A_1090 = arith.constant 12 : i32
    %add3A_1091 = arith.addi %add3A_1089, %add3A_1090 : i32
    %dma_start3A_1092 = arith.constant 0 : i32
    %dma_start3A_1093 = tpu.memref_slice %arg4[%add3A_1091, %dma_start3A_1092] : memref<4096x768xf32, #tpu.memory_space<hbm>> -> memref<2x768xf32, #tpu.memory_space<hbm>>
    %dma_start3A_1094 = arith.constant 0 : i32
    %dma_start3A_1095 = tpu.memref_slice %arg5[%mul3A_1087, %dma_start3A_1094] : memref<200x768xf32, #tpu.memory_space<vmem_shared>> -> memref<2x768xf32, #tpu.memory_space<vmem_shared>>
    tpu.enqueue_dma source(%dma_start3A_1095 : memref<2x768xf32, #tpu.memory_space<vmem_shared>>) target(%dma_start3A_1093 : memref<2x768xf32, #tpu.memory_space<hbm>>) target_semaphore(%arg7 : memref<!tpu.dma_semaphore, #tpu.memory_space<semaphore_mem>>)
    %slice3A_1096 = vector.extract_strided_slice %get3A_976 {offsets = [14], sizes = [1], strides = [1]} : vector<16xi32> to vector<1xi32>
    %squeeze3A_1097 = vector.extract %slice3A_1096[0] : i32 from vector<1xi32>
    %mul3A_1098 = arith.constant 5 : i32
    %mul3A_1099 = arith.muli %squeeze3A_1097, %mul3A_1098 : i32
    %slice3A_1100 = vector.extract_strided_slice %get3A_976 {offsets = [15], sizes = [1], strides = [1]} : vector<16xi32> to vector<1xi32>
    %squeeze3A_1101 = vector.extract %slice3A_1100[0] : i32 from vector<1xi32>
    %add3A_1102 = arith.addi %mul3A_1099, %squeeze3A_1101 : i32
    %mul3A_1103 = arith.constant 8 : i32
    %mul3A_1104 = arith.muli %add3A_1102, %mul3A_1103 : i32
    %add3A_1105 = arith.constant 112 : i32
    %add3A_1106 = arith.addi %mul3A_2, %add3A_1105 : i32
    %add3A_1107 = arith.constant 14 : i32
    %add3A_1108 = arith.addi %add3A_1106, %add3A_1107 : i32
    %dma_start3A_1109 = arith.constant 0 : i32
    %dma_start3A_1110 = tpu.memref_slice %arg4[%add3A_1108, %dma_start3A_1109] : memref<4096x768xf32, #tpu.memory_space<hbm>> -> memref<2x768xf32, #tpu.memory_space<hbm>>
    %dma_start3A_1111 = arith.constant 0 : i32
    %dma_start3A_1112 = tpu.memref_slice %arg5[%mul3A_1104, %dma_start3A_1111] : memref<200x768xf32, #tpu.memory_space<vmem_shared>> -> memref<2x768xf32, #tpu.memory_space<vmem_shared>>
    tpu.enqueue_dma source(%dma_start3A_1112 : memref<2x768xf32, #tpu.memory_space<vmem_shared>>) target(%dma_start3A_1110 : memref<2x768xf32, #tpu.memory_space<hbm>>) target_semaphore(%arg7 : memref<!tpu.dma_semaphore, #tpu.memory_space<semaphore_mem>>)
    %dma_wait3A = arith.constant 0 : i32
    %dma_wait3A_1113 = tpu.memref_slice %arg4[%add3A_17, %dma_wait3A] : memref<4096x768xf32, #tpu.memory_space<hbm>> -> memref<2x768xf32, #tpu.memory_space<hbm>>
    %dma_wait3A_1114 = arith.constant 0 : i32
    %dma_wait3A_1115 = tpu.memref_slice %arg5[%mul3A_13, %dma_wait3A_1114] : memref<200x768xf32, #tpu.memory_space<vmem_shared>> -> memref<2x768xf32, #tpu.memory_space<vmem_shared>>
    tpu.wait_dma2 semaphore(%arg7 : memref<!tpu.dma_semaphore, #tpu.memory_space<semaphore_mem>>) src(%dma_wait3A_1115 : memref<2x768xf32, #tpu.memory_space<vmem_shared>>) dst(%dma_wait3A_1113 : memref<2x768xf32, #tpu.memory_space<hbm>>)
    %dma_wait3A_1116 = arith.constant 0 : i32
    %dma_wait3A_1117 = tpu.memref_slice %arg4[%add3A_33, %dma_wait3A_1116] : memref<4096x768xf32, #tpu.memory_space<hbm>> -> memref<2x768xf32, #tpu.memory_space<hbm>>
    %dma_wait3A_1118 = arith.constant 0 : i32
    %dma_wait3A_1119 = tpu.memref_slice %arg5[%mul3A_29, %dma_wait3A_1118] : memref<200x768xf32, #tpu.memory_space<vmem_shared>> -> memref<2x768xf32, #tpu.memory_space<vmem_shared>>
    tpu.wait_dma2 semaphore(%arg7 : memref<!tpu.dma_semaphore, #tpu.memory_space<semaphore_mem>>) src(%dma_wait3A_1119 : memref<2x768xf32, #tpu.memory_space<vmem_shared>>) dst(%dma_wait3A_1117 : memref<2x768xf32, #tpu.memory_space<hbm>>)
    %dma_wait3A_1120 = arith.constant 0 : i32
    %dma_wait3A_1121 = tpu.memref_slice %arg4[%add3A_50, %dma_wait3A_1120] : memref<4096x768xf32, #tpu.memory_space<hbm>> -> memref<2x768xf32, #tpu.memory_space<hbm>>
    %dma_wait3A_1122 = arith.constant 0 : i32
    %dma_wait3A_1123 = tpu.memref_slice %arg5[%mul3A_46, %dma_wait3A_1122] : memref<200x768xf32, #tpu.memory_space<vmem_shared>> -> memref<2x768xf32, #tpu.memory_space<vmem_shared>>
    tpu.wait_dma2 semaphore(%arg7 : memref<!tpu.dma_semaphore, #tpu.memory_space<semaphore_mem>>) src(%dma_wait3A_1123 : memref<2x768xf32, #tpu.memory_space<vmem_shared>>) dst(%dma_wait3A_1121 : memref<2x768xf32, #tpu.memory_space<hbm>>)
    %dma_wait3A_1124 = arith.constant 0 : i32
    %dma_wait3A_1125 = tpu.memref_slice %arg4[%add3A_67, %dma_wait3A_1124] : memref<4096x768xf32, #tpu.memory_space<hbm>> -> memref<2x768xf32, #tpu.memory_space<hbm>>
    %dma_wait3A_1126 = arith.constant 0 : i32
    %dma_wait3A_1127 = tpu.memref_slice %arg5[%mul3A_63, %dma_wait3A_1126] : memref<200x768xf32, #tpu.memory_space<vmem_shared>> -> memref<2x768xf32, #tpu.memory_space<vmem_shared>>
    tpu.wait_dma2 semaphore(%arg7 : memref<!tpu.dma_semaphore, #tpu.memory_space<semaphore_mem>>) src(%dma_wait3A_1127 : memref<2x768xf32, #tpu.memory_space<vmem_shared>>) dst(%dma_wait3A_1125 : memref<2x768xf32, #tpu.memory_space<hbm>>)
    %dma_wait3A_1128 = arith.constant 0 : i32
    %dma_wait3A_1129 = tpu.memref_slice %arg4[%add3A_84, %dma_wait3A_1128] : memref<4096x768xf32, #tpu.memory_space<hbm>> -> memref<2x768xf32, #tpu.memory_space<hbm>>
    %dma_wait3A_1130 = arith.constant 0 : i32
    %dma_wait3A_1131 = tpu.memref_slice %arg5[%mul3A_80, %dma_wait3A_1130] : memref<200x768xf32, #tpu.memory_space<vmem_shared>> -> memref<2x768xf32, #tpu.memory_space<vmem_shared>>
    tpu.wait_dma2 semaphore(%arg7 : memref<!tpu.dma_semaphore, #tpu.memory_space<semaphore_mem>>) src(%dma_wait3A_1131 : memref<2x768xf32, #tpu.memory_space<vmem_shared>>) dst(%dma_wait3A_1129 : memref<2x768xf32, #tpu.memory_space<hbm>>)
    %dma_wait3A_1132 = arith.constant 0 : i32
    %dma_wait3A_1133 = tpu.memref_slice %arg4[%add3A_101, %dma_wait3A_1132] : memref<4096x768xf32, #tpu.memory_space<hbm>> -> memref<2x768xf32, #tpu.memory_space<hbm>>
    %dma_wait3A_1134 = arith.constant 0 : i32
    %dma_wait3A_1135 = tpu.memref_slice %arg5[%mul3A_97, %dma_wait3A_1134] : memref<200x768xf32, #tpu.memory_space<vmem_shared>> -> memref<2x768xf32, #tpu.memory_space<vmem_shared>>
    tpu.wait_dma2 semaphore(%arg7 : memref<!tpu.dma_semaphore, #tpu.memory_space<semaphore_mem>>) src(%dma_wait3A_1135 : memref<2x768xf32, #tpu.memory_space<vmem_shared>>) dst(%dma_wait3A_1133 : memref<2x768xf32, #tpu.memory_space<hbm>>)
    %dma_wait3A_1136 = arith.constant 0 : i32
    %dma_wait3A_1137 = tpu.memref_slice %arg4[%add3A_118, %dma_wait3A_1136] : memref<4096x768xf32, #tpu.memory_space<hbm>> -> memref<2x768xf32, #tpu.memory_space<hbm>>
    %dma_wait3A_1138 = arith.constant 0 : i32
    %dma_wait3A_1139 = tpu.memref_slice %arg5[%mul3A_114, %dma_wait3A_1138] : memref<200x768xf32, #tpu.memory_space<vmem_shared>> -> memref<2x768xf32, #tpu.memory_space<vmem_shared>>
    tpu.wait_dma2 semaphore(%arg7 : memref<!tpu.dma_semaphore, #tpu.memory_space<semaphore_mem>>) src(%dma_wait3A_1139 : memref<2x768xf32, #tpu.memory_space<vmem_shared>>) dst(%dma_wait3A_1137 : memref<2x768xf32, #tpu.memory_space<hbm>>)
    %dma_wait3A_1140 = arith.constant 0 : i32
    %dma_wait3A_1141 = tpu.memref_slice %arg4[%add3A_135, %dma_wait3A_1140] : memref<4096x768xf32, #tpu.memory_space<hbm>> -> memref<2x768xf32, #tpu.memory_space<hbm>>
    %dma_wait3A_1142 = arith.constant 0 : i32
    %dma_wait3A_1143 = tpu.memref_slice %arg5[%mul3A_131, %dma_wait3A_1142] : memref<200x768xf32, #tpu.memory_space<vmem_shared>> -> memref<2x768xf32, #tpu.memory_space<vmem_shared>>
    tpu.wait_dma2 semaphore(%arg7 : memref<!tpu.dma_semaphore, #tpu.memory_space<semaphore_mem>>) src(%dma_wait3A_1143 : memref<2x768xf32, #tpu.memory_space<vmem_shared>>) dst(%dma_wait3A_1141 : memref<2x768xf32, #tpu.memory_space<hbm>>)
    %dma_wait3A_1144 = arith.constant 0 : i32
    %dma_wait3A_1145 = tpu.memref_slice %arg4[%add3A_155, %dma_wait3A_1144] : memref<4096x768xf32, #tpu.memory_space<hbm>> -> memref<2x768xf32, #tpu.memory_space<hbm>>
    %dma_wait3A_1146 = arith.constant 0 : i32
    %dma_wait3A_1147 = tpu.memref_slice %arg5[%mul3A_151, %dma_wait3A_1146] : memref<200x768xf32, #tpu.memory_space<vmem_shared>> -> memref<2x768xf32, #tpu.memory_space<vmem_shared>>
    tpu.wait_dma2 semaphore(%arg7 : memref<!tpu.dma_semaphore, #tpu.memory_space<semaphore_mem>>) src(%dma_wait3A_1147 : memref<2x768xf32, #tpu.memory_space<vmem_shared>>) dst(%dma_wait3A_1145 : memref<2x768xf32, #tpu.memory_space<hbm>>)
    %dma_wait3A_1148 = arith.constant 0 : i32
    %dma_wait3A_1149 = tpu.memref_slice %arg4[%add3A_172, %dma_wait3A_1148] : memref<4096x768xf32, #tpu.memory_space<hbm>> -> memref<2x768xf32, #tpu.memory_space<hbm>>
    %dma_wait3A_1150 = arith.constant 0 : i32
    %dma_wait3A_1151 = tpu.memref_slice %arg5[%mul3A_168, %dma_wait3A_1150] : memref<200x768xf32, #tpu.memory_space<vmem_shared>> -> memref<2x768xf32, #tpu.memory_space<vmem_shared>>
    tpu.wait_dma2 semaphore(%arg7 : memref<!tpu.dma_semaphore, #tpu.memory_space<semaphore_mem>>) src(%dma_wait3A_1151 : memref<2x768xf32, #tpu.memory_space<vmem_shared>>) dst(%dma_wait3A_1149 : memref<2x768xf32, #tpu.memory_space<hbm>>)
    %dma_wait3A_1152 = arith.constant 0 : i32
    %dma_wait3A_1153 = tpu.memref_slice %arg4[%add3A_189, %dma_wait3A_1152] : memref<4096x768xf32, #tpu.memory_space<hbm>> -> memref<2x768xf32, #tpu.memory_space<hbm>>
    %dma_wait3A_1154 = arith.constant 0 : i32
    %dma_wait3A_1155 = tpu.memref_slice %arg5[%mul3A_185, %dma_wait3A_1154] : memref<200x768xf32, #tpu.memory_space<vmem_shared>> -> memref<2x768xf32, #tpu.memory_space<vmem_shared>>
    tpu.wait_dma2 semaphore(%arg7 : memref<!tpu.dma_semaphore, #tpu.memory_space<semaphore_mem>>) src(%dma_wait3A_1155 : memref<2x768xf32, #tpu.memory_space<vmem_shared>>) dst(%dma_wait3A_1153 : memref<2x768xf32, #tpu.memory_space<hbm>>)
    %dma_wait3A_1156 = arith.constant 0 : i32
    %dma_wait3A_1157 = tpu.memref_slice %arg4[%add3A_206, %dma_wait3A_1156] : memref<4096x768xf32, #tpu.memory_space<hbm>> -> memref<2x768xf32, #tpu.memory_space<hbm>>
    %dma_wait3A_1158 = arith.constant 0 : i32
    %dma_wait3A_1159 = tpu.memref_slice %arg5[%mul3A_202, %dma_wait3A_1158] : memref<200x768xf32, #tpu.memory_space<vmem_shared>> -> memref<2x768xf32, #tpu.memory_space<vmem_shared>>
    tpu.wait_dma2 semaphore(%arg7 : memref<!tpu.dma_semaphore, #tpu.memory_space<semaphore_mem>>) src(%dma_wait3A_1159 : memref<2x768xf32, #tpu.memory_space<vmem_shared>>) dst(%dma_wait3A_1157 : memref<2x768xf32, #tpu.memory_space<hbm>>)
    %dma_wait3A_1160 = arith.constant 0 : i32
    %dma_wait3A_1161 = tpu.memref_slice %arg4[%add3A_223, %dma_wait3A_1160] : memref<4096x768xf32, #tpu.memory_space<hbm>> -> memref<2x768xf32, #tpu.memory_space<hbm>>
    %dma_wait3A_1162 = arith.constant 0 : i32
    %dma_wait3A_1163 = tpu.memref_slice %arg5[%mul3A_219, %dma_wait3A_1162] : memref<200x768xf32, #tpu.memory_space<vmem_shared>> -> memref<2x768xf32, #tpu.memory_space<vmem_shared>>
    tpu.wait_dma2 semaphore(%arg7 : memref<!tpu.dma_semaphore, #tpu.memory_space<semaphore_mem>>) src(%dma_wait3A_1163 : memref<2x768xf32, #tpu.memory_space<vmem_shared>>) dst(%dma_wait3A_1161 : memref<2x768xf32, #tpu.memory_space<hbm>>)
    %dma_wait3A_1164 = arith.constant 0 : i32
    %dma_wait3A_1165 = tpu.memref_slice %arg4[%add3A_240, %dma_wait3A_1164] : memref<4096x768xf32, #tpu.memory_space<hbm>> -> memref<2x768xf32, #tpu.memory_space<hbm>>
    %dma_wait3A_1166 = arith.constant 0 : i32
    %dma_wait3A_1167 = tpu.memref_slice %arg5[%mul3A_236, %dma_wait3A_1166] : memref<200x768xf32, #tpu.memory_space<vmem_shared>> -> memref<2x768xf32, #tpu.memory_space<vmem_shared>>
    tpu.wait_dma2 semaphore(%arg7 : memref<!tpu.dma_semaphore, #tpu.memory_space<semaphore_mem>>) src(%dma_wait3A_1167 : memref<2x768xf32, #tpu.memory_space<vmem_shared>>) dst(%dma_wait3A_1165 : memref<2x768xf32, #tpu.memory_space<hbm>>)
    %dma_wait3A_1168 = arith.constant 0 : i32
    %dma_wait3A_1169 = tpu.memref_slice %arg4[%add3A_257, %dma_wait3A_1168] : memref<4096x768xf32, #tpu.memory_space<hbm>> -> memref<2x768xf32, #tpu.memory_space<hbm>>
    %dma_wait3A_1170 = arith.constant 0 : i32
    %dma_wait3A_1171 = tpu.memref_slice %arg5[%mul3A_253, %dma_wait3A_1170] : memref<200x768xf32, #tpu.memory_space<vmem_shared>> -> memref<2x768xf32, #tpu.memory_space<vmem_shared>>
    tpu.wait_dma2 semaphore(%arg7 : memref<!tpu.dma_semaphore, #tpu.memory_space<semaphore_mem>>) src(%dma_wait3A_1171 : memref<2x768xf32, #tpu.memory_space<vmem_shared>>) dst(%dma_wait3A_1169 : memref<2x768xf32, #tpu.memory_space<hbm>>)
    %dma_wait3A_1172 = arith.constant 0 : i32
    %dma_wait3A_1173 = tpu.memref_slice %arg4[%add3A_274, %dma_wait3A_1172] : memref<4096x768xf32, #tpu.memory_space<hbm>> -> memref<2x768xf32, #tpu.memory_space<hbm>>
    %dma_wait3A_1174 = arith.constant 0 : i32
    %dma_wait3A_1175 = tpu.memref_slice %arg5[%mul3A_270, %dma_wait3A_1174] : memref<200x768xf32, #tpu.memory_space<vmem_shared>> -> memref<2x768xf32, #tpu.memory_space<vmem_shared>>
    tpu.wait_dma2 semaphore(%arg7 : memref<!tpu.dma_semaphore, #tpu.memory_space<semaphore_mem>>) src(%dma_wait3A_1175 : memref<2x768xf32, #tpu.memory_space<vmem_shared>>) dst(%dma_wait3A_1173 : memref<2x768xf32, #tpu.memory_space<hbm>>)
    %dma_wait3A_1176 = arith.constant 0 : i32
    %dma_wait3A_1177 = tpu.memref_slice %arg4[%add3A_294, %dma_wait3A_1176] : memref<4096x768xf32, #tpu.memory_space<hbm>> -> memref<2x768xf32, #tpu.memory_space<hbm>>
    %dma_wait3A_1178 = arith.constant 0 : i32
    %dma_wait3A_1179 = tpu.memref_slice %arg5[%mul3A_290, %dma_wait3A_1178] : memref<200x768xf32, #tpu.memory_space<vmem_shared>> -> memref<2x768xf32, #tpu.memory_space<vmem_shared>>
    tpu.wait_dma2 semaphore(%arg7 : memref<!tpu.dma_semaphore, #tpu.memory_space<semaphore_mem>>) src(%dma_wait3A_1179 : memref<2x768xf32, #tpu.memory_space<vmem_shared>>) dst(%dma_wait3A_1177 : memref<2x768xf32, #tpu.memory_space<hbm>>)
    %dma_wait3A_1180 = arith.constant 0 : i32
    %dma_wait3A_1181 = tpu.memref_slice %arg4[%add3A_311, %dma_wait3A_1180] : memref<4096x768xf32, #tpu.memory_space<hbm>> -> memref<2x768xf32, #tpu.memory_space<hbm>>
    %dma_wait3A_1182 = arith.constant 0 : i32
    %dma_wait3A_1183 = tpu.memref_slice %arg5[%mul3A_307, %dma_wait3A_1182] : memref<200x768xf32, #tpu.memory_space<vmem_shared>> -> memref<2x768xf32, #tpu.memory_space<vmem_shared>>
    tpu.wait_dma2 semaphore(%arg7 : memref<!tpu.dma_semaphore, #tpu.memory_space<semaphore_mem>>) src(%dma_wait3A_1183 : memref<2x768xf32, #tpu.memory_space<vmem_shared>>) dst(%dma_wait3A_1181 : memref<2x768xf32, #tpu.memory_space<hbm>>)
    %dma_wait3A_1184 = arith.constant 0 : i32
    %dma_wait3A_1185 = tpu.memref_slice %arg4[%add3A_328, %dma_wait3A_1184] : memref<4096x768xf32, #tpu.memory_space<hbm>> -> memref<2x768xf32, #tpu.memory_space<hbm>>
    %dma_wait3A_1186 = arith.constant 0 : i32
    %dma_wait3A_1187 = tpu.memref_slice %arg5[%mul3A_324, %dma_wait3A_1186] : memref<200x768xf32, #tpu.memory_space<vmem_shared>> -> memref<2x768xf32, #tpu.memory_space<vmem_shared>>
    tpu.wait_dma2 semaphore(%arg7 : memref<!tpu.dma_semaphore, #tpu.memory_space<semaphore_mem>>) src(%dma_wait3A_1187 : memref<2x768xf32, #tpu.memory_space<vmem_shared>>) dst(%dma_wait3A_1185 : memref<2x768xf32, #tpu.memory_space<hbm>>)
    %dma_wait3A_1188 = arith.constant 0 : i32
    %dma_wait3A_1189 = tpu.memref_slice %arg4[%add3A_345, %dma_wait3A_1188] : memref<4096x768xf32, #tpu.memory_space<hbm>> -> memref<2x768xf32, #tpu.memory_space<hbm>>
    %dma_wait3A_1190 = arith.constant 0 : i32
    %dma_wait3A_1191 = tpu.memref_slice %arg5[%mul3A_341, %dma_wait3A_1190] : memref<200x768xf32, #tpu.memory_space<vmem_shared>> -> memref<2x768xf32, #tpu.memory_space<vmem_shared>>
    tpu.wait_dma2 semaphore(%arg7 : memref<!tpu.dma_semaphore, #tpu.memory_space<semaphore_mem>>) src(%dma_wait3A_1191 : memref<2x768xf32, #tpu.memory_space<vmem_shared>>) dst(%dma_wait3A_1189 : memref<2x768xf32, #tpu.memory_space<hbm>>)
    %dma_wait3A_1192 = arith.constant 0 : i32
    %dma_wait3A_1193 = tpu.memref_slice %arg4[%add3A_362, %dma_wait3A_1192] : memref<4096x768xf32, #tpu.memory_space<hbm>> -> memref<2x768xf32, #tpu.memory_space<hbm>>
    %dma_wait3A_1194 = arith.constant 0 : i32
    %dma_wait3A_1195 = tpu.memref_slice %arg5[%mul3A_358, %dma_wait3A_1194] : memref<200x768xf32, #tpu.memory_space<vmem_shared>> -> memref<2x768xf32, #tpu.memory_space<vmem_shared>>
    tpu.wait_dma2 semaphore(%arg7 : memref<!tpu.dma_semaphore, #tpu.memory_space<semaphore_mem>>) src(%dma_wait3A_1195 : memref<2x768xf32, #tpu.memory_space<vmem_shared>>) dst(%dma_wait3A_1193 : memref<2x768xf32, #tpu.memory_space<hbm>>)
    %dma_wait3A_1196 = arith.constant 0 : i32
    %dma_wait3A_1197 = tpu.memref_slice %arg4[%add3A_379, %dma_wait3A_1196] : memref<4096x768xf32, #tpu.memory_space<hbm>> -> memref<2x768xf32, #tpu.memory_space<hbm>>
    %dma_wait3A_1198 = arith.constant 0 : i32
    %dma_wait3A_1199 = tpu.memref_slice %arg5[%mul3A_375, %dma_wait3A_1198] : memref<200x768xf32, #tpu.memory_space<vmem_shared>> -> memref<2x768xf32, #tpu.memory_space<vmem_shared>>
    tpu.wait_dma2 semaphore(%arg7 : memref<!tpu.dma_semaphore, #tpu.memory_space<semaphore_mem>>) src(%dma_wait3A_1199 : memref<2x768xf32, #tpu.memory_space<vmem_shared>>) dst(%dma_wait3A_1197 : memref<2x768xf32, #tpu.memory_space<hbm>>)
    %dma_wait3A_1200 = arith.constant 0 : i32
    %dma_wait3A_1201 = tpu.memref_slice %arg4[%add3A_396, %dma_wait3A_1200] : memref<4096x768xf32, #tpu.memory_space<hbm>> -> memref<2x768xf32, #tpu.memory_space<hbm>>
    %dma_wait3A_1202 = arith.constant 0 : i32
    %dma_wait3A_1203 = tpu.memref_slice %arg5[%mul3A_392, %dma_wait3A_1202] : memref<200x768xf32, #tpu.memory_space<vmem_shared>> -> memref<2x768xf32, #tpu.memory_space<vmem_shared>>
    tpu.wait_dma2 semaphore(%arg7 : memref<!tpu.dma_semaphore, #tpu.memory_space<semaphore_mem>>) src(%dma_wait3A_1203 : memref<2x768xf32, #tpu.memory_space<vmem_shared>>) dst(%dma_wait3A_1201 : memref<2x768xf32, #tpu.memory_space<hbm>>)
    %dma_wait3A_1204 = arith.constant 0 : i32
    %dma_wait3A_1205 = tpu.memref_slice %arg4[%add3A_413, %dma_wait3A_1204] : memref<4096x768xf32, #tpu.memory_space<hbm>> -> memref<2x768xf32, #tpu.memory_space<hbm>>
    %dma_wait3A_1206 = arith.constant 0 : i32
    %dma_wait3A_1207 = tpu.memref_slice %arg5[%mul3A_409, %dma_wait3A_1206] : memref<200x768xf32, #tpu.memory_space<vmem_shared>> -> memref<2x768xf32, #tpu.memory_space<vmem_shared>>
    tpu.wait_dma2 semaphore(%arg7 : memref<!tpu.dma_semaphore, #tpu.memory_space<semaphore_mem>>) src(%dma_wait3A_1207 : memref<2x768xf32, #tpu.memory_space<vmem_shared>>) dst(%dma_wait3A_1205 : memref<2x768xf32, #tpu.memory_space<hbm>>)
    %dma_wait3A_1208 = arith.constant 0 : i32
    %dma_wait3A_1209 = tpu.memref_slice %arg4[%add3A_433, %dma_wait3A_1208] : memref<4096x768xf32, #tpu.memory_space<hbm>> -> memref<2x768xf32, #tpu.memory_space<hbm>>
    %dma_wait3A_1210 = arith.constant 0 : i32
    %dma_wait3A_1211 = tpu.memref_slice %arg5[%mul3A_429, %dma_wait3A_1210] : memref<200x768xf32, #tpu.memory_space<vmem_shared>> -> memref<2x768xf32, #tpu.memory_space<vmem_shared>>
    tpu.wait_dma2 semaphore(%arg7 : memref<!tpu.dma_semaphore, #tpu.memory_space<semaphore_mem>>) src(%dma_wait3A_1211 : memref<2x768xf32, #tpu.memory_space<vmem_shared>>) dst(%dma_wait3A_1209 : memref<2x768xf32, #tpu.memory_space<hbm>>)
    %dma_wait3A_1212 = arith.constant 0 : i32
    %dma_wait3A_1213 = tpu.memref_slice %arg4[%add3A_450, %dma_wait3A_1212] : memref<4096x768xf32, #tpu.memory_space<hbm>> -> memref<2x768xf32, #tpu.memory_space<hbm>>
    %dma_wait3A_1214 = arith.constant 0 : i32
    %dma_wait3A_1215 = tpu.memref_slice %arg5[%mul3A_446, %dma_wait3A_1214] : memref<200x768xf32, #tpu.memory_space<vmem_shared>> -> memref<2x768xf32, #tpu.memory_space<vmem_shared>>
    tpu.wait_dma2 semaphore(%arg7 : memref<!tpu.dma_semaphore, #tpu.memory_space<semaphore_mem>>) src(%dma_wait3A_1215 : memref<2x768xf32, #tpu.memory_space<vmem_shared>>) dst(%dma_wait3A_1213 : memref<2x768xf32, #tpu.memory_space<hbm>>)
    %dma_wait3A_1216 = arith.constant 0 : i32
    %dma_wait3A_1217 = tpu.memref_slice %arg4[%add3A_467, %dma_wait3A_1216] : memref<4096x768xf32, #tpu.memory_space<hbm>> -> memref<2x768xf32, #tpu.memory_space<hbm>>
    %dma_wait3A_1218 = arith.constant 0 : i32
    %dma_wait3A_1219 = tpu.memref_slice %arg5[%mul3A_463, %dma_wait3A_1218] : memref<200x768xf32, #tpu.memory_space<vmem_shared>> -> memref<2x768xf32, #tpu.memory_space<vmem_shared>>
    tpu.wait_dma2 semaphore(%arg7 : memref<!tpu.dma_semaphore, #tpu.memory_space<semaphore_mem>>) src(%dma_wait3A_1219 : memref<2x768xf32, #tpu.memory_space<vmem_shared>>) dst(%dma_wait3A_1217 : memref<2x768xf32, #tpu.memory_space<hbm>>)
    %dma_wait3A_1220 = arith.constant 0 : i32
    %dma_wait3A_1221 = tpu.memref_slice %arg4[%add3A_484, %dma_wait3A_1220] : memref<4096x768xf32, #tpu.memory_space<hbm>> -> memref<2x768xf32, #tpu.memory_space<hbm>>
    %dma_wait3A_1222 = arith.constant 0 : i32
    %dma_wait3A_1223 = tpu.memref_slice %arg5[%mul3A_480, %dma_wait3A_1222] : memref<200x768xf32, #tpu.memory_space<vmem_shared>> -> memref<2x768xf32, #tpu.memory_space<vmem_shared>>
    tpu.wait_dma2 semaphore(%arg7 : memref<!tpu.dma_semaphore, #tpu.memory_space<semaphore_mem>>) src(%dma_wait3A_1223 : memref<2x768xf32, #tpu.memory_space<vmem_shared>>) dst(%dma_wait3A_1221 : memref<2x768xf32, #tpu.memory_space<hbm>>)
    %dma_wait3A_1224 = arith.constant 0 : i32
    %dma_wait3A_1225 = tpu.memref_slice %arg4[%add3A_501, %dma_wait3A_1224] : memref<4096x768xf32, #tpu.memory_space<hbm>> -> memref<2x768xf32, #tpu.memory_space<hbm>>
    %dma_wait3A_1226 = arith.constant 0 : i32
    %dma_wait3A_1227 = tpu.memref_slice %arg5[%mul3A_497, %dma_wait3A_1226] : memref<200x768xf32, #tpu.memory_space<vmem_shared>> -> memref<2x768xf32, #tpu.memory_space<vmem_shared>>
    tpu.wait_dma2 semaphore(%arg7 : memref<!tpu.dma_semaphore, #tpu.memory_space<semaphore_mem>>) src(%dma_wait3A_1227 : memref<2x768xf32, #tpu.memory_space<vmem_shared>>) dst(%dma_wait3A_1225 : memref<2x768xf32, #tpu.memory_space<hbm>>)
    %dma_wait3A_1228 = arith.constant 0 : i32
    %dma_wait3A_1229 = tpu.memref_slice %arg4[%add3A_518, %dma_wait3A_1228] : memref<4096x768xf32, #tpu.memory_space<hbm>> -> memref<2x768xf32, #tpu.memory_space<hbm>>
    %dma_wait3A_1230 = arith.constant 0 : i32
    %dma_wait3A_1231 = tpu.memref_slice %arg5[%mul3A_514, %dma_wait3A_1230] : memref<200x768xf32, #tpu.memory_space<vmem_shared>> -> memref<2x768xf32, #tpu.memory_space<vmem_shared>>
    tpu.wait_dma2 semaphore(%arg7 : memref<!tpu.dma_semaphore, #tpu.memory_space<semaphore_mem>>) src(%dma_wait3A_1231 : memref<2x768xf32, #tpu.memory_space<vmem_shared>>) dst(%dma_wait3A_1229 : memref<2x768xf32, #tpu.memory_space<hbm>>)
    %dma_wait3A_1232 = arith.constant 0 : i32
    %dma_wait3A_1233 = tpu.memref_slice %arg4[%add3A_535, %dma_wait3A_1232] : memref<4096x768xf32, #tpu.memory_space<hbm>> -> memref<2x768xf32, #tpu.memory_space<hbm>>
    %dma_wait3A_1234 = arith.constant 0 : i32
    %dma_wait3A_1235 = tpu.memref_slice %arg5[%mul3A_531, %dma_wait3A_1234] : memref<200x768xf32, #tpu.memory_space<vmem_shared>> -> memref<2x768xf32, #tpu.memory_space<vmem_shared>>
    tpu.wait_dma2 semaphore(%arg7 : memref<!tpu.dma_semaphore, #tpu.memory_space<semaphore_mem>>) src(%dma_wait3A_1235 : memref<2x768xf32, #tpu.memory_space<vmem_shared>>) dst(%dma_wait3A_1233 : memref<2x768xf32, #tpu.memory_space<hbm>>)
    %dma_wait3A_1236 = arith.constant 0 : i32
    %dma_wait3A_1237 = tpu.memref_slice %arg4[%add3A_552, %dma_wait3A_1236] : memref<4096x768xf32, #tpu.memory_space<hbm>> -> memref<2x768xf32, #tpu.memory_space<hbm>>
    %dma_wait3A_1238 = arith.constant 0 : i32
    %dma_wait3A_1239 = tpu.memref_slice %arg5[%mul3A_548, %dma_wait3A_1238] : memref<200x768xf32, #tpu.memory_space<vmem_shared>> -> memref<2x768xf32, #tpu.memory_space<vmem_shared>>
    tpu.wait_dma2 semaphore(%arg7 : memref<!tpu.dma_semaphore, #tpu.memory_space<semaphore_mem>>) src(%dma_wait3A_1239 : memref<2x768xf32, #tpu.memory_space<vmem_shared>>) dst(%dma_wait3A_1237 : memref<2x768xf32, #tpu.memory_space<hbm>>)
    %dma_wait3A_1240 = arith.constant 0 : i32
    %dma_wait3A_1241 = tpu.memref_slice %arg4[%add3A_572, %dma_wait3A_1240] : memref<4096x768xf32, #tpu.memory_space<hbm>> -> memref<2x768xf32, #tpu.memory_space<hbm>>
    %dma_wait3A_1242 = arith.constant 0 : i32
    %dma_wait3A_1243 = tpu.memref_slice %arg5[%mul3A_568, %dma_wait3A_1242] : memref<200x768xf32, #tpu.memory_space<vmem_shared>> -> memref<2x768xf32, #tpu.memory_space<vmem_shared>>
    tpu.wait_dma2 semaphore(%arg7 : memref<!tpu.dma_semaphore, #tpu.memory_space<semaphore_mem>>) src(%dma_wait3A_1243 : memref<2x768xf32, #tpu.memory_space<vmem_shared>>) dst(%dma_wait3A_1241 : memref<2x768xf32, #tpu.memory_space<hbm>>)
    %dma_wait3A_1244 = arith.constant 0 : i32
    %dma_wait3A_1245 = tpu.memref_slice %arg4[%add3A_589, %dma_wait3A_1244] : memref<4096x768xf32, #tpu.memory_space<hbm>> -> memref<2x768xf32, #tpu.memory_space<hbm>>
    %dma_wait3A_1246 = arith.constant 0 : i32
    %dma_wait3A_1247 = tpu.memref_slice %arg5[%mul3A_585, %dma_wait3A_1246] : memref<200x768xf32, #tpu.memory_space<vmem_shared>> -> memref<2x768xf32, #tpu.memory_space<vmem_shared>>
    tpu.wait_dma2 semaphore(%arg7 : memref<!tpu.dma_semaphore, #tpu.memory_space<semaphore_mem>>) src(%dma_wait3A_1247 : memref<2x768xf32, #tpu.memory_space<vmem_shared>>) dst(%dma_wait3A_1245 : memref<2x768xf32, #tpu.memory_space<hbm>>)
    %dma_wait3A_1248 = arith.constant 0 : i32
    %dma_wait3A_1249 = tpu.memref_slice %arg4[%add3A_606, %dma_wait3A_1248] : memref<4096x768xf32, #tpu.memory_space<hbm>> -> memref<2x768xf32, #tpu.memory_space<hbm>>
    %dma_wait3A_1250 = arith.constant 0 : i32
    %dma_wait3A_1251 = tpu.memref_slice %arg5[%mul3A_602, %dma_wait3A_1250] : memref<200x768xf32, #tpu.memory_space<vmem_shared>> -> memref<2x768xf32, #tpu.memory_space<vmem_shared>>
    tpu.wait_dma2 semaphore(%arg7 : memref<!tpu.dma_semaphore, #tpu.memory_space<semaphore_mem>>) src(%dma_wait3A_1251 : memref<2x768xf32, #tpu.memory_space<vmem_shared>>) dst(%dma_wait3A_1249 : memref<2x768xf32, #tpu.memory_space<hbm>>)
    %dma_wait3A_1252 = arith.constant 0 : i32
    %dma_wait3A_1253 = tpu.memref_slice %arg4[%add3A_623, %dma_wait3A_1252] : memref<4096x768xf32, #tpu.memory_space<hbm>> -> memref<2x768xf32, #tpu.memory_space<hbm>>
    %dma_wait3A_1254 = arith.constant 0 : i32
    %dma_wait3A_1255 = tpu.memref_slice %arg5[%mul3A_619, %dma_wait3A_1254] : memref<200x768xf32, #tpu.memory_space<vmem_shared>> -> memref<2x768xf32, #tpu.memory_space<vmem_shared>>
    tpu.wait_dma2 semaphore(%arg7 : memref<!tpu.dma_semaphore, #tpu.memory_space<semaphore_mem>>) src(%dma_wait3A_1255 : memref<2x768xf32, #tpu.memory_space<vmem_shared>>) dst(%dma_wait3A_1253 : memref<2x768xf32, #tpu.memory_space<hbm>>)
    %dma_wait3A_1256 = arith.constant 0 : i32
    %dma_wait3A_1257 = tpu.memref_slice %arg4[%add3A_640, %dma_wait3A_1256] : memref<4096x768xf32, #tpu.memory_space<hbm>> -> memref<2x768xf32, #tpu.memory_space<hbm>>
    %dma_wait3A_1258 = arith.constant 0 : i32
    %dma_wait3A_1259 = tpu.memref_slice %arg5[%mul3A_636, %dma_wait3A_1258] : memref<200x768xf32, #tpu.memory_space<vmem_shared>> -> memref<2x768xf32, #tpu.memory_space<vmem_shared>>
    tpu.wait_dma2 semaphore(%arg7 : memref<!tpu.dma_semaphore, #tpu.memory_space<semaphore_mem>>) src(%dma_wait3A_1259 : memref<2x768xf32, #tpu.memory_space<vmem_shared>>) dst(%dma_wait3A_1257 : memref<2x768xf32, #tpu.memory_space<hbm>>)
    %dma_wait3A_1260 = arith.constant 0 : i32
    %dma_wait3A_1261 = tpu.memref_slice %arg4[%add3A_657, %dma_wait3A_1260] : memref<4096x768xf32, #tpu.memory_space<hbm>> -> memref<2x768xf32, #tpu.memory_space<hbm>>
    %dma_wait3A_1262 = arith.constant 0 : i32
    %dma_wait3A_1263 = tpu.memref_slice %arg5[%mul3A_653, %dma_wait3A_1262] : memref<200x768xf32, #tpu.memory_space<vmem_shared>> -> memref<2x768xf32, #tpu.memory_space<vmem_shared>>
    tpu.wait_dma2 semaphore(%arg7 : memref<!tpu.dma_semaphore, #tpu.memory_space<semaphore_mem>>) src(%dma_wait3A_1263 : memref<2x768xf32, #tpu.memory_space<vmem_shared>>) dst(%dma_wait3A_1261 : memref<2x768xf32, #tpu.memory_space<hbm>>)
    %dma_wait3A_1264 = arith.constant 0 : i32
    %dma_wait3A_1265 = tpu.memref_slice %arg4[%add3A_674, %dma_wait3A_1264] : memref<4096x768xf32, #tpu.memory_space<hbm>> -> memref<2x768xf32, #tpu.memory_space<hbm>>
    %dma_wait3A_1266 = arith.constant 0 : i32
    %dma_wait3A_1267 = tpu.memref_slice %arg5[%mul3A_670, %dma_wait3A_1266] : memref<200x768xf32, #tpu.memory_space<vmem_shared>> -> memref<2x768xf32, #tpu.memory_space<vmem_shared>>
    tpu.wait_dma2 semaphore(%arg7 : memref<!tpu.dma_semaphore, #tpu.memory_space<semaphore_mem>>) src(%dma_wait3A_1267 : memref<2x768xf32, #tpu.memory_space<vmem_shared>>) dst(%dma_wait3A_1265 : memref<2x768xf32, #tpu.memory_space<hbm>>)
    %dma_wait3A_1268 = arith.constant 0 : i32
    %dma_wait3A_1269 = tpu.memref_slice %arg4[%add3A_691, %dma_wait3A_1268] : memref<4096x768xf32, #tpu.memory_space<hbm>> -> memref<2x768xf32, #tpu.memory_space<hbm>>
    %dma_wait3A_1270 = arith.constant 0 : i32
    %dma_wait3A_1271 = tpu.memref_slice %arg5[%mul3A_687, %dma_wait3A_1270] : memref<200x768xf32, #tpu.memory_space<vmem_shared>> -> memref<2x768xf32, #tpu.memory_space<vmem_shared>>
    tpu.wait_dma2 semaphore(%arg7 : memref<!tpu.dma_semaphore, #tpu.memory_space<semaphore_mem>>) src(%dma_wait3A_1271 : memref<2x768xf32, #tpu.memory_space<vmem_shared>>) dst(%dma_wait3A_1269 : memref<2x768xf32, #tpu.memory_space<hbm>>)
    %dma_wait3A_1272 = arith.constant 0 : i32
    %dma_wait3A_1273 = tpu.memref_slice %arg4[%add3A_711, %dma_wait3A_1272] : memref<4096x768xf32, #tpu.memory_space<hbm>> -> memref<2x768xf32, #tpu.memory_space<hbm>>
    %dma_wait3A_1274 = arith.constant 0 : i32
    %dma_wait3A_1275 = tpu.memref_slice %arg5[%mul3A_707, %dma_wait3A_1274] : memref<200x768xf32, #tpu.memory_space<vmem_shared>> -> memref<2x768xf32, #tpu.memory_space<vmem_shared>>
    tpu.wait_dma2 semaphore(%arg7 : memref<!tpu.dma_semaphore, #tpu.memory_space<semaphore_mem>>) src(%dma_wait3A_1275 : memref<2x768xf32, #tpu.memory_space<vmem_shared>>) dst(%dma_wait3A_1273 : memref<2x768xf32, #tpu.memory_space<hbm>>)
    %dma_wait3A_1276 = arith.constant 0 : i32
    %dma_wait3A_1277 = tpu.memref_slice %arg4[%add3A_728, %dma_wait3A_1276] : memref<4096x768xf32, #tpu.memory_space<hbm>> -> memref<2x768xf32, #tpu.memory_space<hbm>>
    %dma_wait3A_1278 = arith.constant 0 : i32
    %dma_wait3A_1279 = tpu.memref_slice %arg5[%mul3A_724, %dma_wait3A_1278] : memref<200x768xf32, #tpu.memory_space<vmem_shared>> -> memref<2x768xf32, #tpu.memory_space<vmem_shared>>
    tpu.wait_dma2 semaphore(%arg7 : memref<!tpu.dma_semaphore, #tpu.memory_space<semaphore_mem>>) src(%dma_wait3A_1279 : memref<2x768xf32, #tpu.memory_space<vmem_shared>>) dst(%dma_wait3A_1277 : memref<2x768xf32, #tpu.memory_space<hbm>>)
    %dma_wait3A_1280 = arith.constant 0 : i32
    %dma_wait3A_1281 = tpu.memref_slice %arg4[%add3A_745, %dma_wait3A_1280] : memref<4096x768xf32, #tpu.memory_space<hbm>> -> memref<2x768xf32, #tpu.memory_space<hbm>>
    %dma_wait3A_1282 = arith.constant 0 : i32
    %dma_wait3A_1283 = tpu.memref_slice %arg5[%mul3A_741, %dma_wait3A_1282] : memref<200x768xf32, #tpu.memory_space<vmem_shared>> -> memref<2x768xf32, #tpu.memory_space<vmem_shared>>
    tpu.wait_dma2 semaphore(%arg7 : memref<!tpu.dma_semaphore, #tpu.memory_space<semaphore_mem>>) src(%dma_wait3A_1283 : memref<2x768xf32, #tpu.memory_space<vmem_shared>>) dst(%dma_wait3A_1281 : memref<2x768xf32, #tpu.memory_space<hbm>>)
    %dma_wait3A_1284 = arith.constant 0 : i32
    %dma_wait3A_1285 = tpu.memref_slice %arg4[%add3A_762, %dma_wait3A_1284] : memref<4096x768xf32, #tpu.memory_space<hbm>> -> memref<2x768xf32, #tpu.memory_space<hbm>>
    %dma_wait3A_1286 = arith.constant 0 : i32
    %dma_wait3A_1287 = tpu.memref_slice %arg5[%mul3A_758, %dma_wait3A_1286] : memref<200x768xf32, #tpu.memory_space<vmem_shared>> -> memref<2x768xf32, #tpu.memory_space<vmem_shared>>
    tpu.wait_dma2 semaphore(%arg7 : memref<!tpu.dma_semaphore, #tpu.memory_space<semaphore_mem>>) src(%dma_wait3A_1287 : memref<2x768xf32, #tpu.memory_space<vmem_shared>>) dst(%dma_wait3A_1285 : memref<2x768xf32, #tpu.memory_space<hbm>>)
    %dma_wait3A_1288 = arith.constant 0 : i32
    %dma_wait3A_1289 = tpu.memref_slice %arg4[%add3A_779, %dma_wait3A_1288] : memref<4096x768xf32, #tpu.memory_space<hbm>> -> memref<2x768xf32, #tpu.memory_space<hbm>>
    %dma_wait3A_1290 = arith.constant 0 : i32
    %dma_wait3A_1291 = tpu.memref_slice %arg5[%mul3A_775, %dma_wait3A_1290] : memref<200x768xf32, #tpu.memory_space<vmem_shared>> -> memref<2x768xf32, #tpu.memory_space<vmem_shared>>
    tpu.wait_dma2 semaphore(%arg7 : memref<!tpu.dma_semaphore, #tpu.memory_space<semaphore_mem>>) src(%dma_wait3A_1291 : memref<2x768xf32, #tpu.memory_space<vmem_shared>>) dst(%dma_wait3A_1289 : memref<2x768xf32, #tpu.memory_space<hbm>>)
    %dma_wait3A_1292 = arith.constant 0 : i32
    %dma_wait3A_1293 = tpu.memref_slice %arg4[%add3A_796, %dma_wait3A_1292] : memref<4096x768xf32, #tpu.memory_space<hbm>> -> memref<2x768xf32, #tpu.memory_space<hbm>>
    %dma_wait3A_1294 = arith.constant 0 : i32
    %dma_wait3A_1295 = tpu.memref_slice %arg5[%mul3A_792, %dma_wait3A_1294] : memref<200x768xf32, #tpu.memory_space<vmem_shared>> -> memref<2x768xf32, #tpu.memory_space<vmem_shared>>
    tpu.wait_dma2 semaphore(%arg7 : memref<!tpu.dma_semaphore, #tpu.memory_space<semaphore_mem>>) src(%dma_wait3A_1295 : memref<2x768xf32, #tpu.memory_space<vmem_shared>>) dst(%dma_wait3A_1293 : memref<2x768xf32, #tpu.memory_space<hbm>>)
    %dma_wait3A_1296 = arith.constant 0 : i32
    %dma_wait3A_1297 = tpu.memref_slice %arg4[%add3A_813, %dma_wait3A_1296] : memref<4096x768xf32, #tpu.memory_space<hbm>> -> memref<2x768xf32, #tpu.memory_space<hbm>>
    %dma_wait3A_1298 = arith.constant 0 : i32
    %dma_wait3A_1299 = tpu.memref_slice %arg5[%mul3A_809, %dma_wait3A_1298] : memref<200x768xf32, #tpu.memory_space<vmem_shared>> -> memref<2x768xf32, #tpu.memory_space<vmem_shared>>
    tpu.wait_dma2 semaphore(%arg7 : memref<!tpu.dma_semaphore, #tpu.memory_space<semaphore_mem>>) src(%dma_wait3A_1299 : memref<2x768xf32, #tpu.memory_space<vmem_shared>>) dst(%dma_wait3A_1297 : memref<2x768xf32, #tpu.memory_space<hbm>>)
    %dma_wait3A_1300 = arith.constant 0 : i32
    %dma_wait3A_1301 = tpu.memref_slice %arg4[%add3A_830, %dma_wait3A_1300] : memref<4096x768xf32, #tpu.memory_space<hbm>> -> memref<2x768xf32, #tpu.memory_space<hbm>>
    %dma_wait3A_1302 = arith.constant 0 : i32
    %dma_wait3A_1303 = tpu.memref_slice %arg5[%mul3A_826, %dma_wait3A_1302] : memref<200x768xf32, #tpu.memory_space<vmem_shared>> -> memref<2x768xf32, #tpu.memory_space<vmem_shared>>
    tpu.wait_dma2 semaphore(%arg7 : memref<!tpu.dma_semaphore, #tpu.memory_space<semaphore_mem>>) src(%dma_wait3A_1303 : memref<2x768xf32, #tpu.memory_space<vmem_shared>>) dst(%dma_wait3A_1301 : memref<2x768xf32, #tpu.memory_space<hbm>>)
    %dma_wait3A_1304 = arith.constant 0 : i32
    %dma_wait3A_1305 = tpu.memref_slice %arg4[%add3A_850, %dma_wait3A_1304] : memref<4096x768xf32, #tpu.memory_space<hbm>> -> memref<2x768xf32, #tpu.memory_space<hbm>>
    %dma_wait3A_1306 = arith.constant 0 : i32
    %dma_wait3A_1307 = tpu.memref_slice %arg5[%mul3A_846, %dma_wait3A_1306] : memref<200x768xf32, #tpu.memory_space<vmem_shared>> -> memref<2x768xf32, #tpu.memory_space<vmem_shared>>
    tpu.wait_dma2 semaphore(%arg7 : memref<!tpu.dma_semaphore, #tpu.memory_space<semaphore_mem>>) src(%dma_wait3A_1307 : memref<2x768xf32, #tpu.memory_space<vmem_shared>>) dst(%dma_wait3A_1305 : memref<2x768xf32, #tpu.memory_space<hbm>>)
    %dma_wait3A_1308 = arith.constant 0 : i32
    %dma_wait3A_1309 = tpu.memref_slice %arg4[%add3A_867, %dma_wait3A_1308] : memref<4096x768xf32, #tpu.memory_space<hbm>> -> memref<2x768xf32, #tpu.memory_space<hbm>>
    %dma_wait3A_1310 = arith.constant 0 : i32
    %dma_wait3A_1311 = tpu.memref_slice %arg5[%mul3A_863, %dma_wait3A_1310] : memref<200x768xf32, #tpu.memory_space<vmem_shared>> -> memref<2x768xf32, #tpu.memory_space<vmem_shared>>
    tpu.wait_dma2 semaphore(%arg7 : memref<!tpu.dma_semaphore, #tpu.memory_space<semaphore_mem>>) src(%dma_wait3A_1311 : memref<2x768xf32, #tpu.memory_space<vmem_shared>>) dst(%dma_wait3A_1309 : memref<2x768xf32, #tpu.memory_space<hbm>>)
    %dma_wait3A_1312 = arith.constant 0 : i32
    %dma_wait3A_1313 = tpu.memref_slice %arg4[%add3A_884, %dma_wait3A_1312] : memref<4096x768xf32, #tpu.memory_space<hbm>> -> memref<2x768xf32, #tpu.memory_space<hbm>>
    %dma_wait3A_1314 = arith.constant 0 : i32
    %dma_wait3A_1315 = tpu.memref_slice %arg5[%mul3A_880, %dma_wait3A_1314] : memref<200x768xf32, #tpu.memory_space<vmem_shared>> -> memref<2x768xf32, #tpu.memory_space<vmem_shared>>
    tpu.wait_dma2 semaphore(%arg7 : memref<!tpu.dma_semaphore, #tpu.memory_space<semaphore_mem>>) src(%dma_wait3A_1315 : memref<2x768xf32, #tpu.memory_space<vmem_shared>>) dst(%dma_wait3A_1313 : memref<2x768xf32, #tpu.memory_space<hbm>>)
    %dma_wait3A_1316 = arith.constant 0 : i32
    %dma_wait3A_1317 = tpu.memref_slice %arg4[%add3A_901, %dma_wait3A_1316] : memref<4096x768xf32, #tpu.memory_space<hbm>> -> memref<2x768xf32, #tpu.memory_space<hbm>>
    %dma_wait3A_1318 = arith.constant 0 : i32
    %dma_wait3A_1319 = tpu.memref_slice %arg5[%mul3A_897, %dma_wait3A_1318] : memref<200x768xf32, #tpu.memory_space<vmem_shared>> -> memref<2x768xf32, #tpu.memory_space<vmem_shared>>
    tpu.wait_dma2 semaphore(%arg7 : memref<!tpu.dma_semaphore, #tpu.memory_space<semaphore_mem>>) src(%dma_wait3A_1319 : memref<2x768xf32, #tpu.memory_space<vmem_shared>>) dst(%dma_wait3A_1317 : memref<2x768xf32, #tpu.memory_space<hbm>>)
    %dma_wait3A_1320 = arith.constant 0 : i32
    %dma_wait3A_1321 = tpu.memref_slice %arg4[%add3A_918, %dma_wait3A_1320] : memref<4096x768xf32, #tpu.memory_space<hbm>> -> memref<2x768xf32, #tpu.memory_space<hbm>>
    %dma_wait3A_1322 = arith.constant 0 : i32
    %dma_wait3A_1323 = tpu.memref_slice %arg5[%mul3A_914, %dma_wait3A_1322] : memref<200x768xf32, #tpu.memory_space<vmem_shared>> -> memref<2x768xf32, #tpu.memory_space<vmem_shared>>
    tpu.wait_dma2 semaphore(%arg7 : memref<!tpu.dma_semaphore, #tpu.memory_space<semaphore_mem>>) src(%dma_wait3A_1323 : memref<2x768xf32, #tpu.memory_space<vmem_shared>>) dst(%dma_wait3A_1321 : memref<2x768xf32, #tpu.memory_space<hbm>>)
    %dma_wait3A_1324 = arith.constant 0 : i32
    %dma_wait3A_1325 = tpu.memref_slice %arg4[%add3A_935, %dma_wait3A_1324] : memref<4096x768xf32, #tpu.memory_space<hbm>> -> memref<2x768xf32, #tpu.memory_space<hbm>>
    %dma_wait3A_1326 = arith.constant 0 : i32
    %dma_wait3A_1327 = tpu.memref_slice %arg5[%mul3A_931, %dma_wait3A_1326] : memref<200x768xf32, #tpu.memory_space<vmem_shared>> -> memref<2x768xf32, #tpu.memory_space<vmem_shared>>
    tpu.wait_dma2 semaphore(%arg7 : memref<!tpu.dma_semaphore, #tpu.memory_space<semaphore_mem>>) src(%dma_wait3A_1327 : memref<2x768xf32, #tpu.memory_space<vmem_shared>>) dst(%dma_wait3A_1325 : memref<2x768xf32, #tpu.memory_space<hbm>>)
    %dma_wait3A_1328 = arith.constant 0 : i32
    %dma_wait3A_1329 = tpu.memref_slice %arg4[%add3A_952, %dma_wait3A_1328] : memref<4096x768xf32, #tpu.memory_space<hbm>> -> memref<2x768xf32, #tpu.memory_space<hbm>>
    %dma_wait3A_1330 = arith.constant 0 : i32
    %dma_wait3A_1331 = tpu.memref_slice %arg5[%mul3A_948, %dma_wait3A_1330] : memref<200x768xf32, #tpu.memory_space<vmem_shared>> -> memref<2x768xf32, #tpu.memory_space<vmem_shared>>
    tpu.wait_dma2 semaphore(%arg7 : memref<!tpu.dma_semaphore, #tpu.memory_space<semaphore_mem>>) src(%dma_wait3A_1331 : memref<2x768xf32, #tpu.memory_space<vmem_shared>>) dst(%dma_wait3A_1329 : memref<2x768xf32, #tpu.memory_space<hbm>>)
    %dma_wait3A_1332 = arith.constant 0 : i32
    %dma_wait3A_1333 = tpu.memref_slice %arg4[%add3A_969, %dma_wait3A_1332] : memref<4096x768xf32, #tpu.memory_space<hbm>> -> memref<2x768xf32, #tpu.memory_space<hbm>>
    %dma_wait3A_1334 = arith.constant 0 : i32
    %dma_wait3A_1335 = tpu.memref_slice %arg5[%mul3A_965, %dma_wait3A_1334] : memref<200x768xf32, #tpu.memory_space<vmem_shared>> -> memref<2x768xf32, #tpu.memory_space<vmem_shared>>
    tpu.wait_dma2 semaphore(%arg7 : memref<!tpu.dma_semaphore, #tpu.memory_space<semaphore_mem>>) src(%dma_wait3A_1335 : memref<2x768xf32, #tpu.memory_space<vmem_shared>>) dst(%dma_wait3A_1333 : memref<2x768xf32, #tpu.memory_space<hbm>>)
    %dma_wait3A_1336 = arith.constant 0 : i32
    %dma_wait3A_1337 = tpu.memref_slice %arg4[%add3A_989, %dma_wait3A_1336] : memref<4096x768xf32, #tpu.memory_space<hbm>> -> memref<2x768xf32, #tpu.memory_space<hbm>>
    %dma_wait3A_1338 = arith.constant 0 : i32
    %dma_wait3A_1339 = tpu.memref_slice %arg5[%mul3A_985, %dma_wait3A_1338] : memref<200x768xf32, #tpu.memory_space<vmem_shared>> -> memref<2x768xf32, #tpu.memory_space<vmem_shared>>
    tpu.wait_dma2 semaphore(%arg7 : memref<!tpu.dma_semaphore, #tpu.memory_space<semaphore_mem>>) src(%dma_wait3A_1339 : memref<2x768xf32, #tpu.memory_space<vmem_shared>>) dst(%dma_wait3A_1337 : memref<2x768xf32, #tpu.memory_space<hbm>>)
    %dma_wait3A_1340 = arith.constant 0 : i32
    %dma_wait3A_1341 = tpu.memref_slice %arg4[%add3A_1006, %dma_wait3A_1340] : memref<4096x768xf32, #tpu.memory_space<hbm>> -> memref<2x768xf32, #tpu.memory_space<hbm>>
    %dma_wait3A_1342 = arith.constant 0 : i32
    %dma_wait3A_1343 = tpu.memref_slice %arg5[%mul3A_1002, %dma_wait3A_1342] : memref<200x768xf32, #tpu.memory_space<vmem_shared>> -> memref<2x768xf32, #tpu.memory_space<vmem_shared>>
    tpu.wait_dma2 semaphore(%arg7 : memref<!tpu.dma_semaphore, #tpu.memory_space<semaphore_mem>>) src(%dma_wait3A_1343 : memref<2x768xf32, #tpu.memory_space<vmem_shared>>) dst(%dma_wait3A_1341 : memref<2x768xf32, #tpu.memory_space<hbm>>)
    %dma_wait3A_1344 = arith.constant 0 : i32
    %dma_wait3A_1345 = tpu.memref_slice %arg4[%add3A_1023, %dma_wait3A_1344] : memref<4096x768xf32, #tpu.memory_space<hbm>> -> memref<2x768xf32, #tpu.memory_space<hbm>>
    %dma_wait3A_1346 = arith.constant 0 : i32
    %dma_wait3A_1347 = tpu.memref_slice %arg5[%mul3A_1019, %dma_wait3A_1346] : memref<200x768xf32, #tpu.memory_space<vmem_shared>> -> memref<2x768xf32, #tpu.memory_space<vmem_shared>>
    tpu.wait_dma2 semaphore(%arg7 : memref<!tpu.dma_semaphore, #tpu.memory_space<semaphore_mem>>) src(%dma_wait3A_1347 : memref<2x768xf32, #tpu.memory_space<vmem_shared>>) dst(%dma_wait3A_1345 : memref<2x768xf32, #tpu.memory_space<hbm>>)
    %dma_wait3A_1348 = arith.constant 0 : i32
    %dma_wait3A_1349 = tpu.memref_slice %arg4[%add3A_1040, %dma_wait3A_1348] : memref<4096x768xf32, #tpu.memory_space<hbm>> -> memref<2x768xf32, #tpu.memory_space<hbm>>
    %dma_wait3A_1350 = arith.constant 0 : i32
    %dma_wait3A_1351 = tpu.memref_slice %arg5[%mul3A_1036, %dma_wait3A_1350] : memref<200x768xf32, #tpu.memory_space<vmem_shared>> -> memref<2x768xf32, #tpu.memory_space<vmem_shared>>
    tpu.wait_dma2 semaphore(%arg7 : memref<!tpu.dma_semaphore, #tpu.memory_space<semaphore_mem>>) src(%dma_wait3A_1351 : memref<2x768xf32, #tpu.memory_space<vmem_shared>>) dst(%dma_wait3A_1349 : memref<2x768xf32, #tpu.memory_space<hbm>>)
    %dma_wait3A_1352 = arith.constant 0 : i32
    %dma_wait3A_1353 = tpu.memref_slice %arg4[%add3A_1057, %dma_wait3A_1352] : memref<4096x768xf32, #tpu.memory_space<hbm>> -> memref<2x768xf32, #tpu.memory_space<hbm>>
    %dma_wait3A_1354 = arith.constant 0 : i32
    %dma_wait3A_1355 = tpu.memref_slice %arg5[%mul3A_1053, %dma_wait3A_1354] : memref<200x768xf32, #tpu.memory_space<vmem_shared>> -> memref<2x768xf32, #tpu.memory_space<vmem_shared>>
    tpu.wait_dma2 semaphore(%arg7 : memref<!tpu.dma_semaphore, #tpu.memory_space<semaphore_mem>>) src(%dma_wait3A_1355 : memref<2x768xf32, #tpu.memory_space<vmem_shared>>) dst(%dma_wait3A_1353 : memref<2x768xf32, #tpu.memory_space<hbm>>)
    %dma_wait3A_1356 = arith.constant 0 : i32
    %dma_wait3A_1357 = tpu.memref_slice %arg4[%add3A_1074, %dma_wait3A_1356] : memref<4096x768xf32, #tpu.memory_space<hbm>> -> memref<2x768xf32, #tpu.memory_space<hbm>>
    %dma_wait3A_1358 = arith.constant 0 : i32
    %dma_wait3A_1359 = tpu.memref_slice %arg5[%mul3A_1070, %dma_wait3A_1358] : memref<200x768xf32, #tpu.memory_space<vmem_shared>> -> memref<2x768xf32, #tpu.memory_space<vmem_shared>>
    tpu.wait_dma2 semaphore(%arg7 : memref<!tpu.dma_semaphore, #tpu.memory_space<semaphore_mem>>) src(%dma_wait3A_1359 : memref<2x768xf32, #tpu.memory_space<vmem_shared>>) dst(%dma_wait3A_1357 : memref<2x768xf32, #tpu.memory_space<hbm>>)
    %dma_wait3A_1360 = arith.constant 0 : i32
    %dma_wait3A_1361 = tpu.memref_slice %arg4[%add3A_1091, %dma_wait3A_1360] : memref<4096x768xf32, #tpu.memory_space<hbm>> -> memref<2x768xf32, #tpu.memory_space<hbm>>
    %dma_wait3A_1362 = arith.constant 0 : i32
    %dma_wait3A_1363 = tpu.memref_slice %arg5[%mul3A_1087, %dma_wait3A_1362] : memref<200x768xf32, #tpu.memory_space<vmem_shared>> -> memref<2x768xf32, #tpu.memory_space<vmem_shared>>
    tpu.wait_dma2 semaphore(%arg7 : memref<!tpu.dma_semaphore, #tpu.memory_space<semaphore_mem>>) src(%dma_wait3A_1363 : memref<2x768xf32, #tpu.memory_space<vmem_shared>>) dst(%dma_wait3A_1361 : memref<2x768xf32, #tpu.memory_space<hbm>>)
    %dma_wait3A_1364 = arith.constant 0 : i32
    %dma_wait3A_1365 = tpu.memref_slice %arg4[%add3A_1108, %dma_wait3A_1364] : memref<4096x768xf32, #tpu.memory_space<hbm>> -> memref<2x768xf32, #tpu.memory_space<hbm>>
    %dma_wait3A_1366 = arith.constant 0 : i32
    %dma_wait3A_1367 = tpu.memref_slice %arg5[%mul3A_1104, %dma_wait3A_1366] : memref<200x768xf32, #tpu.memory_space<vmem_shared>> -> memref<2x768xf32, #tpu.memory_space<vmem_shared>>
    tpu.wait_dma2 semaphore(%arg7 : memref<!tpu.dma_semaphore, #tpu.memory_space<semaphore_mem>>) src(%dma_wait3A_1367 : memref<2x768xf32, #tpu.memory_space<vmem_shared>>) dst(%dma_wait3A_1365 : memref<2x768xf32, #tpu.memory_space<hbm>>)
    return
  }
}

</mosaic_0001>

<sc_bundles>
// kernel: kernel.3.cloned.1.call-start
scs
__scs_entry_jumppad:
0x0: {  	(pc) =	sbr.rel $0x88, $3  }
0x1: {  	(tag) =	ssettag $0x0;
	lr =	simm.s32 $0x1  }
0x2: {  	[smem:$0x3F9F] =	sst lr;
	_ =	strace $0xD0000000  }
0x3: {  	_ = 	snop  }
0x4: {  	_ = 	snop  }
0x5: {  	_ = 	snop  }
0x6: {  	_ = 	snop  }
0x7: {  	_ = 	snop  }
__scs_overlays_trampoline_lowered:
0x8: {  	[smem:$0x3FAE] =	sst s0  }
0x9: {  	[smem:$0x3FAF] =	sst s1  }
0xa: {  	[smem:$0x3FB0] =	sst s2  }
0xb: {  	[smem:$0x3FB1] =	sst s3  }
0xc: {  	[smem:$0x3FB2] =	sst s4  }
0xd: {  	[smem:$0x3FB3] =	sst s5  }
0xe: {  	[smem:$0x3FB4] =	sst s6  }
0xf: {  	[smem:$0x3FB5] =	sst s7  }
0x10: {  	[smem:$0x3FB6] =	sst s8  }
0x11: {  	[smem:$0x3FB7] =	sst s9;
	s0 =	simm.s32 @!p0 $0x0  }
0x12: {  	s1 =	sld [smem:$0x3F9D];
	s0 =	simm.s32 @p0 $0x1  }
0x13: {  	[smem:$0x3FB8] =	sst s0;
	s0 =	simm.s32 @!p1 $0x0  }
0x14: {  	s2 =	sld [smem:$0x3F9C];
	s0 =	simm.s32 @p1 $0x1  }
0x15: {  	[smem:$0x3FB9] =	sst s0;
	s0 =	simm.s32 @!p2 $0x0  }
0x16: {  	s3 =	sld [smem:$0x3FDB];
	s0 =	simm.s32 @p2 $0x1  }
0x17: {  	s4 =	simm.s32 $0x1BF5;
	[smem:$0x3FBB] =	sst s0  }
0x18: {  	s0 =	sld [smem:$0x3F9E];
	_ =	swait.ge [sflag:s4], $0x0  }
0x19: {  	s7 =	sld [smem:$0x3F9F]  }
0x1a: {  	s8 =	sadd.s32 $0xFFFFE003, lr  }
0x1b: {  	s9 =	sadd.s32 $0xFFFFFEF7, lr;
	s5 =	simm.s32 $0xFFFFFFFF;
	p2 =	slt.u32 s8, $0xFFFFF086  }
0x1c: {  	p1 =	slt.u32 s9, $0xF7A;
	s5 =	simm.s32 @!p2 $0x0  }
0x1d: {  	s5 =	simm.s32 @p1 $0x1;
	p0 =	seq.s32 s7, s2  }
0x1e: {  	s7 =	smul.u32 @!p0 $0xF7A, s2;
	p2 =	seq.s32 @!p0 s5, $0x0  }
0x1f: {  	s9 =	smul.u32 $0xF7A, s1;
	s8 =	simm.s32 @!p0 $0x1BF5;
	p2 =	por !p2, p0  }
0x20: {  	[sflag:s8] =	ssyncset.s32 @!p0 $0xFFFFF086;
	s6 =	sadd.s32 @!p0 s3, s7;
	s7 =	simm.s32 @!p0 $0x108  }
0x21: {  	s3 =	sadd.s32 s3, s9;
	s6 =	sadd.s32 @!p0 $0x88, s6;
	s7 =	simm.s32 @p2 $0x1082  }
0x22: {  	[simem:s7], [sflag:s8] =	dma.local @!p0 [hbm:s6], $0xF7A  }
0x23: {  	s9 =	sor.u32 $0xD0000000, s2;
	s6 =	simm.s32 $0x108;
	_ =	swait.ge @!p0 [sflag:s8], $0x0  }
0x24: {  	s3 =	sadd.s32 $0x88, s3;
	s6 =	simm.s32 @!p1 $0x1082;
	[sflag:s4] =	ssyncset.s32 $0xFFFFF086  }
0x25: {  	[simem:s6], [sflag:s4] =	dma.local [hbm:s3], $0xF7A  }
0x26: {  	[smem:$0x3F9F] =	sst s1;
	(tag) =	ssettag s2;
	_ =	strace s9  }
0x27: {  	s1 =	sld [smem:$0x3FAF]  }
0x28: {  	s2 =	sld [smem:$0x3FB0]  }
0x29: {  	s4 =	sld [smem:$0x3FB2]  }
0x2a: {  	p0 =	seq.s32 s5, $0x0;
	s5 =	sld [smem:$0x3FB3]  }
0x2b: {  	s6 =	sld [smem:$0x3FB4]  }
0x2c: {  	s7 =	sld [smem:$0x3FB5]  }
0x2d: {  	s3 =	simm.s32 $0x108;
	s8 =	sld [smem:$0x3FB6]  }
0x2e: {  	s3 =	simm.s32 @!p0 $0x1082;
	s9 =	sld [smem:$0x3FB7]  }
0x2f: {  	lr =	sadd.s32 s0, s3;
	s0 =	sld [smem:$0x3FAE]  }
0x30: {  	s3 =	sld [smem:$0x3FB1]  }
0x31: {  	[smem:$0x3FBA] =	sst s10  }
0x32: {  	s10 =	sld [smem:$0x3FB8];
	_ =	sdelay $0x3  }
0x33: {  	p0 =	seq.s32 s10, $0x1;
	s10 =	sld [smem:$0x3FBA];
	_ =	sdelay $0x3  }
0x34: {  	[smem:$0x3FBA] =	sst s10  }
0x35: {  	s10 =	sld [smem:$0x3FB9];
	_ =	sdelay $0x3  }
0x36: {  	p1 =	seq.s32 s10, $0x1;
	s10 =	sld [smem:$0x3FBA];
	_ =	sdelay $0x3  }
0x37: {  	[smem:$0x3FBA] =	sst s10  }
0x38: {  	s10 =	sld [smem:$0x3FBB]  }
0x39: {  	_ = 	snop;
	(pc) =	sbr.ind lr, $3  }
0x3a: {  	_ = 	snop  }
0x3b: {  	_ = 	snop  }
0x3c: {  	p2 =	seq.s32 s10, $0x1;
	s10 =	sld [smem:$0x3FBA]  }
0x3d: {  	_ =	shalt  }
0x3e: {  	_ =	shalt  }
0x3f: {  	_ =	shalt  }
0x40: {  	_ =	shalt  }
0x41: {  	_ =	shalt  }
0x42: {  	_ =	shalt  }
0x43: {  	_ =	shalt  }
0x44: {  	_ =	shalt  }
0x45: {  	_ =	shalt  }
0x46: {  	_ =	shalt  }
0x47: {  	_ =	shalt  }
0x48: {  	_ =	shalt  }
0x49: {  	_ =	shalt  }
0x4a: {  	_ =	shalt  }
0x4b: {  	_ =	shalt  }
0x4c: {  	_ =	shalt  }
0x4d: {  	_ =	shalt  }
0x4e: {  	_ =	shalt  }
0x4f: {  	_ =	shalt  }
0x50: {  	_ =	shalt  }
0x51: {  	_ =	shalt  }
0x52: {  	_ =	shalt  }
0x53: {  	_ =	shalt  }
0x54: {  	_ =	shalt  }
0x55: {  	_ =	shalt  }
0x56: {  	_ =	shalt  }
0x57: {  	_ =	shalt  }
0x58: {  	_ =	shalt  }
0x59: {  	_ =	shalt  }
0x5a: {  	_ =	shalt  }
0x5b: {  	_ =	shalt  }
0x5c: {  	_ =	shalt  }
0x5d: {  	_ =	shalt  }
0x5e: {  	_ =	shalt  }
0x5f: {  	_ =	shalt  }
0x60: {  	_ =	shalt  }
0x61: {  	_ =	shalt  }
0x62: {  	_ =	shalt  }
0x63: {  	_ =	shalt  }
0x64: {  	_ =	shalt  }
0x65: {  	_ =	shalt  }
0x66: {  	_ =	shalt  }
0x67: {  	_ =	shalt  }
0x68: {  	_ =	shalt  }
0x69: {  	_ =	shalt  }
0x6a: {  	_ =	shalt  }
0x6b: {  	_ =	shalt  }
0x6c: {  	_ =	shalt  }
0x6d: {  	_ =	shalt  }
0x6e: {  	_ =	shalt  }
0x6f: {  	_ =	shalt  }
0x70: {  	_ =	shalt  }
0x71: {  	_ =	shalt  }
0x72: {  	_ =	shalt  }
0x73: {  	_ =	shalt  }
0x74: {  	_ =	shalt  }
0x75: {  	_ =	shalt  }
0x76: {  	_ =	shalt  }
0x77: {  	_ =	shalt  }
0x78: {  	_ =	shalt  }
0x79: {  	_ =	shalt  }
0x7a: {  	_ =	shalt  }
0x7b: {  	_ =	shalt  }
0x7c: {  	_ =	shalt  }
0x7d: {  	_ =	shalt  }
0x7e: {  	_ =	shalt  }
0x7f: {  	_ =	shalt  }
0x80: {  	_ =	shalt  }
0x81: {  	_ =	shalt  }
0x82: {  	_ =	shalt  }
0x83: {  	_ =	shalt  }
0x84: {  	_ =	shalt  }
0x85: {  	_ =	shalt  }
0x86: {  	_ =	shalt  }
0x87: {  	_ =	shalt  }
.Lfunc_end0:
.L_simem_size_0:
called_computation_lowered:
.L_overlay_start_0:
0x88: {  	s2 =	sld [smem:$0x3FD9]  }
0x89: {  	s3 =	sld [smem:$0x3FFE];
	_ =	sdelay $0x1  }
0x8a: {  	s1 =	srdreg.scid  }
0x8b: {  	s0 =	sand.u32 $0x1, s1  }
0x8c: {  	s17 =	sshll.u32 s0, $0xA;
	s2 =	sadd.s32 s3, s2  }
0x8d: {  	s2 =	sadd.s32 s2, s17  }
0x8e: {  	[smem:$0x3FC6] =	sst s2  }
0x8f: {  	_ = 	snop  }
0x90: {  	s2 =	sld [smem:$0x3FC8]  }
0x91: {  	s18 =	sld [smem:$0x3FD0];
	(tm) =	ssettm $0x1  }
0x92: {  	s4 =	sld [smem:$0x3FFB];
	_ =	sdelay $0x3  }
0x93: {  	_ =	strace s4  }
0x94: {  	s4 =	sld [smem:$0x3FFC];
	_ =	sdelay $0x3  }
0x95: {  	_ =	strace s4  }
0x96: {  	s4 =	sld [smem:$0x3FFD];
	_ =	sdelay $0x3  }
0x97: {  	_ =	strace s4  }
0x98: {  	_ =	strace $0x8FFFFFFF  }
0x99: {  	s19 =	sld [smem:$0x3FDB];
	_ =	sdelay $0x1  }
0x9a: {  	s5 =	simm.s32 $_scs_section_size  }
0x9b: {  	s6 =	simm.s32 $_size__tile_overlayer_lowered;
	s7 =	simm.s32 $_tile_overlayer_lowered  }
0x9c: {  	s22 =	simm.s32 $0x1BFF;
	s21 =	sshll.u32 s7, $0x1;
	s4 =	sadd.s32 s5, s19  }
0x9d: {  	s8 =	simm.s32 $0x0;
	s20 =	sshll.u32 s6, $0x1;
	s6 =	sadd.s32 s21, s4  }
0x9e: {  	[timem:s8], [sflag:s22] =	dma.local [hbm:s6], s20  }
0x9f: {  	_ =	swait.ge [sflag:s22], s20  }
0xa0: {  	s5 =	ssub.s32 $0x0, s20;
	[sflag:s22] =	ssyncset.done $0x0  }
0xa1: {  	[sflag:s22] =	ssyncadd.s32 s5;
	_ =	sdelay $0x1  }
0xa2: {  	s23 =	simm.s32 $0x1B8B  }
0xa3: {  	_ =	swait.ge [sflag:s23], $0x1  }
0xa4: {  	[sflag:s23] =	ssyncset.done $0x0  }
0xa5: {  	s25 =	simm.s32 $0x1B8E;
	s24 =	sld [smem:$0x3FFE];
	[sflag:s23] =	ssyncadd.s32 $0xFFFFFFFF  }
0xa6: {  	s26 =	simm.s32 $execute0_lowered;
	[smem:$0x3FD2] =	sst s25  }
0xa7: {  	s6 =	sshll.u32 s26, $0x1;
	_ =	strace $0x80000046;
	[dreg:$0x1] =	wrdreg $0xFFFFFFFF  }
0xa8: {  	s28 =	simm.s32 $_size_execute0_lowered;
	s4 =	sadd.s32 s4, s6;
	[dreg:$0x0] =	wrdreg $0x0  }
0xa9: {  	s6 =	sshll.u32 s28, $0x1;
	[dreg:$0x2] =	wrdreg s4  }
0xaa: {  	[dreg:$0x3] =	wrdreg s6  }
0xab: {  	[dreg:$0x4] =	wrdreg $0xC0  }
0xac: {  	_ =	task [dreg:s8], $0x5FFFF  }
0xad: {  	[dreg:$0x1] =	wrdreg $0xFFFFFFFF  }
0xae: {  	[dreg:$0x0] =	wrdreg $0x60  }
0xaf: {  	[dreg:$0x2] =	wrdreg s24  }
0xb0: {  	[dreg:$0x3] =	wrdreg s2  }
0xb1: {  	[dreg:$0x4] =	wrdreg s18  }
0xb2: {  	[dreg:$0x5] =	wrdreg $0x0  }
0xb3: {  	[dreg:$0x6] =	wrdreg $0x9  }
0xb4: {  	_ =	task.clear_ibuf [dreg:s8], $0x7FFFF;
	_ =	strace $0x90000046  }
0xb5: {  	s29 =	simm.s32 $0x9;
	_ =	strace $0x80000048  }
0xb6: {  	_ =	swait.ge [sflag:s29], $0x1  }
0xb7: {  	[sflag:s29] =	ssyncadd.s32 $0xFFFFFFFF  }
0xb8: {  	_ =	strace $0x90000048  }
0xb9: {  	_ =	sfence  }
0xba: {  	s30 =	sld [smem:$0x0];
	_ =	sdelay $0x2  }
0xbb: {  	s31 =	sshll.u32 s1, $0xD;
	s1 =	sshrl.u32 s1, $0x2  }
0xbc: {  	s3 =	sand.u32 $0x4000, s31;
	s1 =	sadd.s32 s1, s30  }
0xbd: {  	s0 =	sor.u32 s3, s0;
	s1 =	sshll.u32 s1, $0x11  }
0xbe: {  	s0 =	sor.u32 s1, s0  }
0xbf: {  	s0 =	sadd.s32 $0x8F2B, s0  }
0xc0: {  	[sflag:s0] =	ssyncadd.remote.s32 $0x1  }
0xc1: {  	_ =	sfence.sel $0xFFFF  }
0xc2: {  	[dreg:$0x0] =	wrdreg $0xFFFFFFFF;
	(pc) =	sbr.abs _section_cstart, $3  }
0xc3: {  	[dreg:$0x1] =	wrdreg $0xFFFFFFFF  }
0xc4: {  	_ =	task.clear_ibuf [dreg:s8], $0x2FFFF;
	_ =	strace $0x9FFFFFFF  }
0xc5: {  	(tm) =	ssettm $0x7FFFFFFF  }
tec
execute0_lowered:
.L_overlay_start_1:
0x0: {  	(tag) =	ssettag $0x1  }
0x1: {  	s4 =	rddreg [dreg:$0x0];
	s0 =	srdreg.scid  }
0x2: {  	s7 =	rddreg [dreg:$0x1];
	s1 =	stileid.u32;
	s5 =	sand.u32 $0x1, s0  }
0x3: {  	s6 =	rddreg [dreg:$0x2];
	s8 =	sshll.u32 s1, $0x5;
	s9 =	sshll.u32 s5, $0x4  }
0x4: {  	s2 =	rddreg [dreg:$0x3];
	s3 =	simm.s32 $0x0;
	s8 =	sor.u32 s9, s8  }
0x5: {  	[smem:$0x7FF] =	sst s3;
	s9 =	smul.u32 $0x300, s8  }
0x6: {  	s0 =	rddreg [dreg:$0x4];
	s4 =	sadd.s32 $0x400, s4;
	_ =	strace $0x80000047  }
0x7: {  	[dreg:$0x5] =	wrdreg s4;
	s7 =	sadd.s32 s7, s8;
	s4 =	sadd.s32 s6, s9  }
0x8: {  	[dreg:$0x6] =	wrdreg s7;
	s12 =	sadd.s32 $0x20, s4  }
0x9: {  	s13 =	sadd.s32 $0x40, s4;
	[dreg:$0x7] =	wrdreg s12  }
0xa: {  	s14 =	sadd.s32 $0x60, s4;
	[dreg:$0x8] =	wrdreg s13  }
0xb: {  	s15 =	sadd.s32 $0x300, s4;
	[dreg:$0x9] =	wrdreg s14  }
0xc: {  	s16 =	sadd.s32 $0x320, s4;
	[dreg:$0xa] =	wrdreg s15  }
0xd: {  	s17 =	sadd.s32 $0x340, s4;
	[dreg:$0xb] =	wrdreg s16  }
0xe: {  	s18 =	sadd.s32 $0x360, s4;
	[dreg:$0xc] =	wrdreg s17  }
0xf: {  	s19 =	sadd.s32 $0x600, s4;
	[dreg:$0xd] =	wrdreg s18  }
0x10: {  	s20 =	sadd.s32 $0x620, s4;
	[dreg:$0xe] =	wrdreg s19  }
0x11: {  	s21 =	sadd.s32 $0x640, s4;
	[dreg:$0xf] =	wrdreg s20  }
0x12: {  	s22 =	sadd.s32 $0x660, s4;
	[dreg:$0x10] =	wrdreg s21  }
0x13: {  	s23 =	sadd.s32 $0x900, s4;
	[dreg:$0x11] =	wrdreg s22  }
0x14: {  	s24 =	sadd.s32 $0x920, s4;
	[dreg:$0x12] =	wrdreg s23  }
0x15: {  	s25 =	sadd.s32 $0x940, s4;
	[dreg:$0x13] =	wrdreg s24  }
0x16: {  	s26 =	sadd.s32 $0x960, s4;
	[dreg:$0x14] =	wrdreg s25  }
0x17: {  	s28 =	sadd.s32 $0xC00, s4;
	[dreg:$0x15] =	wrdreg s26  }
0x18: {  	s29 =	sadd.s32 $0xC20, s4;
	[dreg:$0x16] =	wrdreg s28  }
0x19: {  	s30 =	sadd.s32 $0xC40, s4;
	[dreg:$0x17] =	wrdreg s29  }
0x1a: {  	s31 =	sadd.s32 $0xC60, s4;
	[dreg:$0x18] =	wrdreg s30  }
0x1b: {  	s8 =	smul.u32 $0x1800, s8;
	s9 =	sadd.s32 $0xF00, s4;
	[dreg:$0x19] =	wrdreg s31  }
0x1c: {  	s10 =	sadd.s32 $0xF20, s4;
	[dreg:$0x1a] =	wrdreg s9  }
0x1d: {  	s8 =	sshrl.u32 s8, $0x3;
	s11 =	sadd.s32 $0xF40, s4;
	[dreg:$0x1b] =	wrdreg s10  }
0x1e: {  	s6 =	sadd.s32 s6, s8;
	[dreg:$0x1c] =	wrdreg s11;
	s12 =	sadd.s32 $0xF60, s4  }
0x1f: {  	s13 =	sadd.s32 $0x1200, s6;
	[dreg:$0x1d] =	wrdreg s12  }
0x20: {  	s14 =	sadd.s32 $0x1220, s6;
	[dreg:$0x1e] =	wrdreg s13  }
0x21: {  	s15 =	sadd.s32 $0x1240, s6;
	[dreg:$0x1f] =	wrdreg s14  }
0x22: {  	s16 =	sadd.s32 $0x1260, s6;
	[smem:$0x7D7] =	sst s15  }
0x23: {  	s17 =	sadd.s32 $0x1500, s6;
	[smem:$0x7D8] =	sst s16  }
0x24: {  	s18 =	sadd.s32 $0x1520, s6;
	[smem:$0x7D9] =	sst s17  }
0x25: {  	s19 =	sadd.s32 $0x1540, s6;
	[smem:$0x7DA] =	sst s18  }
0x26: {  	s20 =	sadd.s32 $0x1560, s6;
	[smem:$0x7DB] =	sst s19  }
0x27: {  	s21 =	sadd.s32 $0x1800, s6;
	[smem:$0x7DC] =	sst s20  }
0x28: {  	s22 =	sadd.s32 $0x1820, s6;
	[smem:$0x7DD] =	sst s21  }
0x29: {  	s23 =	sadd.s32 $0x1840, s6;
	[smem:$0x7DE] =	sst s22  }
0x2a: {  	s24 =	sadd.s32 $0x1860, s6;
	[smem:$0x7DF] =	sst s23  }
0x2b: {  	s25 =	sadd.s32 $0x1B00, s6;
	[smem:$0x7E0] =	sst s24  }
0x2c: {  	s26 =	sadd.s32 $0x1B20, s6;
	[smem:$0x7E1] =	sst s25  }
0x2d: {  	s28 =	sadd.s32 $0x1B40, s6;
	[smem:$0x7E2] =	sst s26  }
0x2e: {  	s29 =	sadd.s32 $0x1B60, s6;
	[smem:$0x7E3] =	sst s28  }
0x2f: {  	s30 =	sadd.s32 $0x1E00, s6;
	[smem:$0x7E4] =	sst s29  }
0x30: {  	s31 =	sadd.s32 $0x1E20, s6;
	[smem:$0x7E5] =	sst s30  }
0x31: {  	s8 =	sadd.s32 $0x1E40, s6;
	[smem:$0x7E6] =	sst s31  }
0x32: {  	s9 =	sadd.s32 $0x1E60, s6;
	[smem:$0x7E7] =	sst s8  }
0x33: {  	s10 =	sadd.s32 $0x2100, s6;
	[smem:$0x7E8] =	sst s9  }
0x34: {  	s11 =	sadd.s32 $0x2120, s6;
	[smem:$0x7E9] =	sst s10  }
0x35: {  	[smem:$0x7EA] =	sst s11;
	s12 =	sadd.s32 $0x2140, s6  }
0x36: {  	s13 =	sadd.s32 $0x2160, s6;
	[smem:$0x7EB] =	sst s12  }
0x37: {  	s14 =	sadd.s32 $0x2400, s6;
	[smem:$0x7EC] =	sst s13  }
0x38: {  	s15 =	sadd.s32 $0x2420, s6;
	[smem:$0x7ED] =	sst s14  }
0x39: {  	s16 =	sadd.s32 $0x2440, s6;
	[smem:$0x7EE] =	sst s15  }
0x3a: {  	s17 =	sadd.s32 $0x2460, s6;
	[smem:$0x7EF] =	sst s16  }
0x3b: {  	s18 =	sadd.s32 $0x2700, s6;
	[smem:$0x7F0] =	sst s17  }
0x3c: {  	s19 =	sadd.s32 $0x2720, s6;
	[smem:$0x7F1] =	sst s18  }
0x3d: {  	s20 =	sadd.s32 $0x2740, s6;
	[smem:$0x7F2] =	sst s19  }
0x3e: {  	s21 =	sadd.s32 $0x2760, s6;
	[smem:$0x7F3] =	sst s20  }
0x3f: {  	s22 =	sadd.s32 $0x2A00, s6;
	[smem:$0x7F4] =	sst s21  }
0x40: {  	s23 =	sadd.s32 $0x2A20, s6;
	[smem:$0x7F5] =	sst s22  }
0x41: {  	s24 =	sadd.s32 $0x2A40, s6;
	[smem:$0x7F6] =	sst s23  }
0x42: {  	p0 =	sne.s32 s1, $0x0;
	s25 =	sadd.s32 $0x2A60, s6;
	[smem:$0x7F7] =	sst s24  }
0x43: {  	s5 =	ssub.s32 $0x2, s5;
	s26 =	sadd.s32 $0x2D00, s6;
	[smem:$0x7F8] =	sst s25  }
0x44: {  	s7 =	simm.s32 $0x80;
	s28 =	sadd.s32 $0x2D20, s6;
	[smem:$0x7F9] =	sst s26  }
0x45: {  	s29 =	sadd.s32 $0x2D40, s6;
	s30 =	sshrl.u32 s5, $0x1;
	[smem:$0x7FA] =	sst s28  }
0x46: {  	s6 =	sadd.s32 $0x2D60, s6;
	s31 =	simm.s32 $0x2580;
	[smem:$0x7FB] =	sst s29  }
0x47: {  	s8 =	simm.s32 $0x1;
	s5 =	ssub.s32 s5, s30;
	[smem:$0x7FC] =	sst s6  }
0x48: {  	[smem:$0x7FD] =	sst s31;
	s6 =	simm.s32 $0x2;
	s5 =	smax.u32 s5, $0x1  }
.LBB2_1:
0x49: {  	s9 =	rddreg [dreg:$0x5];
	s10 =	sshrl.u32 @!p0 s2, $0x3;
	s11 =	simm.s32 @!p0 $0x1C02  }
0x4a: {  	[spmem:s10], [sflag:s11] =	dma.local @!p0 [hbm:s9], $0x4B00  }
0x4b: {  	s9 =	simm.s32 @!p0 $0x2  }
0x4c: {  	_ =	swait.ge @!p0 [sflag:s9], $0x4B00  }
0x4d: {  	s19 =	sld [smem:$0x7FD]  }
0x4e: {  	[sflag:s9] =	ssyncset.done @!p0 $0x0  }
0x4f: {  	s18 =	rddreg [dreg:$0x6];
	[sflag:s9] =	ssyncadd.s32 @!p0 $0xFFFFB500  }
0x50: {  	[tilespmem:s19], [sflag:$0x2] =	stream.linear.gather [hbm4b:s18+s3], $0x80, $0x38;
	[tilespmem:$0x2600] =	vst v63  }
0x51: {  	_ =	swait.ge [sflag:s6], $0x80  }
0x52: {  	[sflag:s6] =	ssyncset.done $0x0  }
0x53: {  	[sflag:s6] =	ssyncadd.s32 $0xFFFFFF80  }
0x54: {  	[bflag:$0x0] =	sbarrier.arrive $0xFFFF  }
0x55: {  	v0 =	vld [tilespmem:$0x2580];
	_ =	sdelay $0x4  }
0x56: {  	v1 =	vmul.u32 $0x5, v0  }
0x57: {  	(v2sf) =	vpush v0, $0x1  }
0x58: {  	(v2sf) =	vpush v1, $0x0;
	_ =	sdelay $0xd  }
0x59: {  	s20 =	spop (v2sf)  }
0x5a: {  	s21 =	spop (v2sf)  }
0x5b: {  	s9 =	sadd.s32 s20, s21  }
0x5c: {  	s9 =	smul.u32 $0x6000, s9;
	_ =	sdelay $0x1  }
0x5d: {  	s9 =	sshra.s32 s9, $0x2  }
0x5e: {  	s23 =	sshll.u32 s1, $0x6;
	s22 =	sadd.s32 s9, s2  }
0x5f: {  	s9 =	sor.u32 $0x1C01, s23;
	s10 =	sshrl.u32 s22, $0x3  }
0x60: {  	[hbm:s4@s7], [sflag:s9] =	dma.strided [spmem:s10@s7], $0xC0, s6, $0x10   }
0x61: {  	(v2sf) =	vpush v0, $0x3  }
0x62: {  	(v2sf) =	vpush v1, $0x2;
	_ =	sdelay $0xd  }
0x63: {  	s10 =	spop (v2sf)  }
0x64: {  	s24 =	spop (v2sf)  }
0x65: {  	s10 =	sadd.s32 s10, s24  }
0x66: {  	s10 =	smul.u32 $0x6000, s10;
	_ =	sdelay $0x1  }
0x67: {  	s10 =	sshra.s32 s10, $0x2  }
0x68: {  	s10 =	sadd.s32 s10, s2  }
0x69: {  	s25 =	rddreg [dreg:$0x7];
	s10 =	sshrl.u32 s10, $0x3  }
0x6a: {  	[hbm:s25@s7], [sflag:s9] =	dma.strided [spmem:s10@s7], $0xC0, s6, $0x10   }
0x6b: {  	(v2sf) =	vpush v0, $0x5  }
0x6c: {  	(v2sf) =	vpush v1, $0x4;
	_ =	sdelay $0xd  }
0x6d: {  	s10 =	spop (v2sf)  }
0x6e: {  	s11 =	spop (v2sf)  }
0x6f: {  	s10 =	sadd.s32 s10, s11  }
0x70: {  	s10 =	smul.u32 $0x6000, s10;
	_ =	sdelay $0x1  }
0x71: {  	s10 =	sshra.s32 s10, $0x2  }
0x72: {  	s10 =	sadd.s32 s10, s2  }
0x73: {  	s26 =	rddreg [dreg:$0x8];
	s10 =	sshrl.u32 s10, $0x3  }
0x74: {  	[hbm:s26@s7], [sflag:s9] =	dma.strided [spmem:s10@s7], $0xC0, s6, $0x10   }
0x75: {  	(v2sf) =	vpush v0, $0x7  }
0x76: {  	(v2sf) =	vpush v1, $0x6;
	_ =	sdelay $0xd  }
0x77: {  	s10 =	spop (v2sf)  }
0x78: {  	s11 =	spop (v2sf)  }
0x79: {  	s10 =	sadd.s32 s10, s11  }
0x7a: {  	s10 =	smul.u32 $0x6000, s10;
	_ =	sdelay $0x1  }
0x7b: {  	s10 =	sshra.s32 s10, $0x2  }
0x7c: {  	s10 =	sadd.s32 s10, s2  }
0x7d: {  	s28 =	rddreg [dreg:$0x9];
	s10 =	sshrl.u32 s10, $0x3  }
0x7e: {  	[hbm:s28@s7], [sflag:s9] =	dma.strided [spmem:s10@s7], $0xC0, s6, $0x10   }
0x7f: {  	(v2sf) =	vpush v0, $0x9  }
0x80: {  	(v2sf) =	vpush v1, $0x8;
	_ =	sdelay $0xd  }
0x81: {  	s10 =	spop (v2sf)  }
0x82: {  	s11 =	spop (v2sf)  }
0x83: {  	s10 =	sadd.s32 s10, s11  }
0x84: {  	s10 =	smul.u32 $0x6000, s10;
	_ =	sdelay $0x1  }
0x85: {  	s10 =	sshra.s32 s10, $0x2  }
0x86: {  	s10 =	sadd.s32 s10, s2  }
0x87: {  	s29 =	rddreg [dreg:$0xa];
	s10 =	sshrl.u32 s10, $0x3  }
0x88: {  	[hbm:s29@s7], [sflag:s9] =	dma.strided [spmem:s10@s7], $0xC0, s6, $0x10   }
0x89: {  	(v2sf) =	vpush v0, $0xB  }
0x8a: {  	(v2sf) =	vpush v1, $0xA;
	_ =	sdelay $0xd  }
0x8b: {  	s10 =	spop (v2sf)  }
0x8c: {  	s11 =	spop (v2sf)  }
0x8d: {  	s10 =	sadd.s32 s10, s11  }
0x8e: {  	s10 =	smul.u32 $0x6000, s10;
	_ =	sdelay $0x1  }
0x8f: {  	s10 =	sshra.s32 s10, $0x2  }
0x90: {  	s10 =	sadd.s32 s10, s2  }
0x91: {  	s30 =	rddreg [dreg:$0xb];
	s10 =	sshrl.u32 s10, $0x3  }
0x92: {  	[hbm:s30@s7], [sflag:s9] =	dma.strided [spmem:s10@s7], $0xC0, s6, $0x10   }
0x93: {  	(v2sf) =	vpush v0, $0xD  }
0x94: {  	(v2sf) =	vpush v1, $0xC;
	_ =	sdelay $0xd  }
0x95: {  	s10 =	spop (v2sf)  }
0x96: {  	s11 =	spop (v2sf)  }
0x97: {  	s10 =	sadd.s32 s10, s11  }
0x98: {  	s10 =	smul.u32 $0x6000, s10;
	_ =	sdelay $0x1  }
0x99: {  	s10 =	sshra.s32 s10, $0x2  }
0x9a: {  	s10 =	sadd.s32 s10, s2  }
0x9b: {  	s31 =	rddreg [dreg:$0xc];
	s10 =	sshrl.u32 s10, $0x3  }
0x9c: {  	[hbm:s31@s7], [sflag:s9] =	dma.strided [spmem:s10@s7], $0xC0, s6, $0x10   }
0x9d: {  	(v2sf) =	vpush v1, $0xE  }
0x9e: {  	(v2sf) =	vpush v0, $0xF;
	_ =	sdelay $0xd  }
0x9f: {  	s10 =	spop (v2sf)  }
0xa0: {  	s11 =	spop (v2sf)  }
0xa1: {  	s10 =	sadd.s32 s11, s10  }
0xa2: {  	s10 =	smul.u32 $0x6000, s10;
	_ =	sdelay $0x1  }
0xa3: {  	s10 =	sshra.s32 s10, $0x2  }
0xa4: {  	s10 =	sadd.s32 s10, s2  }
0xa5: {  	s12 =	rddreg [dreg:$0xd];
	s10 =	sshrl.u32 s10, $0x3  }
0xa6: {  	[hbm:s12@s7], [sflag:s9] =	dma.strided [spmem:s10@s7], $0xC0, s6, $0x10   }
0xa7: {  	v50 =	vld [tilespmem:$0x2590];
	_ =	sdelay $0x4  }
0xa8: {  	v51 =	vmul.u32 $0x5, v50  }
0xa9: {  	(v2sf) =	vpush v50, $0x1  }
0xaa: {  	(v2sf) =	vpush v51, $0x0;
	_ =	sdelay $0xd  }
0xab: {  	s10 =	spop (v2sf)  }
0xac: {  	s11 =	spop (v2sf)  }
0xad: {  	s10 =	sadd.s32 s10, s11  }
0xae: {  	s10 =	smul.u32 $0x6000, s10;
	_ =	sdelay $0x1  }
0xaf: {  	s10 =	sshra.s32 s10, $0x2  }
0xb0: {  	s10 =	sadd.s32 s10, s2  }
0xb1: {  	s13 =	rddreg [dreg:$0xe];
	s10 =	sshrl.u32 s10, $0x3  }
0xb2: {  	[hbm:s13@s7], [sflag:s9] =	dma.strided [spmem:s10@s7], $0xC0, s6, $0x10   }
0xb3: {  	(v2sf) =	vpush v50, $0x3  }
0xb4: {  	(v2sf) =	vpush v51, $0x2;
	_ =	sdelay $0xd  }
0xb5: {  	s10 =	spop (v2sf)  }
0xb6: {  	s11 =	spop (v2sf)  }
0xb7: {  	s10 =	sadd.s32 s10, s11  }
0xb8: {  	s10 =	smul.u32 $0x6000, s10;
	_ =	sdelay $0x1  }
0xb9: {  	s10 =	sshra.s32 s10, $0x2  }
0xba: {  	s10 =	sadd.s32 s10, s2  }
0xbb: {  	s14 =	rddreg [dreg:$0xf];
	s10 =	sshrl.u32 s10, $0x3  }
0xbc: {  	[hbm:s14@s7], [sflag:s9] =	dma.strided [spmem:s10@s7], $0xC0, s6, $0x10   }
0xbd: {  	(v2sf) =	vpush v50, $0x5  }
0xbe: {  	(v2sf) =	vpush v51, $0x4;
	_ =	sdelay $0xd  }
0xbf: {  	s10 =	spop (v2sf)  }
0xc0: {  	s11 =	spop (v2sf)  }
0xc1: {  	s10 =	sadd.s32 s10, s11  }
0xc2: {  	s10 =	smul.u32 $0x6000, s10;
	_ =	sdelay $0x1  }
0xc3: {  	s10 =	sshra.s32 s10, $0x2  }
0xc4: {  	s10 =	sadd.s32 s10, s2  }
0xc5: {  	s15 =	rddreg [dreg:$0x10];
	s10 =	sshrl.u32 s10, $0x3  }
0xc6: {  	[hbm:s15@s7], [sflag:s9] =	dma.strided [spmem:s10@s7], $0xC0, s6, $0x10   }
0xc7: {  	(v2sf) =	vpush v50, $0x7  }
0xc8: {  	(v2sf) =	vpush v51, $0x6;
	_ =	sdelay $0xd  }
0xc9: {  	s10 =	spop (v2sf)  }
0xca: {  	s11 =	spop (v2sf)  }
0xcb: {  	s10 =	sadd.s32 s10, s11  }
0xcc: {  	s10 =	smul.u32 $0x6000, s10;
	_ =	sdelay $0x1  }
0xcd: {  	s10 =	sshra.s32 s10, $0x2  }
0xce: {  	s10 =	sadd.s32 s10, s2  }
0xcf: {  	s16 =	rddreg [dreg:$0x11];
	s10 =	sshrl.u32 s10, $0x3  }
0xd0: {  	[hbm:s16@s7], [sflag:s9] =	dma.strided [spmem:s10@s7], $0xC0, s6, $0x10   }
0xd1: {  	(v2sf) =	vpush v50, $0x9  }
0xd2: {  	(v2sf) =	vpush v51, $0x8;
	_ =	sdelay $0xd  }
0xd3: {  	s10 =	spop (v2sf)  }
0xd4: {  	s11 =	spop (v2sf)  }
0xd5: {  	s10 =	sadd.s32 s10, s11  }
0xd6: {  	s10 =	smul.u32 $0x6000, s10;
	_ =	sdelay $0x1  }
0xd7: {  	s10 =	sshra.s32 s10, $0x2  }
0xd8: {  	s10 =	sadd.s32 s10, s2  }
0xd9: {  	s17 =	rddreg [dreg:$0x12];
	s10 =	sshrl.u32 s10, $0x3  }
0xda: {  	[hbm:s17@s7], [sflag:s9] =	dma.strided [spmem:s10@s7], $0xC0, s6, $0x10   }
0xdb: {  	(v2sf) =	vpush v50, $0xB  }
0xdc: {  	(v2sf) =	vpush v51, $0xA;
	_ =	sdelay $0xd  }
0xdd: {  	s10 =	spop (v2sf)  }
0xde: {  	s11 =	spop (v2sf)  }
0xdf: {  	s10 =	sadd.s32 s10, s11  }
0xe0: {  	s10 =	smul.u32 $0x6000, s10;
	_ =	sdelay $0x1  }
0xe1: {  	s10 =	sshra.s32 s10, $0x2  }
0xe2: {  	s10 =	sadd.s32 s10, s2  }
0xe3: {  	s18 =	rddreg [dreg:$0x13];
	s10 =	sshrl.u32 s10, $0x3  }
0xe4: {  	[hbm:s18@s7], [sflag:s9] =	dma.strided [spmem:s10@s7], $0xC0, s6, $0x10   }
0xe5: {  	(v2sf) =	vpush v50, $0xD  }
0xe6: {  	(v2sf) =	vpush v51, $0xC;
	_ =	sdelay $0xd  }
0xe7: {  	s10 =	spop (v2sf)  }
0xe8: {  	s11 =	spop (v2sf)  }
0xe9: {  	s10 =	sadd.s32 s10, s11  }
0xea: {  	s10 =	smul.u32 $0x6000, s10;
	_ =	sdelay $0x1  }
0xeb: {  	s10 =	sshra.s32 s10, $0x2  }
0xec: {  	s10 =	sadd.s32 s10, s2  }
0xed: {  	s19 =	rddreg [dreg:$0x14];
	s10 =	sshrl.u32 s10, $0x3  }
0xee: {  	[hbm:s19@s7], [sflag:s9] =	dma.strided [spmem:s10@s7], $0xC0, s6, $0x10   }
0xef: {  	(v2sf) =	vpush v51, $0xE  }
0xf0: {  	(v2sf) =	vpush v50, $0xF;
	_ =	sdelay $0xd  }
0xf1: {  	s10 =	spop (v2sf)  }
0xf2: {  	s11 =	spop (v2sf)  }
0xf3: {  	s10 =	sadd.s32 s11, s10  }
0xf4: {  	s10 =	smul.u32 $0x6000, s10;
	_ =	sdelay $0x1  }
0xf5: {  	s10 =	sshra.s32 s10, $0x2  }
0xf6: {  	s10 =	sadd.s32 s10, s2  }
0xf7: {  	s20 =	rddreg [dreg:$0x15];
	s10 =	sshrl.u32 s10, $0x3  }
0xf8: {  	[hbm:s20@s7], [sflag:s9] =	dma.strided [spmem:s10@s7], $0xC0, s6, $0x10   }
0xf9: {  	v52 =	vld [tilespmem:$0x25A0];
	_ =	sdelay $0x4  }
0xfa: {  	v53 =	vmul.u32 $0x5, v52  }
0xfb: {  	(v2sf) =	vpush v52, $0x1  }
0xfc: {  	(v2sf) =	vpush v53, $0x0;
	_ =	sdelay $0xd  }
0xfd: {  	s10 =	spop (v2sf)  }
0xfe: {  	s11 =	spop (v2sf)  }
0xff: {  	s10 =	sadd.s32 s10, s11  }
0x100: {  	s10 =	smul.u32 $0x6000, s10;
	_ =	sdelay $0x1  }
0x101: {  	s10 =	sshra.s32 s10, $0x2  }
0x102: {  	s10 =	sadd.s32 s10, s2  }
0x103: {  	s21 =	rddreg [dreg:$0x16];
	s10 =	sshrl.u32 s10, $0x3  }
0x104: {  	[hbm:s21@s7], [sflag:s9] =	dma.strided [spmem:s10@s7], $0xC0, s6, $0x10   }
0x105: {  	(v2sf) =	vpush v52, $0x3  }
0x106: {  	(v2sf) =	vpush v53, $0x2;
	_ =	sdelay $0xd  }
0x107: {  	s10 =	spop (v2sf)  }
0x108: {  	s11 =	spop (v2sf)  }
0x109: {  	s10 =	sadd.s32 s10, s11  }
0x10a: {  	s10 =	smul.u32 $0x6000, s10;
	_ =	sdelay $0x1  }
0x10b: {  	s10 =	sshra.s32 s10, $0x2  }
0x10c: {  	s10 =	sadd.s32 s10, s2  }
0x10d: {  	s22 =	rddreg [dreg:$0x17];
	s10 =	sshrl.u32 s10, $0x3  }
0x10e: {  	[hbm:s22@s7], [sflag:s9] =	dma.strided [spmem:s10@s7], $0xC0, s6, $0x10   }
0x10f: {  	(v2sf) =	vpush v52, $0x5  }
0x110: {  	(v2sf) =	vpush v53, $0x4;
	_ =	sdelay $0xd  }
0x111: {  	s10 =	spop (v2sf)  }
0x112: {  	s11 =	spop (v2sf)  }
0x113: {  	s10 =	sadd.s32 s10, s11  }
0x114: {  	s10 =	smul.u32 $0x6000, s10;
	_ =	sdelay $0x1  }
0x115: {  	s10 =	sshra.s32 s10, $0x2  }
0x116: {  	s10 =	sadd.s32 s10, s2  }
0x117: {  	s23 =	rddreg [dreg:$0x18];
	s10 =	sshrl.u32 s10, $0x3  }
0x118: {  	[hbm:s23@s7], [sflag:s9] =	dma.strided [spmem:s10@s7], $0xC0, s6, $0x10   }
0x119: {  	(v2sf) =	vpush v52, $0x7  }
0x11a: {  	(v2sf) =	vpush v53, $0x6;
	_ =	sdelay $0xd  }
0x11b: {  	s10 =	spop (v2sf)  }
0x11c: {  	s11 =	spop (v2sf)  }
0x11d: {  	s10 =	sadd.s32 s10, s11  }
0x11e: {  	s10 =	smul.u32 $0x6000, s10;
	_ =	sdelay $0x1  }
0x11f: {  	s10 =	sshra.s32 s10, $0x2  }
0x120: {  	s10 =	sadd.s32 s10, s2  }
0x121: {  	s24 =	rddreg [dreg:$0x19];
	s10 =	sshrl.u32 s10, $0x3  }
0x122: {  	[hbm:s24@s7], [sflag:s9] =	dma.strided [spmem:s10@s7], $0xC0, s6, $0x10   }
0x123: {  	(v2sf) =	vpush v52, $0x9  }
0x124: {  	(v2sf) =	vpush v53, $0x8;
	_ =	sdelay $0xd  }
0x125: {  	s10 =	spop (v2sf)  }
0x126: {  	s11 =	spop (v2sf)  }
0x127: {  	s10 =	sadd.s32 s10, s11  }
0x128: {  	s10 =	smul.u32 $0x6000, s10;
	_ =	sdelay $0x1  }
0x129: {  	s10 =	sshra.s32 s10, $0x2  }
0x12a: {  	s10 =	sadd.s32 s10, s2  }
0x12b: {  	s25 =	rddreg [dreg:$0x1a];
	s10 =	sshrl.u32 s10, $0x3  }
0x12c: {  	[hbm:s25@s7], [sflag:s9] =	dma.strided [spmem:s10@s7], $0xC0, s6, $0x10   }
0x12d: {  	(v2sf) =	vpush v52, $0xB  }
0x12e: {  	(v2sf) =	vpush v53, $0xA;
	_ =	sdelay $0xd  }
0x12f: {  	s10 =	spop (v2sf)  }
0x130: {  	s11 =	spop (v2sf)  }
0x131: {  	s10 =	sadd.s32 s10, s11  }
0x132: {  	s10 =	smul.u32 $0x6000, s10;
	_ =	sdelay $0x1  }
0x133: {  	s10 =	sshra.s32 s10, $0x2  }
0x134: {  	s10 =	sadd.s32 s10, s2  }
0x135: {  	s26 =	rddreg [dreg:$0x1b];
	s10 =	sshrl.u32 s10, $0x3  }
0x136: {  	[hbm:s26@s7], [sflag:s9] =	dma.strided [spmem:s10@s7], $0xC0, s6, $0x10   }
0x137: {  	(v2sf) =	vpush v52, $0xD  }
0x138: {  	(v2sf) =	vpush v53, $0xC;
	_ =	sdelay $0xd  }
0x139: {  	s10 =	spop (v2sf)  }
0x13a: {  	s11 =	spop (v2sf)  }
0x13b: {  	s10 =	sadd.s32 s10, s11  }
0x13c: {  	s10 =	smul.u32 $0x6000, s10;
	_ =	sdelay $0x1  }
0x13d: {  	s10 =	sshra.s32 s10, $0x2  }
0x13e: {  	s10 =	sadd.s32 s10, s2  }
0x13f: {  	s28 =	rddreg [dreg:$0x1c];
	s10 =	sshrl.u32 s10, $0x3  }
0x140: {  	[hbm:s28@s7], [sflag:s9] =	dma.strided [spmem:s10@s7], $0xC0, s6, $0x10   }
0x141: {  	(v2sf) =	vpush v53, $0xE  }
0x142: {  	(v2sf) =	vpush v52, $0xF;
	_ =	sdelay $0xd  }
0x143: {  	s10 =	spop (v2sf)  }
0x144: {  	s11 =	spop (v2sf)  }
0x145: {  	s10 =	sadd.s32 s11, s10  }
0x146: {  	s10 =	smul.u32 $0x6000, s10;
	_ =	sdelay $0x1  }
0x147: {  	s10 =	sshra.s32 s10, $0x2  }
0x148: {  	s10 =	sadd.s32 s10, s2  }
0x149: {  	s29 =	rddreg [dreg:$0x1d];
	s10 =	sshrl.u32 s10, $0x3  }
0x14a: {  	[hbm:s29@s7], [sflag:s9] =	dma.strided [spmem:s10@s7], $0xC0, s6, $0x10   }
0x14b: {  	v54 =	vld [tilespmem:$0x25B0];
	_ =	sdelay $0x4  }
0x14c: {  	v55 =	vmul.u32 $0x5, v54  }
0x14d: {  	(v2sf) =	vpush v54, $0x1  }
0x14e: {  	(v2sf) =	vpush v55, $0x0;
	_ =	sdelay $0xd  }
0x14f: {  	s10 =	spop (v2sf)  }
0x150: {  	s11 =	spop (v2sf)  }
0x151: {  	s10 =	sadd.s32 s10, s11  }
0x152: {  	s10 =	smul.u32 $0x6000, s10;
	_ =	sdelay $0x1  }
0x153: {  	s10 =	sshra.s32 s10, $0x2  }
0x154: {  	s10 =	sadd.s32 s10, s2  }
0x155: {  	s30 =	rddreg [dreg:$0x1e];
	s10 =	sshrl.u32 s10, $0x3  }
0x156: {  	[hbm:s30@s7], [sflag:s9] =	dma.strided [spmem:s10@s7], $0xC0, s6, $0x10   }
0x157: {  	(v2sf) =	vpush v54, $0x3  }
0x158: {  	(v2sf) =	vpush v55, $0x2;
	_ =	sdelay $0xd  }
0x159: {  	s10 =	spop (v2sf)  }
0x15a: {  	s11 =	spop (v2sf)  }
0x15b: {  	s10 =	sadd.s32 s10, s11  }
0x15c: {  	s10 =	smul.u32 $0x6000, s10;
	_ =	sdelay $0x1  }
0x15d: {  	s10 =	sshra.s32 s10, $0x2  }
0x15e: {  	s10 =	sadd.s32 s10, s2  }
0x15f: {  	s31 =	rddreg [dreg:$0x1f];
	s10 =	sshrl.u32 s10, $0x3  }
0x160: {  	[hbm:s31@s7], [sflag:s9] =	dma.strided [spmem:s10@s7], $0xC0, s6, $0x10   }
0x161: {  	(v2sf) =	vpush v54, $0x5  }
0x162: {  	(v2sf) =	vpush v55, $0x4;
	_ =	sdelay $0xd  }
0x163: {  	s10 =	spop (v2sf)  }
0x164: {  	s11 =	spop (v2sf)  }
0x165: {  	s10 =	sadd.s32 s10, s11  }
0x166: {  	s10 =	smul.u32 $0x6000, s10;
	_ =	sdelay $0x1  }
0x167: {  	s12 =	sld [smem:$0x7D7];
	s10 =	sshra.s32 s10, $0x2  }
0x168: {  	s10 =	sadd.s32 s10, s2  }
0x169: {  	s10 =	sshrl.u32 s10, $0x3  }
0x16a: {  	[hbm:s12@s7], [sflag:s9] =	dma.strided [spmem:s10@s7], $0xC0, s6, $0x10   }
0x16b: {  	(v2sf) =	vpush v54, $0x7  }
0x16c: {  	(v2sf) =	vpush v55, $0x6;
	_ =	sdelay $0xd  }
0x16d: {  	s10 =	spop (v2sf)  }
0x16e: {  	s11 =	spop (v2sf)  }
0x16f: {  	s10 =	sadd.s32 s10, s11  }
0x170: {  	s10 =	smul.u32 $0x6000, s10;
	_ =	sdelay $0x1  }
0x171: {  	s13 =	sld [smem:$0x7D8];
	s10 =	sshra.s32 s10, $0x2  }
0x172: {  	s10 =	sadd.s32 s10, s2  }
0x173: {  	s10 =	sshrl.u32 s10, $0x3  }
0x174: {  	[hbm:s13@s7], [sflag:s9] =	dma.strided [spmem:s10@s7], $0xC0, s6, $0x10   }
0x175: {  	(v2sf) =	vpush v54, $0x9  }
0x176: {  	(v2sf) =	vpush v55, $0x8;
	_ =	sdelay $0xd  }
0x177: {  	s10 =	spop (v2sf)  }
0x178: {  	s11 =	spop (v2sf)  }
0x179: {  	s10 =	sadd.s32 s10, s11  }
0x17a: {  	s10 =	smul.u32 $0x6000, s10;
	_ =	sdelay $0x1  }
0x17b: {  	s14 =	sld [smem:$0x7D9];
	s10 =	sshra.s32 s10, $0x2  }
0x17c: {  	s10 =	sadd.s32 s10, s2  }
0x17d: {  	s10 =	sshrl.u32 s10, $0x3  }
0x17e: {  	[hbm:s14@s7], [sflag:s9] =	dma.strided [spmem:s10@s7], $0xC0, s6, $0x10   }
0x17f: {  	(v2sf) =	vpush v54, $0xB  }
0x180: {  	(v2sf) =	vpush v55, $0xA;
	_ =	sdelay $0xd  }
0x181: {  	s10 =	spop (v2sf)  }
0x182: {  	s11 =	spop (v2sf)  }
0x183: {  	s10 =	sadd.s32 s10, s11  }
0x184: {  	s10 =	smul.u32 $0x6000, s10;
	_ =	sdelay $0x1  }
0x185: {  	s15 =	sld [smem:$0x7DA];
	s10 =	sshra.s32 s10, $0x2  }
0x186: {  	s10 =	sadd.s32 s10, s2  }
0x187: {  	s10 =	sshrl.u32 s10, $0x3  }
0x188: {  	[hbm:s15@s7], [sflag:s9] =	dma.strided [spmem:s10@s7], $0xC0, s6, $0x10   }
0x189: {  	(v2sf) =	vpush v54, $0xD  }
0x18a: {  	(v2sf) =	vpush v55, $0xC;
	_ =	sdelay $0xd  }
0x18b: {  	s10 =	spop (v2sf)  }
0x18c: {  	s11 =	spop (v2sf)  }
0x18d: {  	s10 =	sadd.s32 s10, s11  }
0x18e: {  	s10 =	smul.u32 $0x6000, s10;
	_ =	sdelay $0x1  }
0x18f: {  	s16 =	sld [smem:$0x7DB];
	s10 =	sshra.s32 s10, $0x2  }
0x190: {  	s10 =	sadd.s32 s10, s2  }
0x191: {  	s10 =	sshrl.u32 s10, $0x3  }
0x192: {  	[hbm:s16@s7], [sflag:s9] =	dma.strided [spmem:s10@s7], $0xC0, s6, $0x10   }
0x193: {  	(v2sf) =	vpush v55, $0xE  }
0x194: {  	(v2sf) =	vpush v54, $0xF;
	_ =	sdelay $0xd  }
0x195: {  	s10 =	spop (v2sf)  }
0x196: {  	s11 =	spop (v2sf)  }
0x197: {  	s10 =	sadd.s32 s11, s10  }
0x198: {  	s10 =	smul.u32 $0x6000, s10;
	_ =	sdelay $0x1  }
0x199: {  	s17 =	sld [smem:$0x7DC];
	s10 =	sshra.s32 s10, $0x2  }
0x19a: {  	s10 =	sadd.s32 s10, s2  }
0x19b: {  	s10 =	sshrl.u32 s10, $0x3  }
0x19c: {  	[hbm:s17@s7], [sflag:s9] =	dma.strided [spmem:s10@s7], $0xC0, s6, $0x10   }
0x19d: {  	v56 =	vld [tilespmem:$0x25C0];
	_ =	sdelay $0x4  }
0x19e: {  	v57 =	vmul.u32 $0x5, v56  }
0x19f: {  	(v2sf) =	vpush v56, $0x1  }
0x1a0: {  	(v2sf) =	vpush v57, $0x0;
	_ =	sdelay $0xd  }
0x1a1: {  	s10 =	spop (v2sf)  }
0x1a2: {  	s11 =	spop (v2sf)  }
0x1a3: {  	s10 =	sadd.s32 s10, s11  }
0x1a4: {  	s10 =	smul.u32 $0x6000, s10;
	_ =	sdelay $0x1  }
0x1a5: {  	s18 =	sld [smem:$0x7DD];
	s10 =	sshra.s32 s10, $0x2  }
0x1a6: {  	s10 =	sadd.s32 s10, s2  }
0x1a7: {  	s10 =	sshrl.u32 s10, $0x3  }
0x1a8: {  	[hbm:s18@s7], [sflag:s9] =	dma.strided [spmem:s10@s7], $0xC0, s6, $0x10   }
0x1a9: {  	(v2sf) =	vpush v56, $0x3  }
0x1aa: {  	(v2sf) =	vpush v57, $0x2;
	_ =	sdelay $0xd  }
0x1ab: {  	s10 =	spop (v2sf)  }
0x1ac: {  	s11 =	spop (v2sf)  }
0x1ad: {  	s10 =	sadd.s32 s10, s11  }
0x1ae: {  	s10 =	smul.u32 $0x6000, s10;
	_ =	sdelay $0x1  }
0x1af: {  	s19 =	sld [smem:$0x7DE];
	s10 =	sshra.s32 s10, $0x2  }
0x1b0: {  	s10 =	sadd.s32 s10, s2  }
0x1b1: {  	s10 =	sshrl.u32 s10, $0x3  }
0x1b2: {  	[hbm:s19@s7], [sflag:s9] =	dma.strided [spmem:s10@s7], $0xC0, s6, $0x10   }
0x1b3: {  	(v2sf) =	vpush v56, $0x5  }
0x1b4: {  	(v2sf) =	vpush v57, $0x4;
	_ =	sdelay $0xd  }
0x1b5: {  	s10 =	spop (v2sf)  }
0x1b6: {  	s11 =	spop (v2sf)  }
0x1b7: {  	s10 =	sadd.s32 s10, s11  }
0x1b8: {  	s10 =	smul.u32 $0x6000, s10;
	_ =	sdelay $0x1  }
0x1b9: {  	s20 =	sld [smem:$0x7DF];
	s10 =	sshra.s32 s10, $0x2  }
0x1ba: {  	s10 =	sadd.s32 s10, s2  }
0x1bb: {  	s10 =	sshrl.u32 s10, $0x3  }
0x1bc: {  	[hbm:s20@s7], [sflag:s9] =	dma.strided [spmem:s10@s7], $0xC0, s6, $0x10   }
0x1bd: {  	(v2sf) =	vpush v56, $0x7  }
0x1be: {  	(v2sf) =	vpush v57, $0x6;
	_ =	sdelay $0xd  }
0x1bf: {  	s10 =	spop (v2sf)  }
0x1c0: {  	s11 =	spop (v2sf)  }
0x1c1: {  	s10 =	sadd.s32 s10, s11  }
0x1c2: {  	s10 =	smul.u32 $0x6000, s10;
	_ =	sdelay $0x1  }
0x1c3: {  	s21 =	sld [smem:$0x7E0];
	s10 =	sshra.s32 s10, $0x2  }
0x1c4: {  	s10 =	sadd.s32 s10, s2  }
0x1c5: {  	s10 =	sshrl.u32 s10, $0x3  }
0x1c6: {  	[hbm:s21@s7], [sflag:s9] =	dma.strided [spmem:s10@s7], $0xC0, s6, $0x10   }
0x1c7: {  	(v2sf) =	vpush v56, $0x9  }
0x1c8: {  	(v2sf) =	vpush v57, $0x8;
	_ =	sdelay $0xd  }
0x1c9: {  	s10 =	spop (v2sf)  }
0x1ca: {  	s11 =	spop (v2sf)  }
0x1cb: {  	s10 =	sadd.s32 s10, s11  }
0x1cc: {  	s10 =	smul.u32 $0x6000, s10;
	_ =	sdelay $0x1  }
0x1cd: {  	s22 =	sld [smem:$0x7E1];
	s10 =	sshra.s32 s10, $0x2  }
0x1ce: {  	s10 =	sadd.s32 s10, s2  }
0x1cf: {  	s10 =	sshrl.u32 s10, $0x3  }
0x1d0: {  	[hbm:s22@s7], [sflag:s9] =	dma.strided [spmem:s10@s7], $0xC0, s6, $0x10   }
0x1d1: {  	(v2sf) =	vpush v56, $0xB  }
0x1d2: {  	(v2sf) =	vpush v57, $0xA;
	_ =	sdelay $0xd  }
0x1d3: {  	s10 =	spop (v2sf)  }
0x1d4: {  	s11 =	spop (v2sf)  }
0x1d5: {  	s10 =	sadd.s32 s10, s11  }
0x1d6: {  	s10 =	smul.u32 $0x6000, s10;
	_ =	sdelay $0x1  }
0x1d7: {  	s23 =	sld [smem:$0x7E2];
	s10 =	sshra.s32 s10, $0x2  }
0x1d8: {  	s10 =	sadd.s32 s10, s2  }
0x1d9: {  	s10 =	sshrl.u32 s10, $0x3  }
0x1da: {  	[hbm:s23@s7], [sflag:s9] =	dma.strided [spmem:s10@s7], $0xC0, s6, $0x10   }
0x1db: {  	(v2sf) =	vpush v56, $0xD  }
0x1dc: {  	(v2sf) =	vpush v57, $0xC;
	_ =	sdelay $0xd  }
0x1dd: {  	s10 =	spop (v2sf)  }
0x1de: {  	s11 =	spop (v2sf)  }
0x1df: {  	s10 =	sadd.s32 s10, s11  }
0x1e0: {  	s10 =	smul.u32 $0x6000, s10;
	_ =	sdelay $0x1  }
0x1e1: {  	s24 =	sld [smem:$0x7E3];
	s10 =	sshra.s32 s10, $0x2  }
0x1e2: {  	s10 =	sadd.s32 s10, s2  }
0x1e3: {  	s10 =	sshrl.u32 s10, $0x3  }
0x1e4: {  	[hbm:s24@s7], [sflag:s9] =	dma.strided [spmem:s10@s7], $0xC0, s6, $0x10   }
0x1e5: {  	(v2sf) =	vpush v57, $0xE  }
0x1e6: {  	(v2sf) =	vpush v56, $0xF;
	_ =	sdelay $0xd  }
0x1e7: {  	s10 =	spop (v2sf)  }
0x1e8: {  	s11 =	spop (v2sf)  }
0x1e9: {  	s10 =	sadd.s32 s11, s10  }
0x1ea: {  	s10 =	smul.u32 $0x6000, s10;
	_ =	sdelay $0x1  }
0x1eb: {  	s25 =	sld [smem:$0x7E4];
	s10 =	sshra.s32 s10, $0x2  }
0x1ec: {  	s10 =	sadd.s32 s10, s2  }
0x1ed: {  	s10 =	sshrl.u32 s10, $0x3  }
0x1ee: {  	[hbm:s25@s7], [sflag:s9] =	dma.strided [spmem:s10@s7], $0xC0, s6, $0x10   }
0x1ef: {  	v58 =	vld [tilespmem:$0x25D0];
	_ =	sdelay $0x4  }
0x1f0: {  	v59 =	vmul.u32 $0x5, v58  }
0x1f1: {  	(v2sf) =	vpush v58, $0x1  }
0x1f2: {  	(v2sf) =	vpush v59, $0x0;
	_ =	sdelay $0xd  }
0x1f3: {  	s10 =	spop (v2sf)  }
0x1f4: {  	s11 =	spop (v2sf)  }
0x1f5: {  	s10 =	sadd.s32 s10, s11  }
0x1f6: {  	s10 =	smul.u32 $0x6000, s10;
	_ =	sdelay $0x1  }
0x1f7: {  	s26 =	sld [smem:$0x7E5];
	s10 =	sshra.s32 s10, $0x2  }
0x1f8: {  	s10 =	sadd.s32 s10, s2  }
0x1f9: {  	s10 =	sshrl.u32 s10, $0x3  }
0x1fa: {  	[hbm:s26@s7], [sflag:s9] =	dma.strided [spmem:s10@s7], $0xC0, s6, $0x10   }
0x1fb: {  	(v2sf) =	vpush v58, $0x3  }
0x1fc: {  	(v2sf) =	vpush v59, $0x2;
	_ =	sdelay $0xd  }
0x1fd: {  	s10 =	spop (v2sf)  }
0x1fe: {  	s11 =	spop (v2sf)  }
0x1ff: {  	s10 =	sadd.s32 s10, s11  }
0x200: {  	s10 =	smul.u32 $0x6000, s10;
	_ =	sdelay $0x1  }
0x201: {  	s28 =	sld [smem:$0x7E6];
	s10 =	sshra.s32 s10, $0x2  }
0x202: {  	s10 =	sadd.s32 s10, s2  }
0x203: {  	s10 =	sshrl.u32 s10, $0x3  }
0x204: {  	[hbm:s28@s7], [sflag:s9] =	dma.strided [spmem:s10@s7], $0xC0, s6, $0x10   }
0x205: {  	(v2sf) =	vpush v58, $0x5  }
0x206: {  	(v2sf) =	vpush v59, $0x4;
	_ =	sdelay $0xd  }
0x207: {  	s10 =	spop (v2sf)  }
0x208: {  	s11 =	spop (v2sf)  }
0x209: {  	s10 =	sadd.s32 s10, s11  }
0x20a: {  	s10 =	smul.u32 $0x6000, s10;
	_ =	sdelay $0x1  }
0x20b: {  	s29 =	sld [smem:$0x7E7];
	s10 =	sshra.s32 s10, $0x2  }
0x20c: {  	s10 =	sadd.s32 s10, s2  }
0x20d: {  	s10 =	sshrl.u32 s10, $0x3  }
0x20e: {  	[hbm:s29@s7], [sflag:s9] =	dma.strided [spmem:s10@s7], $0xC0, s6, $0x10   }
0x20f: {  	(v2sf) =	vpush v58, $0x7  }
0x210: {  	(v2sf) =	vpush v59, $0x6;
	_ =	sdelay $0xd  }
0x211: {  	s10 =	spop (v2sf)  }
0x212: {  	s11 =	spop (v2sf)  }
0x213: {  	s10 =	sadd.s32 s10, s11  }
0x214: {  	s10 =	smul.u32 $0x6000, s10;
	_ =	sdelay $0x1  }
0x215: {  	s30 =	sld [smem:$0x7E8];
	s10 =	sshra.s32 s10, $0x2  }
0x216: {  	s10 =	sadd.s32 s10, s2  }
0x217: {  	s10 =	sshrl.u32 s10, $0x3  }
0x218: {  	[hbm:s30@s7], [sflag:s9] =	dma.strided [spmem:s10@s7], $0xC0, s6, $0x10   }
0x219: {  	(v2sf) =	vpush v58, $0x9  }
0x21a: {  	(v2sf) =	vpush v59, $0x8;
	_ =	sdelay $0xd  }
0x21b: {  	s10 =	spop (v2sf)  }
0x21c: {  	s11 =	spop (v2sf)  }
0x21d: {  	s10 =	sadd.s32 s10, s11  }
0x21e: {  	s10 =	smul.u32 $0x6000, s10;
	_ =	sdelay $0x1  }
0x21f: {  	s31 =	sld [smem:$0x7E9];
	s10 =	sshra.s32 s10, $0x2  }
0x220: {  	s10 =	sadd.s32 s10, s2  }
0x221: {  	s10 =	sshrl.u32 s10, $0x3  }
0x222: {  	[hbm:s31@s7], [sflag:s9] =	dma.strided [spmem:s10@s7], $0xC0, s6, $0x10   }
0x223: {  	(v2sf) =	vpush v58, $0xB  }
0x224: {  	(v2sf) =	vpush v59, $0xA;
	_ =	sdelay $0xd  }
0x225: {  	s10 =	spop (v2sf)  }
0x226: {  	s11 =	spop (v2sf)  }
0x227: {  	s10 =	sadd.s32 s10, s11  }
0x228: {  	s10 =	smul.u32 $0x6000, s10;
	_ =	sdelay $0x1  }
0x229: {  	s12 =	sld [smem:$0x7EA];
	s10 =	sshra.s32 s10, $0x2  }
0x22a: {  	s10 =	sadd.s32 s10, s2  }
0x22b: {  	s10 =	sshrl.u32 s10, $0x3  }
0x22c: {  	[hbm:s12@s7], [sflag:s9] =	dma.strided [spmem:s10@s7], $0xC0, s6, $0x10   }
0x22d: {  	(v2sf) =	vpush v58, $0xD  }
0x22e: {  	(v2sf) =	vpush v59, $0xC;
	_ =	sdelay $0xd  }
0x22f: {  	s10 =	spop (v2sf)  }
0x230: {  	s11 =	spop (v2sf)  }
0x231: {  	s10 =	sadd.s32 s10, s11  }
0x232: {  	s10 =	smul.u32 $0x6000, s10;
	_ =	sdelay $0x1  }
0x233: {  	s13 =	sld [smem:$0x7EB];
	s10 =	sshra.s32 s10, $0x2  }
0x234: {  	s10 =	sadd.s32 s10, s2  }
0x235: {  	s10 =	sshrl.u32 s10, $0x3  }
0x236: {  	[hbm:s13@s7], [sflag:s9] =	dma.strided [spmem:s10@s7], $0xC0, s6, $0x10   }
0x237: {  	(v2sf) =	vpush v59, $0xE  }
0x238: {  	(v2sf) =	vpush v58, $0xF;
	_ =	sdelay $0xd  }
0x239: {  	s10 =	spop (v2sf)  }
0x23a: {  	s11 =	spop (v2sf)  }
0x23b: {  	s10 =	sadd.s32 s11, s10  }
0x23c: {  	s10 =	smul.u32 $0x6000, s10;
	_ =	sdelay $0x1  }
0x23d: {  	s14 =	sld [smem:$0x7EC];
	s10 =	sshra.s32 s10, $0x2  }
0x23e: {  	s10 =	sadd.s32 s10, s2  }
0x23f: {  	s10 =	sshrl.u32 s10, $0x3  }
0x240: {  	[hbm:s14@s7], [sflag:s9] =	dma.strided [spmem:s10@s7], $0xC0, s6, $0x10   }
0x241: {  	v60 =	vld [tilespmem:$0x25E0];
	_ =	sdelay $0x4  }
0x242: {  	v61 =	vmul.u32 $0x5, v60  }
0x243: {  	(v2sf) =	vpush v60, $0x1  }
0x244: {  	(v2sf) =	vpush v61, $0x0;
	_ =	sdelay $0xd  }
0x245: {  	s10 =	spop (v2sf)  }
0x246: {  	s11 =	spop (v2sf)  }
0x247: {  	s10 =	sadd.s32 s10, s11  }
0x248: {  	s10 =	smul.u32 $0x6000, s10;
	_ =	sdelay $0x1  }
0x249: {  	s15 =	sld [smem:$0x7ED];
	s10 =	sshra.s32 s10, $0x2  }
0x24a: {  	s10 =	sadd.s32 s10, s2  }
0x24b: {  	s10 =	sshrl.u32 s10, $0x3  }
0x24c: {  	[hbm:s15@s7], [sflag:s9] =	dma.strided [spmem:s10@s7], $0xC0, s6, $0x10   }
0x24d: {  	(v2sf) =	vpush v60, $0x3  }
0x24e: {  	(v2sf) =	vpush v61, $0x2;
	_ =	sdelay $0xd  }
0x24f: {  	s10 =	spop (v2sf)  }
0x250: {  	s11 =	spop (v2sf)  }
0x251: {  	s10 =	sadd.s32 s10, s11  }
0x252: {  	s10 =	smul.u32 $0x6000, s10;
	_ =	sdelay $0x1  }
0x253: {  	s16 =	sld [smem:$0x7EE];
	s10 =	sshra.s32 s10, $0x2  }
0x254: {  	s10 =	sadd.s32 s10, s2  }
0x255: {  	s10 =	sshrl.u32 s10, $0x3  }
0x256: {  	[hbm:s16@s7], [sflag:s9] =	dma.strided [spmem:s10@s7], $0xC0, s6, $0x10   }
0x257: {  	(v2sf) =	vpush v60, $0x5  }
0x258: {  	(v2sf) =	vpush v61, $0x4;
	_ =	sdelay $0xd  }
0x259: {  	s10 =	spop (v2sf)  }
0x25a: {  	s11 =	spop (v2sf)  }
0x25b: {  	s10 =	sadd.s32 s10, s11  }
0x25c: {  	s10 =	smul.u32 $0x6000, s10;
	_ =	sdelay $0x1  }
0x25d: {  	s17 =	sld [smem:$0x7EF];
	s10 =	sshra.s32 s10, $0x2  }
0x25e: {  	s10 =	sadd.s32 s10, s2  }
0x25f: {  	s10 =	sshrl.u32 s10, $0x3  }
0x260: {  	[hbm:s17@s7], [sflag:s9] =	dma.strided [spmem:s10@s7], $0xC0, s6, $0x10   }
0x261: {  	(v2sf) =	vpush v60, $0x7  }
0x262: {  	(v2sf) =	vpush v61, $0x6;
	_ =	sdelay $0xd  }
0x263: {  	s10 =	spop (v2sf)  }
0x264: {  	s11 =	spop (v2sf)  }
0x265: {  	s10 =	sadd.s32 s10, s11  }
0x266: {  	s10 =	smul.u32 $0x6000, s10;
	_ =	sdelay $0x1  }
0x267: {  	s18 =	sld [smem:$0x7F0];
	s10 =	sshra.s32 s10, $0x2  }
0x268: {  	s10 =	sadd.s32 s10, s2  }
0x269: {  	s10 =	sshrl.u32 s10, $0x3  }
0x26a: {  	[hbm:s18@s7], [sflag:s9] =	dma.strided [spmem:s10@s7], $0xC0, s6, $0x10   }
0x26b: {  	(v2sf) =	vpush v60, $0x9  }
0x26c: {  	(v2sf) =	vpush v61, $0x8;
	_ =	sdelay $0xd  }
0x26d: {  	s10 =	spop (v2sf)  }
0x26e: {  	s11 =	spop (v2sf)  }
0x26f: {  	s10 =	sadd.s32 s10, s11  }
0x270: {  	s10 =	smul.u32 $0x6000, s10;
	_ =	sdelay $0x1  }
0x271: {  	s19 =	sld [smem:$0x7F1];
	s10 =	sshra.s32 s10, $0x2  }
0x272: {  	s10 =	sadd.s32 s10, s2  }
0x273: {  	s10 =	sshrl.u32 s10, $0x3  }
0x274: {  	[hbm:s19@s7], [sflag:s9] =	dma.strided [spmem:s10@s7], $0xC0, s6, $0x10   }
0x275: {  	(v2sf) =	vpush v60, $0xB  }
0x276: {  	(v2sf) =	vpush v61, $0xA;
	_ =	sdelay $0xd  }
0x277: {  	s10 =	spop (v2sf)  }
0x278: {  	s11 =	spop (v2sf)  }
0x279: {  	s10 =	sadd.s32 s10, s11  }
0x27a: {  	s10 =	smul.u32 $0x6000, s10;
	_ =	sdelay $0x1  }
0x27b: {  	s20 =	sld [smem:$0x7F2];
	s10 =	sshra.s32 s10, $0x2  }
0x27c: {  	s10 =	sadd.s32 s10, s2  }
0x27d: {  	s10 =	sshrl.u32 s10, $0x3  }
0x27e: {  	[hbm:s20@s7], [sflag:s9] =	dma.strided [spmem:s10@s7], $0xC0, s6, $0x10   }
0x27f: {  	(v2sf) =	vpush v60, $0xD  }
0x280: {  	(v2sf) =	vpush v61, $0xC;
	_ =	sdelay $0xd  }
0x281: {  	s10 =	spop (v2sf)  }
0x282: {  	s11 =	spop (v2sf)  }
0x283: {  	s10 =	sadd.s32 s10, s11  }
0x284: {  	s10 =	smul.u32 $0x6000, s10;
	_ =	sdelay $0x1  }
0x285: {  	s21 =	sld [smem:$0x7F3];
	s10 =	sshra.s32 s10, $0x2  }
0x286: {  	s10 =	sadd.s32 s10, s2  }
0x287: {  	s10 =	sshrl.u32 s10, $0x3  }
0x288: {  	[hbm:s21@s7], [sflag:s9] =	dma.strided [spmem:s10@s7], $0xC0, s6, $0x10   }
0x289: {  	(v2sf) =	vpush v61, $0xE  }
0x28a: {  	(v2sf) =	vpush v60, $0xF;
	_ =	sdelay $0xd  }
0x28b: {  	s10 =	spop (v2sf)  }
0x28c: {  	s11 =	spop (v2sf)  }
0x28d: {  	s10 =	sadd.s32 s11, s10  }
0x28e: {  	s10 =	smul.u32 $0x6000, s10;
	_ =	sdelay $0x1  }
0x28f: {  	s22 =	sld [smem:$0x7F4];
	s10 =	sshra.s32 s10, $0x2  }
0x290: {  	s10 =	sadd.s32 s10, s2  }
0x291: {  	s10 =	sshrl.u32 s10, $0x3  }
0x292: {  	[hbm:s22@s7], [sflag:s9] =	dma.strided [spmem:s10@s7], $0xC0, s6, $0x10   }
0x293: {  	v62 =	vld [tilespmem:$0x25F0];
	_ =	sdelay $0x4  }
0x294: {  	v63 =	vmul.u32 $0x5, v62  }
0x295: {  	(v2sf) =	vpush v62, $0x1  }
0x296: {  	(v2sf) =	vpush v63, $0x0;
	_ =	sdelay $0xd  }
0x297: {  	s10 =	spop (v2sf)  }
0x298: {  	s11 =	spop (v2sf)  }
0x299: {  	s10 =	sadd.s32 s10, s11  }
0x29a: {  	s10 =	smul.u32 $0x6000, s10;
	_ =	sdelay $0x1  }
0x29b: {  	s23 =	sld [smem:$0x7F5];
	s10 =	sshra.s32 s10, $0x2  }
0x29c: {  	s10 =	sadd.s32 s10, s2  }
0x29d: {  	s10 =	sshrl.u32 s10, $0x3  }
0x29e: {  	[hbm:s23@s7], [sflag:s9] =	dma.strided [spmem:s10@s7], $0xC0, s6, $0x10   }
0x29f: {  	(v2sf) =	vpush v62, $0x3  }
0x2a0: {  	(v2sf) =	vpush v63, $0x2;
	_ =	sdelay $0xd  }
0x2a1: {  	s10 =	spop (v2sf)  }
0x2a2: {  	s11 =	spop (v2sf)  }
0x2a3: {  	s10 =	sadd.s32 s10, s11  }
0x2a4: {  	s10 =	smul.u32 $0x6000, s10;
	_ =	sdelay $0x1  }
0x2a5: {  	s24 =	sld [smem:$0x7F6];
	s10 =	sshra.s32 s10, $0x2  }
0x2a6: {  	s10 =	sadd.s32 s10, s2  }
0x2a7: {  	s10 =	sshrl.u32 s10, $0x3  }
0x2a8: {  	[hbm:s24@s7], [sflag:s9] =	dma.strided [spmem:s10@s7], $0xC0, s6, $0x10   }
0x2a9: {  	(v2sf) =	vpush v62, $0x5  }
0x2aa: {  	(v2sf) =	vpush v63, $0x4;
	_ =	sdelay $0xd  }
0x2ab: {  	s10 =	spop (v2sf)  }
0x2ac: {  	s11 =	spop (v2sf)  }
0x2ad: {  	s10 =	sadd.s32 s10, s11  }
0x2ae: {  	s10 =	smul.u32 $0x6000, s10;
	_ =	sdelay $0x1  }
0x2af: {  	s25 =	sld [smem:$0x7F7];
	s10 =	sshra.s32 s10, $0x2  }
0x2b0: {  	s10 =	sadd.s32 s10, s2  }
0x2b1: {  	s10 =	sshrl.u32 s10, $0x3  }
0x2b2: {  	[hbm:s25@s7], [sflag:s9] =	dma.strided [spmem:s10@s7], $0xC0, s6, $0x10   }
0x2b3: {  	(v2sf) =	vpush v62, $0x7  }
0x2b4: {  	(v2sf) =	vpush v63, $0x6;
	_ =	sdelay $0xd  }
0x2b5: {  	s10 =	spop (v2sf)  }
0x2b6: {  	s11 =	spop (v2sf)  }
0x2b7: {  	s10 =	sadd.s32 s10, s11  }
0x2b8: {  	s10 =	smul.u32 $0x6000, s10;
	_ =	sdelay $0x1  }
0x2b9: {  	s26 =	sld [smem:$0x7F8];
	s10 =	sshra.s32 s10, $0x2  }
0x2ba: {  	s10 =	sadd.s32 s10, s2  }
0x2bb: {  	s10 =	sshrl.u32 s10, $0x3  }
0x2bc: {  	[hbm:s26@s7], [sflag:s9] =	dma.strided [spmem:s10@s7], $0xC0, s6, $0x10   }
0x2bd: {  	(v2sf) =	vpush v62, $0x9  }
0x2be: {  	(v2sf) =	vpush v63, $0x8;
	_ =	sdelay $0xd  }
0x2bf: {  	s10 =	spop (v2sf)  }
0x2c0: {  	s11 =	spop (v2sf)  }
0x2c1: {  	s10 =	sadd.s32 s10, s11  }
0x2c2: {  	s10 =	smul.u32 $0x6000, s10;
	_ =	sdelay $0x1  }
0x2c3: {  	s28 =	sld [smem:$0x7F9];
	s10 =	sshra.s32 s10, $0x2  }
0x2c4: {  	s10 =	sadd.s32 s10, s2  }
0x2c5: {  	s10 =	sshrl.u32 s10, $0x3  }
0x2c6: {  	[hbm:s28@s7], [sflag:s9] =	dma.strided [spmem:s10@s7], $0xC0, s6, $0x10   }
0x2c7: {  	(v2sf) =	vpush v62, $0xB  }
0x2c8: {  	(v2sf) =	vpush v63, $0xA;
	_ =	sdelay $0xd  }
0x2c9: {  	s10 =	spop (v2sf)  }
0x2ca: {  	s11 =	spop (v2sf)  }
0x2cb: {  	s10 =	sadd.s32 s10, s11  }
0x2cc: {  	s10 =	smul.u32 $0x6000, s10;
	_ =	sdelay $0x1  }
0x2cd: {  	s29 =	sld [smem:$0x7FA];
	s10 =	sshra.s32 s10, $0x2  }
0x2ce: {  	s10 =	sadd.s32 s10, s2  }
0x2cf: {  	s10 =	sshrl.u32 s10, $0x3  }
0x2d0: {  	[hbm:s29@s7], [sflag:s9] =	dma.strided [spmem:s10@s7], $0xC0, s6, $0x10   }
0x2d1: {  	(v2sf) =	vpush v62, $0xD  }
0x2d2: {  	(v2sf) =	vpush v63, $0xC;
	_ =	sdelay $0xd  }
0x2d3: {  	s10 =	spop (v2sf)  }
0x2d4: {  	s11 =	spop (v2sf)  }
0x2d5: {  	s10 =	sadd.s32 s10, s11  }
0x2d6: {  	s10 =	smul.u32 $0x6000, s10;
	_ =	sdelay $0x1  }
0x2d7: {  	s30 =	sld [smem:$0x7FB];
	s10 =	sshra.s32 s10, $0x2  }
0x2d8: {  	s10 =	sadd.s32 s10, s2  }
0x2d9: {  	s10 =	sshrl.u32 s10, $0x3  }
0x2da: {  	[hbm:s30@s7], [sflag:s9] =	dma.strided [spmem:s10@s7], $0xC0, s6, $0x10   }
0x2db: {  	(v2sf) =	vpush v63, $0xE  }
0x2dc: {  	(v2sf) =	vpush v62, $0xF;
	_ =	sdelay $0xd  }
0x2dd: {  	s10 =	spop (v2sf)  }
0x2de: {  	s11 =	spop (v2sf)  }
0x2df: {  	s10 =	sadd.s32 s11, s10  }
0x2e0: {  	s10 =	smul.u32 $0x6000, s10;
	_ =	sdelay $0x1  }
0x2e1: {  	s31 =	sld [smem:$0x7FC];
	s10 =	sshra.s32 s10, $0x2  }
0x2e2: {  	s10 =	sadd.s32 s10, s2  }
0x2e3: {  	s10 =	sshrl.u32 s10, $0x3  }
0x2e4: {  	[hbm:s31@s7], [sflag:s9] =	dma.strided [spmem:s10@s7], $0xC0, s6, $0x10   }
0x2e5: {  	_ =	swait.ge [sflag:s8], $0xC0  }
0x2e6: {  	[sflag:s8] =	ssyncset.done $0x0  }
0x2e7: {  	[sflag:s8] =	ssyncadd.s32 $0xFFFFFF40  }
0x2e8: {  	_ =	swait.ge [sflag:s8], $0xC0  }
0x2e9: {  	[sflag:s8] =	ssyncset.done $0x0  }
0x2ea: {  	[sflag:s8] =	ssyncadd.s32 $0xFFFFFF40  }
0x2eb: {  	_ =	swait.ge [sflag:s8], $0xC0  }
0x2ec: {  	[sflag:s8] =	ssyncset.done $0x0  }
0x2ed: {  	[sflag:s8] =	ssyncadd.s32 $0xFFFFFF40  }
0x2ee: {  	_ =	swait.ge [sflag:s8], $0xC0  }
0x2ef: {  	[sflag:s8] =	ssyncset.done $0x0  }
0x2f0: {  	[sflag:s8] =	ssyncadd.s32 $0xFFFFFF40  }
0x2f1: {  	_ =	swait.ge [sflag:s8], $0xC0  }
0x2f2: {  	[sflag:s8] =	ssyncset.done $0x0  }
0x2f3: {  	[sflag:s8] =	ssyncadd.s32 $0xFFFFFF40  }
0x2f4: {  	_ =	swait.ge [sflag:s8], $0xC0  }
0x2f5: {  	[sflag:s8] =	ssyncset.done $0x0  }
0x2f6: {  	[sflag:s8] =	ssyncadd.s32 $0xFFFFFF40  }
0x2f7: {  	_ =	swait.ge [sflag:s8], $0xC0  }
0x2f8: {  	[sflag:s8] =	ssyncset.done $0x0  }
0x2f9: {  	[sflag:s8] =	ssyncadd.s32 $0xFFFFFF40  }
0x2fa: {  	_ =	swait.ge [sflag:s8], $0xC0  }
0x2fb: {  	[sflag:s8] =	ssyncset.done $0x0  }
0x2fc: {  	[sflag:s8] =	ssyncadd.s32 $0xFFFFFF40  }
0x2fd: {  	_ =	swait.ge [sflag:s8], $0xC0  }
0x2fe: {  	[sflag:s8] =	ssyncset.done $0x0  }
0x2ff: {  	[sflag:s8] =	ssyncadd.s32 $0xFFFFFF40  }
0x300: {  	_ =	swait.ge [sflag:s8], $0xC0  }
0x301: {  	[sflag:s8] =	ssyncset.done $0x0  }
0x302: {  	[sflag:s8] =	ssyncadd.s32 $0xFFFFFF40  }
0x303: {  	_ =	swait.ge [sflag:s8], $0xC0  }
0x304: {  	[sflag:s8] =	ssyncset.done $0x0  }
0x305: {  	[sflag:s8] =	ssyncadd.s32 $0xFFFFFF40  }
0x306: {  	_ =	swait.ge [sflag:s8], $0xC0  }
0x307: {  	[sflag:s8] =	ssyncset.done $0x0  }
0x308: {  	[sflag:s8] =	ssyncadd.s32 $0xFFFFFF40  }
0x309: {  	_ =	swait.ge [sflag:s8], $0xC0  }
0x30a: {  	[sflag:s8] =	ssyncset.done $0x0  }
0x30b: {  	[sflag:s8] =	ssyncadd.s32 $0xFFFFFF40  }
0x30c: {  	_ =	swait.ge [sflag:s8], $0xC0  }
0x30d: {  	[sflag:s8] =	ssyncset.done $0x0  }
0x30e: {  	[sflag:s8] =	ssyncadd.s32 $0xFFFFFF40  }
0x30f: {  	_ =	swait.ge [sflag:s8], $0xC0  }
0x310: {  	[sflag:s8] =	ssyncset.done $0x0  }
0x311: {  	[sflag:s8] =	ssyncadd.s32 $0xFFFFFF40  }
0x312: {  	_ =	swait.ge [sflag:s8], $0xC0  }
0x313: {  	[sflag:s8] =	ssyncset.done $0x0  }
0x314: {  	[sflag:s8] =	ssyncadd.s32 $0xFFFFFF40  }
0x315: {  	_ =	swait.ge [sflag:s8], $0xC0  }
0x316: {  	[sflag:s8] =	ssyncset.done $0x0  }
0x317: {  	[sflag:s8] =	ssyncadd.s32 $0xFFFFFF40  }
0x318: {  	_ =	swait.ge [sflag:s8], $0xC0  }
0x319: {  	[sflag:s8] =	ssyncset.done $0x0  }
0x31a: {  	[sflag:s8] =	ssyncadd.s32 $0xFFFFFF40  }
0x31b: {  	_ =	swait.ge [sflag:s8], $0xC0  }
0x31c: {  	[sflag:s8] =	ssyncset.done $0x0  }
0x31d: {  	[sflag:s8] =	ssyncadd.s32 $0xFFFFFF40  }
0x31e: {  	_ =	swait.ge [sflag:s8], $0xC0  }
0x31f: {  	[sflag:s8] =	ssyncset.done $0x0  }
0x320: {  	[sflag:s8] =	ssyncadd.s32 $0xFFFFFF40  }
0x321: {  	_ =	swait.ge [sflag:s8], $0xC0  }
0x322: {  	[sflag:s8] =	ssyncset.done $0x0  }
0x323: {  	[sflag:s8] =	ssyncadd.s32 $0xFFFFFF40  }
0x324: {  	_ =	swait.ge [sflag:s8], $0xC0  }
0x325: {  	[sflag:s8] =	ssyncset.done $0x0  }
0x326: {  	[sflag:s8] =	ssyncadd.s32 $0xFFFFFF40  }
0x327: {  	_ =	swait.ge [sflag:s8], $0xC0  }
0x328: {  	[sflag:s8] =	ssyncset.done $0x0  }
0x329: {  	[sflag:s8] =	ssyncadd.s32 $0xFFFFFF40  }
0x32a: {  	_ =	swait.ge [sflag:s8], $0xC0  }
0x32b: {  	[sflag:s8] =	ssyncset.done $0x0  }
0x32c: {  	[sflag:s8] =	ssyncadd.s32 $0xFFFFFF40  }
0x32d: {  	_ =	swait.ge [sflag:s8], $0xC0  }
0x32e: {  	[sflag:s8] =	ssyncset.done $0x0  }
0x32f: {  	[sflag:s8] =	ssyncadd.s32 $0xFFFFFF40  }
0x330: {  	_ =	swait.ge [sflag:s8], $0xC0  }
0x331: {  	[sflag:s8] =	ssyncset.done $0x0  }
0x332: {  	[sflag:s8] =	ssyncadd.s32 $0xFFFFFF40  }
0x333: {  	_ =	swait.ge [sflag:s8], $0xC0  }
0x334: {  	[sflag:s8] =	ssyncset.done $0x0  }
0x335: {  	[sflag:s8] =	ssyncadd.s32 $0xFFFFFF40  }
0x336: {  	_ =	swait.ge [sflag:s8], $0xC0  }
0x337: {  	[sflag:s8] =	ssyncset.done $0x0  }
0x338: {  	[sflag:s8] =	ssyncadd.s32 $0xFFFFFF40  }
0x339: {  	_ =	swait.ge [sflag:s8], $0xC0  }
0x33a: {  	[sflag:s8] =	ssyncset.done $0x0  }
0x33b: {  	[sflag:s8] =	ssyncadd.s32 $0xFFFFFF40  }
0x33c: {  	_ =	swait.ge [sflag:s8], $0xC0  }
0x33d: {  	[sflag:s8] =	ssyncset.done $0x0  }
0x33e: {  	[sflag:s8] =	ssyncadd.s32 $0xFFFFFF40  }
0x33f: {  	_ =	swait.ge [sflag:s8], $0xC0  }
0x340: {  	[sflag:s8] =	ssyncset.done $0x0  }
0x341: {  	[sflag:s8] =	ssyncadd.s32 $0xFFFFFF40  }
0x342: {  	_ =	swait.ge [sflag:s8], $0xC0  }
0x343: {  	[sflag:s8] =	ssyncset.done $0x0  }
0x344: {  	[sflag:s8] =	ssyncadd.s32 $0xFFFFFF40  }
0x345: {  	_ =	swait.ge [sflag:s8], $0xC0  }
0x346: {  	[sflag:s8] =	ssyncset.done $0x0  }
0x347: {  	[sflag:s8] =	ssyncadd.s32 $0xFFFFFF40  }
0x348: {  	_ =	swait.ge [sflag:s8], $0xC0  }
0x349: {  	[sflag:s8] =	ssyncset.done $0x0  }
0x34a: {  	[sflag:s8] =	ssyncadd.s32 $0xFFFFFF40  }
0x34b: {  	_ =	swait.ge [sflag:s8], $0xC0  }
0x34c: {  	[sflag:s8] =	ssyncset.done $0x0  }
0x34d: {  	[sflag:s8] =	ssyncadd.s32 $0xFFFFFF40  }
0x34e: {  	_ =	swait.ge [sflag:s8], $0xC0  }
0x34f: {  	[sflag:s8] =	ssyncset.done $0x0  }
0x350: {  	[sflag:s8] =	ssyncadd.s32 $0xFFFFFF40  }
0x351: {  	_ =	swait.ge [sflag:s8], $0xC0  }
0x352: {  	[sflag:s8] =	ssyncset.done $0x0  }
0x353: {  	[sflag:s8] =	ssyncadd.s32 $0xFFFFFF40  }
0x354: {  	_ =	swait.ge [sflag:s8], $0xC0  }
0x355: {  	[sflag:s8] =	ssyncset.done $0x0  }
0x356: {  	[sflag:s8] =	ssyncadd.s32 $0xFFFFFF40  }
0x357: {  	_ =	swait.ge [sflag:s8], $0xC0  }
0x358: {  	[sflag:s8] =	ssyncset.done $0x0  }
0x359: {  	[sflag:s8] =	ssyncadd.s32 $0xFFFFFF40  }
0x35a: {  	_ =	swait.ge [sflag:s8], $0xC0  }
0x35b: {  	[sflag:s8] =	ssyncset.done $0x0  }
0x35c: {  	[sflag:s8] =	ssyncadd.s32 $0xFFFFFF40  }
0x35d: {  	_ =	swait.ge [sflag:s8], $0xC0  }
0x35e: {  	[sflag:s8] =	ssyncset.done $0x0  }
0x35f: {  	[sflag:s8] =	ssyncadd.s32 $0xFFFFFF40  }
0x360: {  	_ =	swait.ge [sflag:s8], $0xC0  }
0x361: {  	[sflag:s8] =	ssyncset.done $0x0  }
0x362: {  	[sflag:s8] =	ssyncadd.s32 $0xFFFFFF40  }
0x363: {  	_ =	swait.ge [sflag:s8], $0xC0  }
0x364: {  	[sflag:s8] =	ssyncset.done $0x0  }
0x365: {  	[sflag:s8] =	ssyncadd.s32 $0xFFFFFF40  }
0x366: {  	_ =	swait.ge [sflag:s8], $0xC0  }
0x367: {  	[sflag:s8] =	ssyncset.done $0x0  }
0x368: {  	[sflag:s8] =	ssyncadd.s32 $0xFFFFFF40  }
0x369: {  	_ =	swait.ge [sflag:s8], $0xC0  }
0x36a: {  	[sflag:s8] =	ssyncset.done $0x0  }
0x36b: {  	[sflag:s8] =	ssyncadd.s32 $0xFFFFFF40  }
0x36c: {  	_ =	swait.ge [sflag:s8], $0xC0  }
0x36d: {  	[sflag:s8] =	ssyncset.done $0x0  }
0x36e: {  	[sflag:s8] =	ssyncadd.s32 $0xFFFFFF40  }
0x36f: {  	_ =	swait.ge [sflag:s8], $0xC0  }
0x370: {  	[sflag:s8] =	ssyncset.done $0x0  }
0x371: {  	[sflag:s8] =	ssyncadd.s32 $0xFFFFFF40  }
0x372: {  	_ =	swait.ge [sflag:s8], $0xC0  }
0x373: {  	[sflag:s8] =	ssyncset.done $0x0  }
0x374: {  	[sflag:s8] =	ssyncadd.s32 $0xFFFFFF40  }
0x375: {  	_ =	swait.ge [sflag:s8], $0xC0  }
0x376: {  	[sflag:s8] =	ssyncset.done $0x0  }
0x377: {  	[sflag:s8] =	ssyncadd.s32 $0xFFFFFF40  }
0x378: {  	_ =	swait.ge [sflag:s8], $0xC0  }
0x379: {  	[sflag:s8] =	ssyncset.done $0x0  }
0x37a: {  	[sflag:s8] =	ssyncadd.s32 $0xFFFFFF40  }
0x37b: {  	_ =	swait.ge [sflag:s8], $0xC0  }
0x37c: {  	[sflag:s8] =	ssyncset.done $0x0  }
0x37d: {  	[sflag:s8] =	ssyncadd.s32 $0xFFFFFF40  }
0x37e: {  	_ =	swait.ge [sflag:s8], $0xC0  }
0x37f: {  	[sflag:s8] =	ssyncset.done $0x0  }
0x380: {  	[sflag:s8] =	ssyncadd.s32 $0xFFFFFF40  }
0x381: {  	_ =	swait.ge [sflag:s8], $0xC0  }
0x382: {  	[sflag:s8] =	ssyncset.done $0x0  }
0x383: {  	[sflag:s8] =	ssyncadd.s32 $0xFFFFFF40  }
0x384: {  	_ =	swait.ge [sflag:s8], $0xC0  }
0x385: {  	[sflag:s8] =	ssyncset.done $0x0  }
0x386: {  	[sflag:s8] =	ssyncadd.s32 $0xFFFFFF40  }
0x387: {  	_ =	swait.ge [sflag:s8], $0xC0  }
0x388: {  	[sflag:s8] =	ssyncset.done $0x0  }
0x389: {  	[sflag:s8] =	ssyncadd.s32 $0xFFFFFF40  }
0x38a: {  	_ =	swait.ge [sflag:s8], $0xC0  }
0x38b: {  	[sflag:s8] =	ssyncset.done $0x0  }
0x38c: {  	[sflag:s8] =	ssyncadd.s32 $0xFFFFFF40  }
0x38d: {  	_ =	swait.ge [sflag:s8], $0xC0  }
0x38e: {  	[sflag:s8] =	ssyncset.done $0x0  }
0x38f: {  	[sflag:s8] =	ssyncadd.s32 $0xFFFFFF40  }
0x390: {  	_ =	swait.ge [sflag:s8], $0xC0  }
0x391: {  	[sflag:s8] =	ssyncset.done $0x0  }
0x392: {  	[sflag:s8] =	ssyncadd.s32 $0xFFFFFF40  }
0x393: {  	_ =	swait.ge [sflag:s8], $0xC0  }
0x394: {  	[sflag:s8] =	ssyncset.done $0x0  }
0x395: {  	[sflag:s8] =	ssyncadd.s32 $0xFFFFFF40  }
0x396: {  	_ =	swait.ge [sflag:s8], $0xC0  }
0x397: {  	[sflag:s8] =	ssyncset.done $0x0  }
0x398: {  	[sflag:s8] =	ssyncadd.s32 $0xFFFFFF40  }
0x399: {  	_ =	swait.ge [sflag:s8], $0xC0  }
0x39a: {  	[sflag:s8] =	ssyncset.done $0x0  }
0x39b: {  	[sflag:s8] =	ssyncadd.s32 $0xFFFFFF40  }
0x39c: {  	_ =	swait.ge [sflag:s8], $0xC0  }
0x39d: {  	[sflag:s8] =	ssyncset.done $0x0  }
0x39e: {  	s5 =	sadd.s32 $0xFFFFFFFF, s5;
	[sflag:s8] =	ssyncadd.s32 $0xFFFFFF40  }
0x39f: {  	p1 =	sne.s32 s5, $0x0;
	_ =	swait.ge [sflag:s8], $0xC0  }
.Ltmp0:
0x3a0: {  	[sflag:s8] =	ssyncset.done $0x0;
	(pc) =	sbr.rel @p1 .LBB2_1-.Ltmp0, $4  }
0x3a1: {  	[sflag:s8] =	ssyncadd.s32 $0xFFFFFF40  }
0x3a2: {  	_ =	swait.ge [sflag:s8], $0xC0  }
0x3a3: {  	[sflag:s8] =	ssyncset.done $0x0  }
0x3a4: {  	[sflag:s8] =	ssyncadd.s32 $0xFFFFFF40  }
0x3a5: {  	_ =	sfence.sel $0x180000  }
0x3a6: {  	[bflag:$0x0] =	sbarrier.arrive $0xFFFF  }
0x3a7: {  	_ =	strace $0x90000047  }
0x3a8: {  	s0 =	sadd.s32 @!p0 $0x100000, s0;
	[bflag:$0x2] =	sbarrier.arrive $0xFFFF  }
0x3a9: {  	[sflag:s0] =	ssyncadd.tile.s32 @!p0 $0x1;
	_ =	shalt  }
.Lfunc_end2:
_tile_overlayer_lowered:
.L_overlay_start_2:
0x3aa: {  	(tag) =	ssettag $0x2  }
0x3ab: {  	s0 =	rddreg [dreg:$0x0];
	s2 =	stileid.u32  }
0x3ac: {  	s1 =	rddreg [dreg:$0x1];
	p0 =	sne.s32 s2, $0x0  }
0x3ad: {  	s3 =	rddreg [dreg:$0x2];
	[bflag:$0x3] =	sbarrier.arrive $0xFFFF;
	s2 =	simm.s32 @!p0 $0x1C02  }
0x3ae: {  	[timem:s3], [sflag:s2] =	dma.local @!p0 [hbm:s0], s1  }
0x3af: {  	s0 =	simm.s32 @!p0 $0x2  }
0x3b0: {  	_ =	swait.ge @!p0 [sflag:s0], s1  }
0x3b1: {  	s1 =	ssub.s32 @!p0 $0x0, s1;
	[sflag:s0] =	ssyncset.done @!p0 $0x0  }
0x3b2: {  	[sflag:s0] =	ssyncadd.s32 @!p0 s1  }
0x3b3: {  	[bflag:$0x3] =	sbarrier.arrive $0xFFFF  }
0x3b4: {  	_ =	shalt  }

</sc_bundles>
